<compile_context>
chip_gen: v7x
topology: tpu7x:2x2x1
jax: 0.10.2.dev20260603
libtpu: 0.0.44.dev20260713+nightly
codegen_flags: <defaults>
</compile_context>

<pallas_src>
import functools

import jax
import jax.numpy as jnp
from jax import lax
from jax.experimental import pallas as pl
from jax.experimental.pallas import tpu as pltpu
from jax.experimental.pallas import tpu_sc as plsc

N = 10000
E = 320000
D_IN = 128
D_HID = 128
D_OUT = 16
D_DEG = 16
DH2 = D_HID // 2

NC, NS = 2, 16
NW = NC * NS
EPW = E // NW
CHUNK = 80
NCH = EPW // CHUNK
CHUNK2 = 80
NCH2 = (E // NS) // CHUNK2
N_PAD = 10240
ROWS_PER_TILE = N_PAD // NS
FCHUNK = 128
FLUSH = ROWS_PER_TILE // FCHUNK
NBUF = 5

_MESH = plsc.VectorSubcoreMesh(
    core_axis_name="c", subcore_axis_name="s", num_cores=NC, num_subcores=NS
)


def _fill(buf, rows, d, value):
    vec = jnp.full((16,), value, jnp.float32)

    def row(r, carry):
        for j in range(d // 16):
            buf[r, pl.ds(j * 16, 16)] = vec
        return carry

    lax.fori_loop(0, rows, row, 0)


def _zero_acc(fbuf, acc, sid):
    for t in range(FLUSH):
        rows = pl.ds(sid * ROWS_PER_TILE + t * FCHUNK, FCHUNK)
        pltpu.sync_copy(fbuf, acc.at[rows])


def _flush_acc(fbuf, acc, out_plane, sid):
    for t in range(FLUSH):
        rows = pl.ds(sid * ROWS_PER_TILE + t * FCHUNK, FCHUNK)
        pltpu.sync_copy(acc.at[rows], fbuf)
        pltpu.sync_copy(fbuf, out_plane.at[rows])


def _prop_body(table, src_idx, dst_idx, out, src_v, dst_v, gb0, gb1, gb2, gb3,
               gb4, fbuf, acc, sm0, sm1, sm2, sm3, sm4, *, d, col_split, nch):
    cid = lax.axis_index("c")
    sid = lax.axis_index("s")
    wid = cid * NS + sid
    gb = [gb0, gb1, gb2, gb3, gb4]
    sm = [sm0, sm1, sm2, sm3, sm4]

    _fill(fbuf, FCHUNK, d, 0.0)
    _zero_acc(fbuf, acc, sid)
    pltpu.sync_copy(src_idx.at[wid], src_v)
    if col_split:
        pltpu.sync_copy(dst_idx.at[sid], dst_v)
    else:
        pltpu.sync_copy(dst_idx.at[wid], dst_v)
    plsc.subcore_barrier()

    def gslice(j):
        return table.at[src_v.at[j]]

    for b in range(NBUF - 1):
        pltpu.async_copy(gslice(b), gb[b], sm[b])

    def grp(q, carry):
        for b in range(NBUF):
            j = NBUF * q + b
            pltpu.make_async_copy(gslice(j), gb[b], sm[b]).wait()
            jn = jnp.minimum(j + NBUF - 1, nch - 1)
            bn = (b + NBUF - 1) % NBUF
            pltpu.async_copy(gslice(jn), gb[bn], sm[bn])
            pltpu.sync_copy(gb[b], acc.at[dst_v.at[j]], add=True)
        return carry

    lax.fori_loop(0, nch // NBUF, grp, 0)
    for b in range(NBUF - 1):
        pltpu.make_async_copy(gslice(nch - 1), gb[b], sm[b]).wait()

    plsc.subcore_barrier()
    _flush_acc(fbuf, acc, out.at[cid], sid)


def _make_prop(d, col_split, nch, chunk):
    return pl.kernel(
        functools.partial(_prop_body, d=d, col_split=col_split, nch=nch),
        out_type=jax.ShapeDtypeStruct((NC, N_PAD, d), jnp.float32),
        mesh=_MESH,
        scratch_types=[
            pltpu.VMEM((nch, chunk), jnp.int32),
            pltpu.VMEM((nch, chunk), jnp.int32),
        ]
        + [pltpu.VMEM((chunk, d), jnp.float32) for _ in range(NBUF)]
        + [
            pltpu.VMEM((FCHUNK, d), jnp.float32),
            pltpu.VMEM_SHARED((N_PAD, d), jnp.float32),
        ]
        + [pltpu.SemaphoreType.DMA for _ in range(NBUF)],
        compiler_params=pltpu.CompilerParams(use_tc_tiling_on_sc=False),
    )


_hid_kernel = _make_prop(DH2, col_split=True, nch=NCH2, chunk=CHUNK2)


def _prop_staged_body(table, src_idx, dst_idx, out, src_v, dst_v, gb0, gb1,
                      gb2, gb3, gb4, fbuf, acc, tbl, sm0, sm1, sm2, sm3, sm4,
                      *, d, nch):
    cid = lax.axis_index("c")
    sid = lax.axis_index("s")
    wid = cid * NS + sid
    gb = [gb0, gb1, gb2, gb3, gb4]
    sm = [sm0, sm1, sm2, sm3, sm4]

    _fill(fbuf, FCHUNK, d, 0.0)
    _zero_acc(fbuf, acc, sid)
    for t in range(FLUSH):
        rows = pl.ds(sid * ROWS_PER_TILE + t * FCHUNK, FCHUNK)
        pltpu.sync_copy(table.at[rows], tbl.at[rows])
    pltpu.sync_copy(src_idx.at[wid], src_v)
    pltpu.sync_copy(dst_idx.at[wid], dst_v)
    plsc.subcore_barrier()

    def gslice(j):
        return tbl.at[src_v.at[j]]

    for b in range(NBUF - 1):
        pltpu.async_copy(gslice(b), gb[b], sm[b])

    def grp(q, carry):
        for b in range(NBUF):
            j = NBUF * q + b
            pltpu.make_async_copy(gslice(j), gb[b], sm[b]).wait()
            jn = jnp.minimum(j + NBUF - 1, nch - 1)
            bn = (b + NBUF - 1) % NBUF
            pltpu.async_copy(gslice(jn), gb[bn], sm[bn])
            pltpu.sync_copy(gb[b], acc.at[dst_v.at[j]], add=True)
        return carry

    lax.fori_loop(0, nch // NBUF, grp, 0)
    for b in range(NBUF - 1):
        pltpu.make_async_copy(gslice(nch - 1), gb[b], sm[b]).wait()

    plsc.subcore_barrier()
    _flush_acc(fbuf, acc, out.at[cid], sid)


_out_prop_kernel = pl.kernel(
    functools.partial(_prop_staged_body, d=D_OUT, nch=NCH),
    out_type=jax.ShapeDtypeStruct((NC, N_PAD, D_OUT), jnp.float32),
    mesh=_MESH,
    scratch_types=[
        pltpu.VMEM((NCH, CHUNK), jnp.int32),
        pltpu.VMEM((NCH, CHUNK), jnp.int32),
    ]
    + [pltpu.VMEM((CHUNK, D_OUT), jnp.float32) for _ in range(NBUF)]
    + [
        pltpu.VMEM((FCHUNK, D_OUT), jnp.float32),
        pltpu.VMEM_SHARED((N_PAD, D_OUT), jnp.float32),
        pltpu.VMEM_SHARED((N_PAD, D_OUT), jnp.float32),
    ]
    + [pltpu.SemaphoreType.DMA for _ in range(NBUF)],
    compiler_params=pltpu.CompilerParams(use_tc_tiling_on_sc=False),
)


def _deg_body(dst_idx, out, dst_v, zbuf, obuf, acc):
    cid = lax.axis_index("c")
    sid = lax.axis_index("s")
    wid = cid * NS + sid

    _fill(zbuf, FCHUNK, D_DEG, 0.0)
    _fill(obuf, CHUNK, D_DEG, 1.0)
    _zero_acc(zbuf, acc, sid)
    pltpu.sync_copy(dst_idx.at[wid], dst_v)
    plsc.subcore_barrier()

    def step(j, carry):
        pltpu.sync_copy(obuf, acc.at[dst_v.at[j]], add=True)
        return carry

    lax.fori_loop(0, NCH, step, 0)

    plsc.subcore_barrier()
    _flush_acc(zbuf, acc, out.at[cid], sid)


_deg_kernel = pl.kernel(
    _deg_body,
    out_type=jax.ShapeDtypeStruct((NC, N_PAD, D_DEG), jnp.float32),
    mesh=_MESH,
    scratch_types=[
        pltpu.VMEM((NCH, CHUNK), jnp.int32),
        pltpu.VMEM((FCHUNK, D_DEG), jnp.float32),
        pltpu.VMEM((CHUNK, D_DEG), jnp.float32),
        pltpu.VMEM_SHARED((N_PAD, D_DEG), jnp.float32),
    ],
    compiler_params=pltpu.CompilerParams(use_tc_tiling_on_sc=False),
)


BM = 2000


def _dinv_of(da_ref, db_ref):
    return lax.rsqrt(da_ref[0, :, :1] + db_ref[0, :, :1] + 1.0)


def _mm1_body(x_ref, w_ref, da_ref, db_ref, o_ref):
    o_ref[...] = jnp.dot(x_ref[...], w_ref[...],
                         preferred_element_type=jnp.float32) * _dinv_of(da_ref, db_ref)


def _mid_body(aa_ref, ab_ref, s1_ref, da_ref, db_ref, b1_ref, w2_ref, o_ref):
    dinv = _dinv_of(da_ref, db_ref)
    agg = jnp.concatenate([aa_ref[0], ab_ref[0]], axis=1)
    z = (agg + s1_ref[...]) * dinv + b1_ref[...]
    h = jnp.maximum(z, 0.0)
    o_ref[...] = jnp.dot(h, w2_ref[...], preferred_element_type=jnp.float32) * dinv


def _final_body(aa_ref, ab_ref, s2_ref, da_ref, db_ref, b2_ref, o_ref):
    dinv = _dinv_of(da_ref, db_ref)
    z = (aa_ref[0] + ab_ref[0] + s2_ref[...]) * dinv + b2_ref[...]
    m = jnp.max(z, axis=1, keepdims=True)
    e = z - m
    o_ref[...] = e - jnp.log(jnp.sum(jnp.exp(e), axis=1, keepdims=True))


def _row_spec(d):
    return pl.BlockSpec((BM, d), lambda i: (i, 0))


def _plane_spec(d, c):
    return pl.BlockSpec((1, BM, d), lambda i, _c=c: (_c, i, 0))


def _deg_specs():
    return [_plane_spec(D_DEG, 0), _plane_spec(D_DEG, 1)]


def _mm1(x, w1, degs):
    return pl.pallas_call(
        _mm1_body,
        grid=(N // BM,),
        in_specs=[
            _row_spec(D_IN),
            pl.BlockSpec((D_IN, D_HID), lambda i: (0, 0)),
        ]
        + _deg_specs(),
        out_specs=_row_spec(D_HID),
        out_shape=jax.ShapeDtypeStruct((N, D_HID), jnp.float32),
    )(x, w1, degs, degs)


def _mid(agg1, scaled1, degs, b1, w2):
    return pl.pallas_call(
        _mid_body,
        grid=(N // BM,),
        in_specs=[
            _plane_spec(DH2, 0),
            _plane_spec(DH2, 1),
            _row_spec(D_HID),
        ]
        + _deg_specs()
        + [
            pl.BlockSpec((1, D_HID), lambda i: (0, 0)),
            pl.BlockSpec((D_HID, D_OUT), lambda i: (0, 0)),
        ],
        out_specs=_row_spec(D_OUT),
        out_shape=jax.ShapeDtypeStruct((N, D_OUT), jnp.float32),
    )(agg1, agg1, scaled1, degs, degs, b1, w2)


def _final(agg2, scaled2, degs, b2):
    return pl.pallas_call(
        _final_body,
        grid=(N // BM,),
        in_specs=[
            _plane_spec(D_OUT, 0),
            _plane_spec(D_OUT, 1),
            _row_spec(D_OUT),
        ]
        + _deg_specs()
        + [pl.BlockSpec((1, D_OUT), lambda i: (0, 0))],
        out_specs=_row_spec(D_OUT),
        out_shape=jax.ShapeDtypeStruct((N, D_OUT), jnp.float32),
    )(agg2, agg2, scaled2, degs, degs, b2)


def kernel(x, edge_index, W1, b1, W2, b2):
    ei = edge_index.astype(jnp.int32)
    src = ei[0].reshape(NW, NCH, CHUNK)
    dst = ei[1].reshape(NW, NCH, CHUNK)

    src16 = ei[0].reshape(NS, NCH2, CHUNK2) * 2
    src_cols = jnp.concatenate([src16, src16 + 1])
    dst16 = ei[1].reshape(NS, NCH2, CHUNK2)

    degs = _deg_kernel(dst)
    scaled1 = _mm1(x, W1, degs)
    table1 = scaled1.reshape(NC * N, DH2)
    agg1 = _hid_kernel(table1, src_cols, dst16)
    scaled2 = _mid(agg1, scaled1, degs,
                   b1.reshape(1, D_HID), W2)
    scaled2_pad = jnp.concatenate(
        [scaled2, jnp.zeros((N_PAD - N, D_OUT), jnp.float32)])
    agg2 = _out_prop_kernel(scaled2_pad, src, dst)
    return _final(agg2, scaled2, degs, b2.reshape(1, D_OUT))

# --- scband reference (transcript-rebuilt; emitter-appended) ---
"""Pipeline reference for scband-modified-gcn-62062277427824 (READ-ONLY COPY).

The authoritative reference and input builder live on the scoring server;
editing this copy changes nothing except your own understanding.
"""

import jax, jax.numpy as jnp
import numpy as np

NUM_NODES = 10000
NUM_EDGES = 320000
D_IN = 128
D_HID = 128
D_OUT = 16


def gcn_conv(x, src, dst, W, b, num_nodes):
    # x' = D^{-1/2} (A + I) D^{-1/2} (x W) + b  (PyG GCNConv with self-loops)
    loop = jnp.arange(num_nodes, dtype=src.dtype)
    src = jnp.concatenate([src, loop])
    dst = jnp.concatenate([dst, loop])
    deg = jnp.zeros((num_nodes,), dtype=x.dtype).at[dst].add(1.0)
    dinv = jnp.where(deg > 0, deg ** -0.5, 0.0)
    norm = dinv[src] * dinv[dst]
    xw = x @ W
    msg = xw[src] * norm[:, None]
    out = jax.ops.segment_sum(msg, dst, num_segments=num_nodes)
    return out + b


def setup_inputs(seed: int = 0) -> dict:
    key = jax.random.key(seed)
    k1, k2, k3, k4, k5, k6 = jax.random.split(key, 6)
    x = jax.random.normal(k1, (NUM_NODES, D_IN), dtype=jnp.float32)
    edge_index = jax.random.randint(k2, (2, NUM_EDGES), 0, NUM_NODES, dtype=jnp.int64 if jax.config.jax_enable_x64 else jnp.int32)
    W1 = jax.random.normal(k3, (D_IN, D_HID), dtype=jnp.float32) * (1.0 / np.sqrt(D_IN))
    b1 = jnp.zeros((D_HID,), dtype=jnp.float32)
    W2 = jax.random.normal(k4, (D_HID, D_OUT), dtype=jnp.float32) * (1.0 / np.sqrt(D_HID))
    b2 = jnp.zeros((D_OUT,), dtype=jnp.float32)
    return {"x": x, "edge_index": edge_index, "W1": W1, "b1": b1, "W2": W2, "b2": b2}


def reference(x, edge_index, W1, b1, W2, b2):
    src, dst = edge_index[0], edge_index[1]
    # CRD: GCNConv -> relu -> dropout (eval mode: identity)
    h = gcn_conv(x, src, dst, W1, b1, NUM_NODES)
    h = jax.nn.relu(h)
    # CLS: GCNConv -> log_softmax over dim 1
    out = gcn_conv(h, src, dst, W2, b2, NUM_NODES)
    return jax.nn.log_softmax(out, axis=1)

if __name__ == "__main__":
    import jax
    _d = setup_inputs()
    print(jax.jit(kernel)(*tuple(_d.values())))

</pallas_src>

<mosaic_0001>
#map = affine_map<(d0, d1) -> (0, 0, 0)>
module attributes {stable_mosaic.version = 14 : i64} {
  func.func @_deg_body(%arg0: i32, %arg1: i32, %arg2: memref<32x125x80xi32, #tpu.memory_space<hbm>>, %arg3: memref<2x10240x16xf32, #tpu.memory_space<hbm>>, %arg4: memref<125x80xi32, #tpu.memory_space<vmem>>, %arg5: memref<128x16xf32, #tpu.memory_space<vmem>>, %arg6: memref<80x16xf32, #tpu.memory_space<vmem>>, %arg7: memref<10240x16xf32, #tpu.memory_space<vmem_shared>>) attributes {dimension_semantics = [#tpu.dimension_semantics<core_parallel>, #tpu.dimension_semantics<subcore_parallel>], iteration_bounds = array<i64: 2, 16>, scalar_prefetch = 0 : i64, scratch_operands = 4 : i64, tpu.core_type = #tpu.core_type<sc_vector_subcore>, window_params = [{transform_indices = #map}, {transform_indices = #map}]} {
    %mul3A = arith.constant 16 : i32
    %mul3A_0 = arith.muli %arg0, %mul3A : i32
    %add3A = arith.addi %mul3A_0, %arg1 : i32
    %broadcast_in_dim3A = arith.constant 0.000000e+00 : f32
    %broadcast_in_dim3A_1 = vector.broadcast %broadcast_in_dim3A : f32 to vector<16xf32>
    %scan3A = arith.constant 0 : i32
    %scan3A_2 = arith.constant 0 : i32
    %scan3A_3 = arith.constant 128 : i32
    %scan3A_4 = arith.addi %scan3A_2, %scan3A_3 : i32
    %scan3A_5 = arith.constant 1 : i32
    scf.for %scan3A_62 = %scan3A_2 to %scan3A_4 step %scan3A_5  : i32 {
      %swap3A = arith.index_cast %scan3A_62 : i32 to index
      %swap3A_63 = arith.constant 0 : index
      %swap3A_64 = tpu.vector_load %arg5[%swap3A, %swap3A_63] {strides = array<i32>} : memref<128x16xf32, #tpu.memory_space<vmem>>, vector<1x16xf32>,
      %swap3A_65 = vector.shape_cast %swap3A_64 : vector<1x16xf32> to vector<16xf32>
      %swap3A_66 = vector.shape_cast %broadcast_in_dim3A_1 : vector<16xf32> to vector<1x16xf32>
      tpu.vector_store %arg5[%swap3A, %swap3A_63], %swap3A_66 {strides = array<i32>} : memref<128x16xf32, #tpu.memory_space<vmem>>, vector<1x16xf32>,
    }
    %scan3A_6 = arith.constant 128 : i32
    %broadcast_in_dim3A_7 = arith.constant 1.000000e+00 : f32
    %broadcast_in_dim3A_8 = vector.broadcast %broadcast_in_dim3A_7 : f32 to vector<16xf32>
    %scan3A_9 = arith.constant 0 : i32
    %scan3A_10 = arith.constant 0 : i32
    %scan3A_11 = arith.constant 80 : i32
    %scan3A_12 = arith.addi %scan3A_10, %scan3A_11 : i32
    %scan3A_13 = arith.constant 1 : i32
    scf.for %scan3A_62 = %scan3A_10 to %scan3A_12 step %scan3A_13  : i32 {
      %swap3A = arith.index_cast %scan3A_62 : i32 to index
      %swap3A_63 = arith.constant 0 : index
      %swap3A_64 = tpu.vector_load %arg6[%swap3A, %swap3A_63] {strides = array<i32>} : memref<80x16xf32, #tpu.memory_space<vmem>>, vector<1x16xf32>,
      %swap3A_65 = vector.shape_cast %swap3A_64 : vector<1x16xf32> to vector<16xf32>
      %swap3A_66 = vector.shape_cast %broadcast_in_dim3A_8 : vector<16xf32> to vector<1x16xf32>
      tpu.vector_store %arg6[%swap3A, %swap3A_63], %swap3A_66 {strides = array<i32>} : memref<80x16xf32, #tpu.memory_space<vmem>>, vector<1x16xf32>,
    }
    %scan3A_14 = arith.constant 80 : i32
    %mul3A_15 = arith.constant 640 : i32
    %mul3A_16 = arith.muli %arg1, %mul3A_15 : i32
    %add3A_17 = arith.constant 0 : i32
    %add3A_18 = arith.addi %mul3A_16, %add3A_17 : i32
    "tpu.region"() ({
      %run_scoped3A = tpu.sem_alloc : memref<!tpu.dma_semaphore, #tpu.memory_space<semaphore_mem>>
      %dma_start3A = arith.constant 0 : i32
      %dma_start3A_62 = tpu.memref_slice %arg7[%add3A_18, %dma_start3A] : memref<10240x16xf32, #tpu.memory_space<vmem_shared>> -> memref<128x16xf32, #tpu.memory_space<vmem_shared>>
      %dma_start3A_63 = arith.constant 0 : i32
      %dma_start3A_64 = tpu.memref_slice %arg7[%add3A_18, %dma_start3A_63] : memref<10240x16xf32, #tpu.memory_space<vmem_shared>> -> memref<128x16xf32, #tpu.memory_space<vmem_shared>>
      tpu.enqueue_dma source(%arg5 : memref<128x16xf32, #tpu.memory_space<vmem>>) target(%dma_start3A_64 : memref<128x16xf32, #tpu.memory_space<vmem_shared>>) target_semaphore(%run_scoped3A : memref<!tpu.dma_semaphore, #tpu.memory_space<semaphore_mem>>)
      %dma_wait3A = arith.constant 0 : i32
      %dma_wait3A_65 = tpu.memref_slice %arg7[%add3A_18, %dma_wait3A] : memref<10240x16xf32, #tpu.memory_space<vmem_shared>> -> memref<128x16xf32, #tpu.memory_space<vmem_shared>>
      %dma_wait3A_66 = arith.constant 0 : i32
      %dma_wait3A_67 = tpu.memref_slice %arg7[%add3A_18, %dma_wait3A_66] : memref<10240x16xf32, #tpu.memory_space<vmem_shared>> -> memref<128x16xf32, #tpu.memory_space<vmem_shared>>
      tpu.wait_dma2 semaphore(%run_scoped3A : memref<!tpu.dma_semaphore, #tpu.memory_space<semaphore_mem>>) src(%arg5 : memref<128x16xf32, #tpu.memory_space<vmem>>) dst(%dma_wait3A_67 : memref<128x16xf32, #tpu.memory_space<vmem_shared>>)
      tpu.yield
    }) : () -> ()
    %mul3A_19 = arith.constant 640 : i32
    %mul3A_20 = arith.muli %arg1, %mul3A_19 : i32
    %add3A_21 = arith.constant 128 : i32
    %add3A_22 = arith.addi %mul3A_20, %add3A_21 : i32
    "tpu.region"() ({
      %run_scoped3A = tpu.sem_alloc : memref<!tpu.dma_semaphore, #tpu.memory_space<semaphore_mem>>
      %dma_start3A = arith.constant 0 : i32
      %dma_start3A_62 = tpu.memref_slice %arg7[%add3A_22, %dma_start3A] : memref<10240x16xf32, #tpu.memory_space<vmem_shared>> -> memref<128x16xf32, #tpu.memory_space<vmem_shared>>
      %dma_start3A_63 = arith.constant 0 : i32
      %dma_start3A_64 = tpu.memref_slice %arg7[%add3A_22, %dma_start3A_63] : memref<10240x16xf32, #tpu.memory_space<vmem_shared>> -> memref<128x16xf32, #tpu.memory_space<vmem_shared>>
      tpu.enqueue_dma source(%arg5 : memref<128x16xf32, #tpu.memory_space<vmem>>) target(%dma_start3A_64 : memref<128x16xf32, #tpu.memory_space<vmem_shared>>) target_semaphore(%run_scoped3A : memref<!tpu.dma_semaphore, #tpu.memory_space<semaphore_mem>>)
      %dma_wait3A = arith.constant 0 : i32
      %dma_wait3A_65 = tpu.memref_slice %arg7[%add3A_22, %dma_wait3A] : memref<10240x16xf32, #tpu.memory_space<vmem_shared>> -> memref<128x16xf32, #tpu.memory_space<vmem_shared>>
      %dma_wait3A_66 = arith.constant 0 : i32
      %dma_wait3A_67 = tpu.memref_slice %arg7[%add3A_22, %dma_wait3A_66] : memref<10240x16xf32, #tpu.memory_space<vmem_shared>> -> memref<128x16xf32, #tpu.memory_space<vmem_shared>>
      tpu.wait_dma2 semaphore(%run_scoped3A : memref<!tpu.dma_semaphore, #tpu.memory_space<semaphore_mem>>) src(%arg5 : memref<128x16xf32, #tpu.memory_space<vmem>>) dst(%dma_wait3A_67 : memref<128x16xf32, #tpu.memory_space<vmem_shared>>)
      tpu.yield
    }) : () -> ()
    %mul3A_23 = arith.constant 640 : i32
    %mul3A_24 = arith.muli %arg1, %mul3A_23 : i32
    %add3A_25 = arith.constant 256 : i32
    %add3A_26 = arith.addi %mul3A_24, %add3A_25 : i32
    "tpu.region"() ({
      %run_scoped3A = tpu.sem_alloc : memref<!tpu.dma_semaphore, #tpu.memory_space<semaphore_mem>>
      %dma_start3A = arith.constant 0 : i32
      %dma_start3A_62 = tpu.memref_slice %arg7[%add3A_26, %dma_start3A] : memref<10240x16xf32, #tpu.memory_space<vmem_shared>> -> memref<128x16xf32, #tpu.memory_space<vmem_shared>>
      %dma_start3A_63 = arith.constant 0 : i32
      %dma_start3A_64 = tpu.memref_slice %arg7[%add3A_26, %dma_start3A_63] : memref<10240x16xf32, #tpu.memory_space<vmem_shared>> -> memref<128x16xf32, #tpu.memory_space<vmem_shared>>
      tpu.enqueue_dma source(%arg5 : memref<128x16xf32, #tpu.memory_space<vmem>>) target(%dma_start3A_64 : memref<128x16xf32, #tpu.memory_space<vmem_shared>>) target_semaphore(%run_scoped3A : memref<!tpu.dma_semaphore, #tpu.memory_space<semaphore_mem>>)
      %dma_wait3A = arith.constant 0 : i32
      %dma_wait3A_65 = tpu.memref_slice %arg7[%add3A_26, %dma_wait3A] : memref<10240x16xf32, #tpu.memory_space<vmem_shared>> -> memref<128x16xf32, #tpu.memory_space<vmem_shared>>
      %dma_wait3A_66 = arith.constant 0 : i32
      %dma_wait3A_67 = tpu.memref_slice %arg7[%add3A_26, %dma_wait3A_66] : memref<10240x16xf32, #tpu.memory_space<vmem_shared>> -> memref<128x16xf32, #tpu.memory_space<vmem_shared>>
      tpu.wait_dma2 semaphore(%run_scoped3A : memref<!tpu.dma_semaphore, #tpu.memory_space<semaphore_mem>>) src(%arg5 : memref<128x16xf32, #tpu.memory_space<vmem>>) dst(%dma_wait3A_67 : memref<128x16xf32, #tpu.memory_space<vmem_shared>>)
      tpu.yield
    }) : () -> ()
    %mul3A_27 = arith.constant 640 : i32
    %mul3A_28 = arith.muli %arg1, %mul3A_27 : i32
    %add3A_29 = arith.constant 384 : i32
    %add3A_30 = arith.addi %mul3A_28, %add3A_29 : i32
    "tpu.region"() ({
      %run_scoped3A = tpu.sem_alloc : memref<!tpu.dma_semaphore, #tpu.memory_space<semaphore_mem>>
      %dma_start3A = arith.constant 0 : i32
      %dma_start3A_62 = tpu.memref_slice %arg7[%add3A_30, %dma_start3A] : memref<10240x16xf32, #tpu.memory_space<vmem_shared>> -> memref<128x16xf32, #tpu.memory_space<vmem_shared>>
      %dma_start3A_63 = arith.constant 0 : i32
      %dma_start3A_64 = tpu.memref_slice %arg7[%add3A_30, %dma_start3A_63] : memref<10240x16xf32, #tpu.memory_space<vmem_shared>> -> memref<128x16xf32, #tpu.memory_space<vmem_shared>>
      tpu.enqueue_dma source(%arg5 : memref<128x16xf32, #tpu.memory_space<vmem>>) target(%dma_start3A_64 : memref<128x16xf32, #tpu.memory_space<vmem_shared>>) target_semaphore(%run_scoped3A : memref<!tpu.dma_semaphore, #tpu.memory_space<semaphore_mem>>)
      %dma_wait3A = arith.constant 0 : i32
      %dma_wait3A_65 = tpu.memref_slice %arg7[%add3A_30, %dma_wait3A] : memref<10240x16xf32, #tpu.memory_space<vmem_shared>> -> memref<128x16xf32, #tpu.memory_space<vmem_shared>>
      %dma_wait3A_66 = arith.constant 0 : i32
      %dma_wait3A_67 = tpu.memref_slice %arg7[%add3A_30, %dma_wait3A_66] : memref<10240x16xf32, #tpu.memory_space<vmem_shared>> -> memref<128x16xf32, #tpu.memory_space<vmem_shared>>
      tpu.wait_dma2 semaphore(%run_scoped3A : memref<!tpu.dma_semaphore, #tpu.memory_space<semaphore_mem>>) src(%arg5 : memref<128x16xf32, #tpu.memory_space<vmem>>) dst(%dma_wait3A_67 : memref<128x16xf32, #tpu.memory_space<vmem_shared>>)
      tpu.yield
    }) : () -> ()
    %mul3A_31 = arith.constant 640 : i32
    %mul3A_32 = arith.muli %arg1, %mul3A_31 : i32
    %add3A_33 = arith.constant 512 : i32
    %add3A_34 = arith.addi %mul3A_32, %add3A_33 : i32
    "tpu.region"() ({
      %run_scoped3A = tpu.sem_alloc : memref<!tpu.dma_semaphore, #tpu.memory_space<semaphore_mem>>
      %dma_start3A = arith.constant 0 : i32
      %dma_start3A_62 = tpu.memref_slice %arg7[%add3A_34, %dma_start3A] : memref<10240x16xf32, #tpu.memory_space<vmem_shared>> -> memref<128x16xf32, #tpu.memory_space<vmem_shared>>
      %dma_start3A_63 = arith.constant 0 : i32
      %dma_start3A_64 = tpu.memref_slice %arg7[%add3A_34, %dma_start3A_63] : memref<10240x16xf32, #tpu.memory_space<vmem_shared>> -> memref<128x16xf32, #tpu.memory_space<vmem_shared>>
      tpu.enqueue_dma source(%arg5 : memref<128x16xf32, #tpu.memory_space<vmem>>) target(%dma_start3A_64 : memref<128x16xf32, #tpu.memory_space<vmem_shared>>) target_semaphore(%run_scoped3A : memref<!tpu.dma_semaphore, #tpu.memory_space<semaphore_mem>>)
      %dma_wait3A = arith.constant 0 : i32
      %dma_wait3A_65 = tpu.memref_slice %arg7[%add3A_34, %dma_wait3A] : memref<10240x16xf32, #tpu.memory_space<vmem_shared>> -> memref<128x16xf32, #tpu.memory_space<vmem_shared>>
      %dma_wait3A_66 = arith.constant 0 : i32
      %dma_wait3A_67 = tpu.memref_slice %arg7[%add3A_34, %dma_wait3A_66] : memref<10240x16xf32, #tpu.memory_space<vmem_shared>> -> memref<128x16xf32, #tpu.memory_space<vmem_shared>>
      tpu.wait_dma2 semaphore(%run_scoped3A : memref<!tpu.dma_semaphore, #tpu.memory_space<semaphore_mem>>) src(%arg5 : memref<128x16xf32, #tpu.memory_space<vmem>>) dst(%dma_wait3A_67 : memref<128x16xf32, #tpu.memory_space<vmem_shared>>)
      tpu.yield
    }) : () -> ()
    "tpu.region"() ({
      %run_scoped3A = tpu.sem_alloc : memref<!tpu.dma_semaphore, #tpu.memory_space<semaphore_mem>>
      %dma_start3A = arith.constant 0 : i32
      %dma_start3A_62 = arith.constant 0 : i32
      %dma_start3A_63 = tpu.memref_slice %arg2[%add3A, %dma_start3A, %dma_start3A_62] : memref<32x125x80xi32, #tpu.memory_space<hbm>> -> memref<1x125x80xi32, #tpu.memory_space<hbm>>
      %dma_start3A_64 = tpu.memref_squeeze %dma_start3A_63 : memref<1x125x80xi32, #tpu.memory_space<hbm>> -> memref<125x80xi32, #tpu.memory_space<hbm>>
      %dma_start3A_65 = arith.constant 0 : i32
      %dma_start3A_66 = arith.constant 0 : i32
      %dma_start3A_67 = tpu.memref_slice %arg2[%add3A, %dma_start3A_65, %dma_start3A_66] : memref<32x125x80xi32, #tpu.memory_space<hbm>> -> memref<1x125x80xi32, #tpu.memory_space<hbm>>
      %dma_start3A_68 = tpu.memref_squeeze %dma_start3A_67 : memref<1x125x80xi32, #tpu.memory_space<hbm>> -> memref<125x80xi32, #tpu.memory_space<hbm>>
      tpu.enqueue_dma source(%dma_start3A_68 : memref<125x80xi32, #tpu.memory_space<hbm>>) target(%arg4 : memref<125x80xi32, #tpu.memory_space<vmem>>) target_semaphore(%run_scoped3A : memref<!tpu.dma_semaphore, #tpu.memory_space<semaphore_mem>>)
      %dma_wait3A = arith.constant 0 : i32
      %dma_wait3A_69 = arith.constant 0 : i32
      %dma_wait3A_70 = tpu.memref_slice %arg2[%add3A, %dma_wait3A, %dma_wait3A_69] : memref<32x125x80xi32, #tpu.memory_space<hbm>> -> memref<1x125x80xi32, #tpu.memory_space<hbm>>
      %dma_wait3A_71 = tpu.memref_squeeze %dma_wait3A_70 : memref<1x125x80xi32, #tpu.memory_space<hbm>> -> memref<125x80xi32, #tpu.memory_space<hbm>>
      %dma_wait3A_72 = arith.constant 0 : i32
      %dma_wait3A_73 = arith.constant 0 : i32
      %dma_wait3A_74 = tpu.memref_slice %arg2[%add3A, %dma_wait3A_72, %dma_wait3A_73] : memref<32x125x80xi32, #tpu.memory_space<hbm>> -> memref<1x125x80xi32, #tpu.memory_space<hbm>>
      %dma_wait3A_75 = tpu.memref_squeeze %dma_wait3A_74 : memref<1x125x80xi32, #tpu.memory_space<hbm>> -> memref<125x80xi32, #tpu.memory_space<hbm>>
      tpu.wait_dma2 semaphore(%run_scoped3A : memref<!tpu.dma_semaphore, #tpu.memory_space<semaphore_mem>>) src(%dma_wait3A_75 : memref<125x80xi32, #tpu.memory_space<hbm>>) dst(%arg4 : memref<125x80xi32, #tpu.memory_space<vmem>>)
      tpu.yield
    }) : () -> ()
    %barrier3A = arith.constant 0 : index
    tpu.barrier barrier_id(%barrier3A)
    %scan3A_35 = arith.constant 0 : i32
    %scan3A_36 = arith.constant 0 : i32
    %scan3A_37 = arith.constant 125 : i32
    %scan3A_38 = arith.addi %scan3A_36, %scan3A_37 : i32
    %scan3A_39 = arith.constant 1 : i32
    scf.for %scan3A_62 = %scan3A_36 to %scan3A_38 step %scan3A_39  : i32 {
      "tpu.region"() ({
        %run_scoped3A = tpu.sem_alloc : memref<!tpu.dma_semaphore, #tpu.memory_space<semaphore_mem>>
        %dma_start3A = arith.constant 0 : i32
        %dma_start3A_63 = tpu.memref_slice %arg4[%scan3A_62, %dma_start3A] : memref<125x80xi32, #tpu.memory_space<vmem>> -> memref<1x80xi32, #tpu.memory_space<vmem>>
        %dma_start3A_64 = tpu.memref_squeeze %dma_start3A_63 : memref<1x80xi32, #tpu.memory_space<vmem>> -> memref<80xi32, #tpu.memory_space<vmem>>
        %dma_start3A_65 = arith.constant 0 : i32
        %dma_start3A_66 = arith.constant 0 : i32
        %dma_start3A_67 = tpu.memref_slice %arg7[%dma_start3A_65, %dma_start3A_66] : memref<10240x16xf32, #tpu.memory_space<vmem_shared>> -> memref<10240x16xf32, #tpu.memory_space<vmem_shared>>
        tpu.enqueue_indirect_dma source(%arg6 : memref<80x16xf32, #tpu.memory_space<vmem>>) target(%dma_start3A_67 : memref<10240x16xf32, #tpu.memory_space<vmem_shared>>) offsets(%dma_start3A_64 : memref<80xi32, #tpu.memory_space<vmem>>) semaphore(%run_scoped3A : memref<!tpu.dma_semaphore, #tpu.memory_space<semaphore_mem>>) {add = true}
        %dma_wait3A = arith.constant 0 : i32
        %dma_wait3A_68 = tpu.memref_slice %arg4[%scan3A_62, %dma_wait3A] : memref<125x80xi32, #tpu.memory_space<vmem>> -> memref<1x80xi32, #tpu.memory_space<vmem>>
        %dma_wait3A_69 = tpu.memref_squeeze %dma_wait3A_68 : memref<1x80xi32, #tpu.memory_space<vmem>> -> memref<80xi32, #tpu.memory_space<vmem>>
        %dma_wait3A_70 = arith.constant 0 : i32
        %dma_wait3A_71 = arith.constant 0 : i32
        %dma_wait3A_72 = tpu.memref_slice %arg7[%dma_wait3A_70, %dma_wait3A_71] : memref<10240x16xf32, #tpu.memory_space<vmem_shared>> -> memref<10240x16xf32, #tpu.memory_space<vmem_shared>>
        tpu.wait_indirect_dma semaphore(%run_scoped3A : memref<!tpu.dma_semaphore, #tpu.memory_space<semaphore_mem>>) src(%arg6 : memref<80x16xf32, #tpu.memory_space<vmem>>) dst(%dma_wait3A_72 : memref<10240x16xf32, #tpu.memory_space<vmem_shared>>)
        tpu.yield
      }) : () -> ()
    }
    %scan3A_40 = arith.constant 125 : i32
    %barrier3A_41 = arith.constant 0 : index
    tpu.barrier barrier_id(%barrier3A_41)
    %mul3A_42 = arith.constant 640 : i32
    %mul3A_43 = arith.muli %arg1, %mul3A_42 : i32
    %add3A_44 = arith.constant 0 : i32
    %add3A_45 = arith.addi %mul3A_43, %add3A_44 : i32
    "tpu.region"() ({
      %run_scoped3A = tpu.sem_alloc : memref<!tpu.dma_semaphore, #tpu.memory_space<semaphore_mem>>
      %dma_start3A = arith.constant 0 : i32
      %dma_start3A_62 = tpu.memref_slice %arg7[%add3A_45, %dma_start3A] : memref<10240x16xf32, #tpu.memory_space<vmem_shared>> -> memref<128x16xf32, #tpu.memory_space<vmem_shared>>
      %dma_start3A_63 = arith.constant 0 : i32
      %dma_start3A_64 = tpu.memref_slice %arg7[%add3A_45, %dma_start3A_63] : memref<10240x16xf32, #tpu.memory_space<vmem_shared>> -> memref<128x16xf32, #tpu.memory_space<vmem_shared>>
      tpu.enqueue_dma source(%dma_start3A_64 : memref<128x16xf32, #tpu.memory_space<vmem_shared>>) target(%arg5 : memref<128x16xf32, #tpu.memory_space<vmem>>) target_semaphore(%run_scoped3A : memref<!tpu.dma_semaphore, #tpu.memory_space<semaphore_mem>>)
      %dma_wait3A = arith.constant 0 : i32
      %dma_wait3A_65 = tpu.memref_slice %arg7[%add3A_45, %dma_wait3A] : memref<10240x16xf32, #tpu.memory_space<vmem_shared>> -> memref<128x16xf32, #tpu.memory_space<vmem_shared>>
      %dma_wait3A_66 = arith.constant 0 : i32
      %dma_wait3A_67 = tpu.memref_slice %arg7[%add3A_45, %dma_wait3A_66] : memref<10240x16xf32, #tpu.memory_space<vmem_shared>> -> memref<128x16xf32, #tpu.memory_space<vmem_shared>>
      tpu.wait_dma2 semaphore(%run_scoped3A : memref<!tpu.dma_semaphore, #tpu.memory_space<semaphore_mem>>) src(%dma_wait3A_67 : memref<128x16xf32, #tpu.memory_space<vmem_shared>>) dst(%arg5 : memref<128x16xf32, #tpu.memory_space<vmem>>)
      tpu.yield
    }) : () -> ()
    "tpu.region"() ({
      %run_scoped3A = tpu.sem_alloc : memref<!tpu.dma_semaphore, #tpu.memory_space<semaphore_mem>>
      %dma_start3A = arith.constant 0 : i32
      %dma_start3A_62 = arith.constant 0 : i32
      %dma_start3A_63 = tpu.memref_slice %arg3[%arg0, %dma_start3A, %dma_start3A_62] : memref<2x10240x16xf32, #tpu.memory_space<hbm>> -> memref<1x10240x16xf32, #tpu.memory_space<hbm>>
      %dma_start3A_64 = tpu.memref_squeeze %dma_start3A_63 : memref<1x10240x16xf32, #tpu.memory_space<hbm>> -> memref<10240x16xf32, #tpu.memory_space<hbm>>
      %dma_start3A_65 = arith.constant 0 : i32
      %dma_start3A_66 = tpu.memref_slice %dma_start3A_64[%add3A_45, %dma_start3A_65] : memref<10240x16xf32, #tpu.memory_space<hbm>> -> memref<128x16xf32, #tpu.memory_space<hbm>>
      %dma_start3A_67 = arith.constant 0 : i32
      %dma_start3A_68 = arith.constant 0 : i32
      %dma_start3A_69 = tpu.memref_slice %arg3[%arg0, %dma_start3A_67, %dma_start3A_68] : memref<2x10240x16xf32, #tpu.memory_space<hbm>> -> memref<1x10240x16xf32, #tpu.memory_space<hbm>>
      %dma_start3A_70 = tpu.memref_squeeze %dma_start3A_69 : memref<1x10240x16xf32, #tpu.memory_space<hbm>> -> memref<10240x16xf32, #tpu.memory_space<hbm>>
      %dma_start3A_71 = arith.constant 0 : i32
      %dma_start3A_72 = tpu.memref_slice %dma_start3A_70[%add3A_45, %dma_start3A_71] : memref<10240x16xf32, #tpu.memory_space<hbm>> -> memref<128x16xf32, #tpu.memory_space<hbm>>
      tpu.enqueue_dma source(%arg5 : memref<128x16xf32, #tpu.memory_space<vmem>>) target(%dma_start3A_72 : memref<128x16xf32, #tpu.memory_space<hbm>>) target_semaphore(%run_scoped3A : memref<!tpu.dma_semaphore, #tpu.memory_space<semaphore_mem>>)
      %dma_wait3A = arith.constant 0 : i32
      %dma_wait3A_73 = arith.constant 0 : i32
      %dma_wait3A_74 = tpu.memref_slice %arg3[%arg0, %dma_wait3A, %dma_wait3A_73] : memref<2x10240x16xf32, #tpu.memory_space<hbm>> -> memref<1x10240x16xf32, #tpu.memory_space<hbm>>
      %dma_wait3A_75 = tpu.memref_squeeze %dma_wait3A_74 : memref<1x10240x16xf32, #tpu.memory_space<hbm>> -> memref<10240x16xf32, #tpu.memory_space<hbm>>
      %dma_wait3A_76 = arith.constant 0 : i32
      %dma_wait3A_77 = tpu.memref_slice %dma_wait3A_75[%add3A_45, %dma_wait3A_76] : memref<10240x16xf32, #tpu.memory_space<hbm>> -> memref<128x16xf32, #tpu.memory_space<hbm>>
      %dma_wait3A_78 = arith.constant 0 : i32
      %dma_wait3A_79 = arith.constant 0 : i32
      %dma_wait3A_80 = tpu.memref_slice %arg3[%arg0, %dma_wait3A_78, %dma_wait3A_79] : memref<2x10240x16xf32, #tpu.memory_space<hbm>> -> memref<1x10240x16xf32, #tpu.memory_space<hbm>>
      %dma_wait3A_81 = tpu.memref_squeeze %dma_wait3A_80 : memref<1x10240x16xf32, #tpu.memory_space<hbm>> -> memref<10240x16xf32, #tpu.memory_space<hbm>>
      %dma_wait3A_82 = arith.constant 0 : i32
      %dma_wait3A_83 = tpu.memref_slice %dma_wait3A_81[%add3A_45, %dma_wait3A_82] : memref<10240x16xf32, #tpu.memory_space<hbm>> -> memref<128x16xf32, #tpu.memory_space<hbm>>
      tpu.wait_dma2 semaphore(%run_scoped3A : memref<!tpu.dma_semaphore, #tpu.memory_space<semaphore_mem>>) src(%arg5 : memref<128x16xf32, #tpu.memory_space<vmem>>) dst(%dma_wait3A_83 : memref<128x16xf32, #tpu.memory_space<hbm>>)
      tpu.yield
    }) : () -> ()
    %mul3A_46 = arith.constant 640 : i32
    %mul3A_47 = arith.muli %arg1, %mul3A_46 : i32
    %add3A_48 = arith.constant 128 : i32
    %add3A_49 = arith.addi %mul3A_47, %add3A_48 : i32
    "tpu.region"() ({
      %run_scoped3A = tpu.sem_alloc : memref<!tpu.dma_semaphore, #tpu.memory_space<semaphore_mem>>
      %dma_start3A = arith.constant 0 : i32
      %dma_start3A_62 = tpu.memref_slice %arg7[%add3A_49, %dma_start3A] : memref<10240x16xf32, #tpu.memory_space<vmem_shared>> -> memref<128x16xf32, #tpu.memory_space<vmem_shared>>
      %dma_start3A_63 = arith.constant 0 : i32
      %dma_start3A_64 = tpu.memref_slice %arg7[%add3A_49, %dma_start3A_63] : memref<10240x16xf32, #tpu.memory_space<vmem_shared>> -> memref<128x16xf32, #tpu.memory_space<vmem_shared>>
      tpu.enqueue_dma source(%dma_start3A_64 : memref<128x16xf32, #tpu.memory_space<vmem_shared>>) target(%arg5 : memref<128x16xf32, #tpu.memory_space<vmem>>) target_semaphore(%run_scoped3A : memref<!tpu.dma_semaphore, #tpu.memory_space<semaphore_mem>>)
      %dma_wait3A = arith.constant 0 : i32
      %dma_wait3A_65 = tpu.memref_slice %arg7[%add3A_49, %dma_wait3A] : memref<10240x16xf32, #tpu.memory_space<vmem_shared>> -> memref<128x16xf32, #tpu.memory_space<vmem_shared>>
      %dma_wait3A_66 = arith.constant 0 : i32
      %dma_wait3A_67 = tpu.memref_slice %arg7[%add3A_49, %dma_wait3A_66] : memref<10240x16xf32, #tpu.memory_space<vmem_shared>> -> memref<128x16xf32, #tpu.memory_space<vmem_shared>>
      tpu.wait_dma2 semaphore(%run_scoped3A : memref<!tpu.dma_semaphore, #tpu.memory_space<semaphore_mem>>) src(%dma_wait3A_67 : memref<128x16xf32, #tpu.memory_space<vmem_shared>>) dst(%arg5 : memref<128x16xf32, #tpu.memory_space<vmem>>)
      tpu.yield
    }) : () -> ()
    "tpu.region"() ({
      %run_scoped3A = tpu.sem_alloc : memref<!tpu.dma_semaphore, #tpu.memory_space<semaphore_mem>>
      %dma_start3A = arith.constant 0 : i32
      %dma_start3A_62 = arith.constant 0 : i32
      %dma_start3A_63 = tpu.memref_slice %arg3[%arg0, %dma_start3A, %dma_start3A_62] : memref<2x10240x16xf32, #tpu.memory_space<hbm>> -> memref<1x10240x16xf32, #tpu.memory_space<hbm>>
      %dma_start3A_64 = tpu.memref_squeeze %dma_start3A_63 : memref<1x10240x16xf32, #tpu.memory_space<hbm>> -> memref<10240x16xf32, #tpu.memory_space<hbm>>
      %dma_start3A_65 = arith.constant 0 : i32
      %dma_start3A_66 = tpu.memref_slice %dma_start3A_64[%add3A_49, %dma_start3A_65] : memref<10240x16xf32, #tpu.memory_space<hbm>> -> memref<128x16xf32, #tpu.memory_space<hbm>>
      %dma_start3A_67 = arith.constant 0 : i32
      %dma_start3A_68 = arith.constant 0 : i32
      %dma_start3A_69 = tpu.memref_slice %arg3[%arg0, %dma_start3A_67, %dma_start3A_68] : memref<2x10240x16xf32, #tpu.memory_space<hbm>> -> memref<1x10240x16xf32, #tpu.memory_space<hbm>>
      %dma_start3A_70 = tpu.memref_squeeze %dma_start3A_69 : memref<1x10240x16xf32, #tpu.memory_space<hbm>> -> memref<10240x16xf32, #tpu.memory_space<hbm>>
      %dma_start3A_71 = arith.constant 0 : i32
      %dma_start3A_72 = tpu.memref_slice %dma_start3A_70[%add3A_49, %dma_start3A_71] : memref<10240x16xf32, #tpu.memory_space<hbm>> -> memref<128x16xf32, #tpu.memory_space<hbm>>
      tpu.enqueue_dma source(%arg5 : memref<128x16xf32, #tpu.memory_space<vmem>>) target(%dma_start3A_72 : memref<128x16xf32, #tpu.memory_space<hbm>>) target_semaphore(%run_scoped3A : memref<!tpu.dma_semaphore, #tpu.memory_space<semaphore_mem>>)
      %dma_wait3A = arith.constant 0 : i32
      %dma_wait3A_73 = arith.constant 0 : i32
      %dma_wait3A_74 = tpu.memref_slice %arg3[%arg0, %dma_wait3A, %dma_wait3A_73] : memref<2x10240x16xf32, #tpu.memory_space<hbm>> -> memref<1x10240x16xf32, #tpu.memory_space<hbm>>
      %dma_wait3A_75 = tpu.memref_squeeze %dma_wait3A_74 : memref<1x10240x16xf32, #tpu.memory_space<hbm>> -> memref<10240x16xf32, #tpu.memory_space<hbm>>
      %dma_wait3A_76 = arith.constant 0 : i32
      %dma_wait3A_77 = tpu.memref_slice %dma_wait3A_75[%add3A_49, %dma_wait3A_76] : memref<10240x16xf32, #tpu.memory_space<hbm>> -> memref<128x16xf32, #tpu.memory_space<hbm>>
      %dma_wait3A_78 = arith.constant 0 : i32
      %dma_wait3A_79 = arith.constant 0 : i32
      %dma_wait3A_80 = tpu.memref_slice %arg3[%arg0, %dma_wait3A_78, %dma_wait3A_79] : memref<2x10240x16xf32, #tpu.memory_space<hbm>> -> memref<1x10240x16xf32, #tpu.memory_space<hbm>>
      %dma_wait3A_81 = tpu.memref_squeeze %dma_wait3A_80 : memref<1x10240x16xf32, #tpu.memory_space<hbm>> -> memref<10240x16xf32, #tpu.memory_space<hbm>>
      %dma_wait3A_82 = arith.constant 0 : i32
      %dma_wait3A_83 = tpu.memref_slice %dma_wait3A_81[%add3A_49, %dma_wait3A_82] : memref<10240x16xf32, #tpu.memory_space<hbm>> -> memref<128x16xf32, #tpu.memory_space<hbm>>
      tpu.wait_dma2 semaphore(%run_scoped3A : memref<!tpu.dma_semaphore, #tpu.memory_space<semaphore_mem>>) src(%arg5 : memref<128x16xf32, #tpu.memory_space<vmem>>) dst(%dma_wait3A_83 : memref<128x16xf32, #tpu.memory_space<hbm>>)
      tpu.yield
    }) : () -> ()
    %mul3A_50 = arith.constant 640 : i32
    %mul3A_51 = arith.muli %arg1, %mul3A_50 : i32
    %add3A_52 = arith.constant 256 : i32
    %add3A_53 = arith.addi %mul3A_51, %add3A_52 : i32
    "tpu.region"() ({
      %run_scoped3A = tpu.sem_alloc : memref<!tpu.dma_semaphore, #tpu.memory_space<semaphore_mem>>
      %dma_start3A = arith.constant 0 : i32
      %dma_start3A_62 = tpu.memref_slice %arg7[%add3A_53, %dma_start3A] : memref<10240x16xf32, #tpu.memory_space<vmem_shared>> -> memref<128x16xf32, #tpu.memory_space<vmem_shared>>
      %dma_start3A_63 = arith.constant 0 : i32
      %dma_start3A_64 = tpu.memref_slice %arg7[%add3A_53, %dma_start3A_63] : memref<10240x16xf32, #tpu.memory_space<vmem_shared>> -> memref<128x16xf32, #tpu.memory_space<vmem_shared>>
      tpu.enqueue_dma source(%dma_start3A_64 : memref<128x16xf32, #tpu.memory_space<vmem_shared>>) target(%arg5 : memref<128x16xf32, #tpu.memory_space<vmem>>) target_semaphore(%run_scoped3A : memref<!tpu.dma_semaphore, #tpu.memory_space<semaphore_mem>>)
      %dma_wait3A = arith.constant 0 : i32
      %dma_wait3A_65 = tpu.memref_slice %arg7[%add3A_53, %dma_wait3A] : memref<10240x16xf32, #tpu.memory_space<vmem_shared>> -> memref<128x16xf32, #tpu.memory_space<vmem_shared>>
      %dma_wait3A_66 = arith.constant 0 : i32
      %dma_wait3A_67 = tpu.memref_slice %arg7[%add3A_53, %dma_wait3A_66] : memref<10240x16xf32, #tpu.memory_space<vmem_shared>> -> memref<128x16xf32, #tpu.memory_space<vmem_shared>>
      tpu.wait_dma2 semaphore(%run_scoped3A : memref<!tpu.dma_semaphore, #tpu.memory_space<semaphore_mem>>) src(%dma_wait3A_67 : memref<128x16xf32, #tpu.memory_space<vmem_shared>>) dst(%arg5 : memref<128x16xf32, #tpu.memory_space<vmem>>)
      tpu.yield
    }) : () -> ()
    "tpu.region"() ({
      %run_scoped3A = tpu.sem_alloc : memref<!tpu.dma_semaphore, #tpu.memory_space<semaphore_mem>>
      %dma_start3A = arith.constant 0 : i32
      %dma_start3A_62 = arith.constant 0 : i32
      %dma_start3A_63 = tpu.memref_slice %arg3[%arg0, %dma_start3A, %dma_start3A_62] : memref<2x10240x16xf32, #tpu.memory_space<hbm>> -> memref<1x10240x16xf32, #tpu.memory_space<hbm>>
      %dma_start3A_64 = tpu.memref_squeeze %dma_start3A_63 : memref<1x10240x16xf32, #tpu.memory_space<hbm>> -> memref<10240x16xf32, #tpu.memory_space<hbm>>
      %dma_start3A_65 = arith.constant 0 : i32
      %dma_start3A_66 = tpu.memref_slice %dma_start3A_64[%add3A_53, %dma_start3A_65] : memref<10240x16xf32, #tpu.memory_space<hbm>> -> memref<128x16xf32, #tpu.memory_space<hbm>>
      %dma_start3A_67 = arith.constant 0 : i32
      %dma_start3A_68 = arith.constant 0 : i32
      %dma_start3A_69 = tpu.memref_slice %arg3[%arg0, %dma_start3A_67, %dma_start3A_68] : memref<2x10240x16xf32, #tpu.memory_space<hbm>> -> memref<1x10240x16xf32, #tpu.memory_space<hbm>>
      %dma_start3A_70 = tpu.memref_squeeze %dma_start3A_69 : memref<1x10240x16xf32, #tpu.memory_space<hbm>> -> memref<10240x16xf32, #tpu.memory_space<hbm>>
      %dma_start3A_71 = arith.constant 0 : i32
      %dma_start3A_72 = tpu.memref_slice %dma_start3A_70[%add3A_53, %dma_start3A_71] : memref<10240x16xf32, #tpu.memory_space<hbm>> -> memref<128x16xf32, #tpu.memory_space<hbm>>
      tpu.enqueue_dma source(%arg5 : memref<128x16xf32, #tpu.memory_space<vmem>>) target(%dma_start3A_72 : memref<128x16xf32, #tpu.memory_space<hbm>>) target_semaphore(%run_scoped3A : memref<!tpu.dma_semaphore, #tpu.memory_space<semaphore_mem>>)
      %dma_wait3A = arith.constant 0 : i32
      %dma_wait3A_73 = arith.constant 0 : i32
      %dma_wait3A_74 = tpu.memref_slice %arg3[%arg0, %dma_wait3A, %dma_wait3A_73] : memref<2x10240x16xf32, #tpu.memory_space<hbm>> -> memref<1x10240x16xf32, #tpu.memory_space<hbm>>
      %dma_wait3A_75 = tpu.memref_squeeze %dma_wait3A_74 : memref<1x10240x16xf32, #tpu.memory_space<hbm>> -> memref<10240x16xf32, #tpu.memory_space<hbm>>
      %dma_wait3A_76 = arith.constant 0 : i32
      %dma_wait3A_77 = tpu.memref_slice %dma_wait3A_75[%add3A_53, %dma_wait3A_76] : memref<10240x16xf32, #tpu.memory_space<hbm>> -> memref<128x16xf32, #tpu.memory_space<hbm>>
      %dma_wait3A_78 = arith.constant 0 : i32
      %dma_wait3A_79 = arith.constant 0 : i32
      %dma_wait3A_80 = tpu.memref_slice %arg3[%arg0, %dma_wait3A_78, %dma_wait3A_79] : memref<2x10240x16xf32, #tpu.memory_space<hbm>> -> memref<1x10240x16xf32, #tpu.memory_space<hbm>>
      %dma_wait3A_81 = tpu.memref_squeeze %dma_wait3A_80 : memref<1x10240x16xf32, #tpu.memory_space<hbm>> -> memref<10240x16xf32, #tpu.memory_space<hbm>>
      %dma_wait3A_82 = arith.constant 0 : i32
      %dma_wait3A_83 = tpu.memref_slice %dma_wait3A_81[%add3A_53, %dma_wait3A_82] : memref<10240x16xf32, #tpu.memory_space<hbm>> -> memref<128x16xf32, #tpu.memory_space<hbm>>
      tpu.wait_dma2 semaphore(%run_scoped3A : memref<!tpu.dma_semaphore, #tpu.memory_space<semaphore_mem>>) src(%arg5 : memref<128x16xf32, #tpu.memory_space<vmem>>) dst(%dma_wait3A_83 : memref<128x16xf32, #tpu.memory_space<hbm>>)
      tpu.yield
    }) : () -> ()
    %mul3A_54 = arith.constant 640 : i32
    %mul3A_55 = arith.muli %arg1, %mul3A_54 : i32
    %add3A_56 = arith.constant 384 : i32
    %add3A_57 = arith.addi %mul3A_55, %add3A_56 : i32
    "tpu.region"() ({
      %run_scoped3A = tpu.sem_alloc : memref<!tpu.dma_semaphore, #tpu.memory_space<semaphore_mem>>
      %dma_start3A = arith.constant 0 : i32
      %dma_start3A_62 = tpu.memref_slice %arg7[%add3A_57, %dma_start3A] : memref<10240x16xf32, #tpu.memory_space<vmem_shared>> -> memref<128x16xf32, #tpu.memory_space<vmem_shared>>
      %dma_start3A_63 = arith.constant 0 : i32
      %dma_start3A_64 = tpu.memref_slice %arg7[%add3A_57, %dma_start3A_63] : memref<10240x16xf32, #tpu.memory_space<vmem_shared>> -> memref<128x16xf32, #tpu.memory_space<vmem_shared>>
      tpu.enqueue_dma source(%dma_start3A_64 : memref<128x16xf32, #tpu.memory_space<vmem_shared>>) target(%arg5 : memref<128x16xf32, #tpu.memory_space<vmem>>) target_semaphore(%run_scoped3A : memref<!tpu.dma_semaphore, #tpu.memory_space<semaphore_mem>>)
      %dma_wait3A = arith.constant 0 : i32
      %dma_wait3A_65 = tpu.memref_slice %arg7[%add3A_57, %dma_wait3A] : memref<10240x16xf32, #tpu.memory_space<vmem_shared>> -> memref<128x16xf32, #tpu.memory_space<vmem_shared>>
      %dma_wait3A_66 = arith.constant 0 : i32
      %dma_wait3A_67 = tpu.memref_slice %arg7[%add3A_57, %dma_wait3A_66] : memref<10240x16xf32, #tpu.memory_space<vmem_shared>> -> memref<128x16xf32, #tpu.memory_space<vmem_shared>>
      tpu.wait_dma2 semaphore(%run_scoped3A : memref<!tpu.dma_semaphore, #tpu.memory_space<semaphore_mem>>) src(%dma_wait3A_67 : memref<128x16xf32, #tpu.memory_space<vmem_shared>>) dst(%arg5 : memref<128x16xf32, #tpu.memory_space<vmem>>)
      tpu.yield
    }) : () -> ()
    "tpu.region"() ({
      %run_scoped3A = tpu.sem_alloc : memref<!tpu.dma_semaphore, #tpu.memory_space<semaphore_mem>>
      %dma_start3A = arith.constant 0 : i32
      %dma_start3A_62 = arith.constant 0 : i32
      %dma_start3A_63 = tpu.memref_slice %arg3[%arg0, %dma_start3A, %dma_start3A_62] : memref<2x10240x16xf32, #tpu.memory_space<hbm>> -> memref<1x10240x16xf32, #tpu.memory_space<hbm>>
      %dma_start3A_64 = tpu.memref_squeeze %dma_start3A_63 : memref<1x10240x16xf32, #tpu.memory_space<hbm>> -> memref<10240x16xf32, #tpu.memory_space<hbm>>
      %dma_start3A_65 = arith.constant 0 : i32
      %dma_start3A_66 = tpu.memref_slice %dma_start3A_64[%add3A_57, %dma_start3A_65] : memref<10240x16xf32, #tpu.memory_space<hbm>> -> memref<128x16xf32, #tpu.memory_space<hbm>>
      %dma_start3A_67 = arith.constant 0 : i32
      %dma_start3A_68 = arith.constant 0 : i32
      %dma_start3A_69 = tpu.memref_slice %arg3[%arg0, %dma_start3A_67, %dma_start3A_68] : memref<2x10240x16xf32, #tpu.memory_space<hbm>> -> memref<1x10240x16xf32, #tpu.memory_space<hbm>>
      %dma_start3A_70 = tpu.memref_squeeze %dma_start3A_69 : memref<1x10240x16xf32, #tpu.memory_space<hbm>> -> memref<10240x16xf32, #tpu.memory_space<hbm>>
      %dma_start3A_71 = arith.constant 0 : i32
      %dma_start3A_72 = tpu.memref_slice %dma_start3A_70[%add3A_57, %dma_start3A_71] : memref<10240x16xf32, #tpu.memory_space<hbm>> -> memref<128x16xf32, #tpu.memory_space<hbm>>
      tpu.enqueue_dma source(%arg5 : memref<128x16xf32, #tpu.memory_space<vmem>>) target(%dma_start3A_72 : memref<128x16xf32, #tpu.memory_space<hbm>>) target_semaphore(%run_scoped3A : memref<!tpu.dma_semaphore, #tpu.memory_space<semaphore_mem>>)
      %dma_wait3A = arith.constant 0 : i32
      %dma_wait3A_73 = arith.constant 0 : i32
      %dma_wait3A_74 = tpu.memref_slice %arg3[%arg0, %dma_wait3A, %dma_wait3A_73] : memref<2x10240x16xf32, #tpu.memory_space<hbm>> -> memref<1x10240x16xf32, #tpu.memory_space<hbm>>
      %dma_wait3A_75 = tpu.memref_squeeze %dma_wait3A_74 : memref<1x10240x16xf32, #tpu.memory_space<hbm>> -> memref<10240x16xf32, #tpu.memory_space<hbm>>
      %dma_wait3A_76 = arith.constant 0 : i32
      %dma_wait3A_77 = tpu.memref_slice %dma_wait3A_75[%add3A_57, %dma_wait3A_76] : memref<10240x16xf32, #tpu.memory_space<hbm>> -> memref<128x16xf32, #tpu.memory_space<hbm>>
      %dma_wait3A_78 = arith.constant 0 : i32
      %dma_wait3A_79 = arith.constant 0 : i32
      %dma_wait3A_80 = tpu.memref_slice %arg3[%arg0, %dma_wait3A_78, %dma_wait3A_79] : memref<2x10240x16xf32, #tpu.memory_space<hbm>> -> memref<1x10240x16xf32, #tpu.memory_space<hbm>>
      %dma_wait3A_81 = tpu.memref_squeeze %dma_wait3A_80 : memref<1x10240x16xf32, #tpu.memory_space<hbm>> -> memref<10240x16xf32, #tpu.memory_space<hbm>>
      %dma_wait3A_82 = arith.constant 0 : i32
      %dma_wait3A_83 = tpu.memref_slice %dma_wait3A_81[%add3A_57, %dma_wait3A_82] : memref<10240x16xf32, #tpu.memory_space<hbm>> -> memref<128x16xf32, #tpu.memory_space<hbm>>
      tpu.wait_dma2 semaphore(%run_scoped3A : memref<!tpu.dma_semaphore, #tpu.memory_space<semaphore_mem>>) src(%arg5 : memref<128x16xf32, #tpu.memory_space<vmem>>) dst(%dma_wait3A_83 : memref<128x16xf32, #tpu.memory_space<hbm>>)
      tpu.yield
    }) : () -> ()
    %mul3A_58 = arith.constant 640 : i32
    %mul3A_59 = arith.muli %arg1, %mul3A_58 : i32
    %add3A_60 = arith.constant 512 : i32
    %add3A_61 = arith.addi %mul3A_59, %add3A_60 : i32
    "tpu.region"() ({
      %run_scoped3A = tpu.sem_alloc : memref<!tpu.dma_semaphore, #tpu.memory_space<semaphore_mem>>
      %dma_start3A = arith.constant 0 : i32
      %dma_start3A_62 = tpu.memref_slice %arg7[%add3A_61, %dma_start3A] : memref<10240x16xf32, #tpu.memory_space<vmem_shared>> -> memref<128x16xf32, #tpu.memory_space<vmem_shared>>
      %dma_start3A_63 = arith.constant 0 : i32
      %dma_start3A_64 = tpu.memref_slice %arg7[%add3A_61, %dma_start3A_63] : memref<10240x16xf32, #tpu.memory_space<vmem_shared>> -> memref<128x16xf32, #tpu.memory_space<vmem_shared>>
      tpu.enqueue_dma source(%dma_start3A_64 : memref<128x16xf32, #tpu.memory_space<vmem_shared>>) target(%arg5 : memref<128x16xf32, #tpu.memory_space<vmem>>) target_semaphore(%run_scoped3A : memref<!tpu.dma_semaphore, #tpu.memory_space<semaphore_mem>>)
      %dma_wait3A = arith.constant 0 : i32
      %dma_wait3A_65 = tpu.memref_slice %arg7[%add3A_61, %dma_wait3A] : memref<10240x16xf32, #tpu.memory_space<vmem_shared>> -> memref<128x16xf32, #tpu.memory_space<vmem_shared>>
      %dma_wait3A_66 = arith.constant 0 : i32
      %dma_wait3A_67 = tpu.memref_slice %arg7[%add3A_61, %dma_wait3A_66] : memref<10240x16xf32, #tpu.memory_space<vmem_shared>> -> memref<128x16xf32, #tpu.memory_space<vmem_shared>>
      tpu.wait_dma2 semaphore(%run_scoped3A : memref<!tpu.dma_semaphore, #tpu.memory_space<semaphore_mem>>) src(%dma_wait3A_67 : memref<128x16xf32, #tpu.memory_space<vmem_shared>>) dst(%arg5 : memref<128x16xf32, #tpu.memory_space<vmem>>)
      tpu.yield
    }) : () -> ()
    "tpu.region"() ({
      %run_scoped3A = tpu.sem_alloc : memref<!tpu.dma_semaphore, #tpu.memory_space<semaphore_mem>>
      %dma_start3A = arith.constant 0 : i32
      %dma_start3A_62 = arith.constant 0 : i32
      %dma_start3A_63 = tpu.memref_slice %arg3[%arg0, %dma_start3A, %dma_start3A_62] : memref<2x10240x16xf32, #tpu.memory_space<hbm>> -> memref<1x10240x16xf32, #tpu.memory_space<hbm>>
      %dma_start3A_64 = tpu.memref_squeeze %dma_start3A_63 : memref<1x10240x16xf32, #tpu.memory_space<hbm>> -> memref<10240x16xf32, #tpu.memory_space<hbm>>
      %dma_start3A_65 = arith.constant 0 : i32
      %dma_start3A_66 = tpu.memref_slice %dma_start3A_64[%add3A_61, %dma_start3A_65] : memref<10240x16xf32, #tpu.memory_space<hbm>> -> memref<128x16xf32, #tpu.memory_space<hbm>>
      %dma_start3A_67 = arith.constant 0 : i32
      %dma_start3A_68 = arith.constant 0 : i32
      %dma_start3A_69 = tpu.memref_slice %arg3[%arg0, %dma_start3A_67, %dma_start3A_68] : memref<2x10240x16xf32, #tpu.memory_space<hbm>> -> memref<1x10240x16xf32, #tpu.memory_space<hbm>>
      %dma_start3A_70 = tpu.memref_squeeze %dma_start3A_69 : memref<1x10240x16xf32, #tpu.memory_space<hbm>> -> memref<10240x16xf32, #tpu.memory_space<hbm>>
      %dma_start3A_71 = arith.constant 0 : i32
      %dma_start3A_72 = tpu.memref_slice %dma_start3A_70[%add3A_61, %dma_start3A_71] : memref<10240x16xf32, #tpu.memory_space<hbm>> -> memref<128x16xf32, #tpu.memory_space<hbm>>
      tpu.enqueue_dma source(%arg5 : memref<128x16xf32, #tpu.memory_space<vmem>>) target(%dma_start3A_72 : memref<128x16xf32, #tpu.memory_space<hbm>>) target_semaphore(%run_scoped3A : memref<!tpu.dma_semaphore, #tpu.memory_space<semaphore_mem>>)
      %dma_wait3A = arith.constant 0 : i32
      %dma_wait3A_73 = arith.constant 0 : i32
      %dma_wait3A_74 = tpu.memref_slice %arg3[%arg0, %dma_wait3A, %dma_wait3A_73] : memref<2x10240x16xf32, #tpu.memory_space<hbm>> -> memref<1x10240x16xf32, #tpu.memory_space<hbm>>
      %dma_wait3A_75 = tpu.memref_squeeze %dma_wait3A_74 : memref<1x10240x16xf32, #tpu.memory_space<hbm>> -> memref<10240x16xf32, #tpu.memory_space<hbm>>
      %dma_wait3A_76 = arith.constant 0 : i32
      %dma_wait3A_77 = tpu.memref_slice %dma_wait3A_75[%add3A_61, %dma_wait3A_76] : memref<10240x16xf32, #tpu.memory_space<hbm>> -> memref<128x16xf32, #tpu.memory_space<hbm>>
      %dma_wait3A_78 = arith.constant 0 : i32
      %dma_wait3A_79 = arith.constant 0 : i32
      %dma_wait3A_80 = tpu.memref_slice %arg3[%arg0, %dma_wait3A_78, %dma_wait3A_79] : memref<2x10240x16xf32, #tpu.memory_space<hbm>> -> memref<1x10240x16xf32, #tpu.memory_space<hbm>>
      %dma_wait3A_81 = tpu.memref_squeeze %dma_wait3A_80 : memref<1x10240x16xf32, #tpu.memory_space<hbm>> -> memref<10240x16xf32, #tpu.memory_space<hbm>>
      %dma_wait3A_82 = arith.constant 0 : i32
      %dma_wait3A_83 = tpu.memref_slice %dma_wait3A_81[%add3A_61, %dma_wait3A_82] : memref<10240x16xf32, #tpu.memory_space<hbm>> -> memref<128x16xf32, #tpu.memory_space<hbm>>
      tpu.wait_dma2 semaphore(%run_scoped3A : memref<!tpu.dma_semaphore, #tpu.memory_space<semaphore_mem>>) src(%arg5 : memref<128x16xf32, #tpu.memory_space<vmem>>) dst(%dma_wait3A_83 : memref<128x16xf32, #tpu.memory_space<hbm>>)
      tpu.yield
    }) : () -> ()
    return
  }
}

#map = affine_map<(d0, d1) -> (0, 0)>
#map1 = affine_map<(d0, d1) -> (0, 0, 0)>
module attributes {stable_mosaic.version = 14 : i64} {
  func.func @_prop_body(%arg0: i32, %arg1: i32, %arg2: memref<20000x64xf32, #tpu.memory_space<hbm>>, %arg3: memref<32x250x80xi32, #tpu.memory_space<hbm>>, %arg4: memref<16x250x80xi32, #tpu.memory_space<hbm>>, %arg5: memref<2x10240x64xf32, #tpu.memory_space<hbm>>, %arg6: memref<250x80xi32, #tpu.memory_space<vmem>>, %arg7: memref<250x80xi32, #tpu.memory_space<vmem>>, %arg8: memref<80x64xf32, #tpu.memory_space<vmem>>, %arg9: memref<80x64xf32, #tpu.memory_space<vmem>>, %arg10: memref<80x64xf32, #tpu.memory_space<vmem>>, %arg11: memref<80x64xf32, #tpu.memory_space<vmem>>, %arg12: memref<80x64xf32, #tpu.memory_space<vmem>>, %arg13: memref<128x64xf32, #tpu.memory_space<vmem>>, %arg14: memref<10240x64xf32, #tpu.memory_space<vmem_shared>>, %arg15: memref<!tpu.dma_semaphore, #tpu.memory_space<semaphore_mem>>, %arg16: memref<!tpu.dma_semaphore, #tpu.memory_space<semaphore_mem>>, %arg17: memref<!tpu.dma_semaphore, #tpu.memory_space<semaphore_mem>>, %arg18: memref<!tpu.dma_semaphore, #tpu.memory_space<semaphore_mem>>, %arg19: memref<!tpu.dma_semaphore, #tpu.memory_space<semaphore_mem>>) attributes {dimension_semantics = [#tpu.dimension_semantics<core_parallel>, #tpu.dimension_semantics<subcore_parallel>], iteration_bounds = array<i64: 2, 16>, scalar_prefetch = 0 : i64, scratch_operands = 14 : i64, tpu.core_type = #tpu.core_type<sc_vector_subcore>, window_params = [{transform_indices = #map}, {transform_indices = #map1}, {transform_indices = #map1}, {transform_indices = #map1}]} {
    %mul3A = arith.constant 16 : i32
    %mul3A_0 = arith.muli %arg0, %mul3A : i32
    %add3A = arith.addi %mul3A_0, %arg1 : i32
    %broadcast_in_dim3A = arith.constant 0.000000e+00 : f32
    %broadcast_in_dim3A_1 = vector.broadcast %broadcast_in_dim3A : f32 to vector<16xf32>
    %scan3A = arith.constant 0 : i32
    %scan3A_2 = arith.constant 0 : i32
    %scan3A_3 = arith.constant 128 : i32
    %scan3A_4 = arith.addi %scan3A_2, %scan3A_3 : i32
    %scan3A_5 = arith.constant 1 : i32
    scf.for %scan3A_108 = %scan3A_2 to %scan3A_4 step %scan3A_5  : i32 {
      %swap3A = arith.index_cast %scan3A_108 : i32 to index
      %swap3A_109 = arith.constant 0 : index
      %swap3A_110 = tpu.vector_load %arg13[%swap3A, %swap3A_109] {strides = array<i32>} : memref<128x64xf32, #tpu.memory_space<vmem>>, vector<1x16xf32>,
      %swap3A_111 = vector.shape_cast %swap3A_110 : vector<1x16xf32> to vector<16xf32>
      %swap3A_112 = vector.shape_cast %broadcast_in_dim3A_1 : vector<16xf32> to vector<1x16xf32>
      tpu.vector_store %arg13[%swap3A, %swap3A_109], %swap3A_112 {strides = array<i32>} : memref<128x64xf32, #tpu.memory_space<vmem>>, vector<1x16xf32>,
      %swap3A_113 = arith.index_cast %scan3A_108 : i32 to index
      %swap3A_114 = arith.constant 16 : index
      %swap3A_115 = tpu.vector_load %arg13[%swap3A_113, %swap3A_114] {strides = array<i32>} : memref<128x64xf32, #tpu.memory_space<vmem>>, vector<1x16xf32>,
      %swap3A_116 = vector.shape_cast %swap3A_115 : vector<1x16xf32> to vector<16xf32>
      %swap3A_117 = vector.shape_cast %broadcast_in_dim3A_1 : vector<16xf32> to vector<1x16xf32>
      tpu.vector_store %arg13[%swap3A_113, %swap3A_114], %swap3A_117 {strides = array<i32>} : memref<128x64xf32, #tpu.memory_space<vmem>>, vector<1x16xf32>,
      %swap3A_118 = arith.index_cast %scan3A_108 : i32 to index
      %swap3A_119 = arith.constant 32 : index
      %swap3A_120 = tpu.vector_load %arg13[%swap3A_118, %swap3A_119] {strides = array<i32>} : memref<128x64xf32, #tpu.memory_space<vmem>>, vector<1x16xf32>,
      %swap3A_121 = vector.shape_cast %swap3A_120 : vector<1x16xf32> to vector<16xf32>
      %swap3A_122 = vector.shape_cast %broadcast_in_dim3A_1 : vector<16xf32> to vector<1x16xf32>
      tpu.vector_store %arg13[%swap3A_118, %swap3A_119], %swap3A_122 {strides = array<i32>} : memref<128x64xf32, #tpu.memory_space<vmem>>, vector<1x16xf32>,
      %swap3A_123 = arith.index_cast %scan3A_108 : i32 to index
      %swap3A_124 = arith.constant 48 : index
      %swap3A_125 = tpu.vector_load %arg13[%swap3A_123, %swap3A_124] {strides = array<i32>} : memref<128x64xf32, #tpu.memory_space<vmem>>, vector<1x16xf32>,
      %swap3A_126 = vector.shape_cast %swap3A_125 : vector<1x16xf32> to vector<16xf32>
      %swap3A_127 = vector.shape_cast %broadcast_in_dim3A_1 : vector<16xf32> to vector<1x16xf32>
      tpu.vector_store %arg13[%swap3A_123, %swap3A_124], %swap3A_127 {strides = array<i32>} : memref<128x64xf32, #tpu.memory_space<vmem>>, vector<1x16xf32>,
    }
    %scan3A_6 = arith.constant 128 : i32
    %mul3A_7 = arith.constant 640 : i32
    %mul3A_8 = arith.muli %arg1, %mul3A_7 : i32
    %add3A_9 = arith.constant 0 : i32
    %add3A_10 = arith.addi %mul3A_8, %add3A_9 : i32
    "tpu.region"() ({
      %run_scoped3A = tpu.sem_alloc : memref<!tpu.dma_semaphore, #tpu.memory_space<semaphore_mem>>
      %dma_start3A_108 = arith.constant 0 : i32
      %dma_start3A_109 = tpu.memref_slice %arg14[%add3A_10, %dma_start3A_108] : memref<10240x64xf32, #tpu.memory_space<vmem_shared>> -> memref<128x64xf32, #tpu.memory_space<vmem_shared>>
      %dma_start3A_110 = arith.constant 0 : i32
      %dma_start3A_111 = tpu.memref_slice %arg14[%add3A_10, %dma_start3A_110] : memref<10240x64xf32, #tpu.memory_space<vmem_shared>> -> memref<128x64xf32, #tpu.memory_space<vmem_shared>>
      tpu.enqueue_dma source(%arg13 : memref<128x64xf32, #tpu.memory_space<vmem>>) target(%dma_start3A_111 : memref<128x64xf32, #tpu.memory_space<vmem_shared>>) target_semaphore(%run_scoped3A : memref<!tpu.dma_semaphore, #tpu.memory_space<semaphore_mem>>)
      %dma_wait3A_112 = arith.constant 0 : i32
      %dma_wait3A_113 = tpu.memref_slice %arg14[%add3A_10, %dma_wait3A_112] : memref<10240x64xf32, #tpu.memory_space<vmem_shared>> -> memref<128x64xf32, #tpu.memory_space<vmem_shared>>
      %dma_wait3A_114 = arith.constant 0 : i32
      %dma_wait3A_115 = tpu.memref_slice %arg14[%add3A_10, %dma_wait3A_114] : memref<10240x64xf32, #tpu.memory_space<vmem_shared>> -> memref<128x64xf32, #tpu.memory_space<vmem_shared>>
      tpu.wait_dma2 semaphore(%run_scoped3A : memref<!tpu.dma_semaphore, #tpu.memory_space<semaphore_mem>>) src(%arg13 : memref<128x64xf32, #tpu.memory_space<vmem>>) dst(%dma_wait3A_115 : memref<128x64xf32, #tpu.memory_space<vmem_shared>>)
      tpu.yield
    }) : () -> ()
    %mul3A_11 = arith.constant 640 : i32
    %mul3A_12 = arith.muli %arg1, %mul3A_11 : i32
    %add3A_13 = arith.constant 128 : i32
    %add3A_14 = arith.addi %mul3A_12, %add3A_13 : i32
    "tpu.region"() ({
      %run_scoped3A = tpu.sem_alloc : memref<!tpu.dma_semaphore, #tpu.memory_space<semaphore_mem>>
      %dma_start3A_108 = arith.constant 0 : i32
      %dma_start3A_109 = tpu.memref_slice %arg14[%add3A_14, %dma_start3A_108] : memref<10240x64xf32, #tpu.memory_space<vmem_shared>> -> memref<128x64xf32, #tpu.memory_space<vmem_shared>>
      %dma_start3A_110 = arith.constant 0 : i32
      %dma_start3A_111 = tpu.memref_slice %arg14[%add3A_14, %dma_start3A_110] : memref<10240x64xf32, #tpu.memory_space<vmem_shared>> -> memref<128x64xf32, #tpu.memory_space<vmem_shared>>
      tpu.enqueue_dma source(%arg13 : memref<128x64xf32, #tpu.memory_space<vmem>>) target(%dma_start3A_111 : memref<128x64xf32, #tpu.memory_space<vmem_shared>>) target_semaphore(%run_scoped3A : memref<!tpu.dma_semaphore, #tpu.memory_space<semaphore_mem>>)
      %dma_wait3A_112 = arith.constant 0 : i32
      %dma_wait3A_113 = tpu.memref_slice %arg14[%add3A_14, %dma_wait3A_112] : memref<10240x64xf32, #tpu.memory_space<vmem_shared>> -> memref<128x64xf32, #tpu.memory_space<vmem_shared>>
      %dma_wait3A_114 = arith.constant 0 : i32
      %dma_wait3A_115 = tpu.memref_slice %arg14[%add3A_14, %dma_wait3A_114] : memref<10240x64xf32, #tpu.memory_space<vmem_shared>> -> memref<128x64xf32, #tpu.memory_space<vmem_shared>>
      tpu.wait_dma2 semaphore(%run_scoped3A : memref<!tpu.dma_semaphore, #tpu.memory_space<semaphore_mem>>) src(%arg13 : memref<128x64xf32, #tpu.memory_space<vmem>>) dst(%dma_wait3A_115 : memref<128x64xf32, #tpu.memory_space<vmem_shared>>)
      tpu.yield
    }) : () -> ()
    %mul3A_15 = arith.constant 640 : i32
    %mul3A_16 = arith.muli %arg1, %mul3A_15 : i32
    %add3A_17 = arith.constant 256 : i32
    %add3A_18 = arith.addi %mul3A_16, %add3A_17 : i32
    "tpu.region"() ({
      %run_scoped3A = tpu.sem_alloc : memref<!tpu.dma_semaphore, #tpu.memory_space<semaphore_mem>>
      %dma_start3A_108 = arith.constant 0 : i32
      %dma_start3A_109 = tpu.memref_slice %arg14[%add3A_18, %dma_start3A_108] : memref<10240x64xf32, #tpu.memory_space<vmem_shared>> -> memref<128x64xf32, #tpu.memory_space<vmem_shared>>
      %dma_start3A_110 = arith.constant 0 : i32
      %dma_start3A_111 = tpu.memref_slice %arg14[%add3A_18, %dma_start3A_110] : memref<10240x64xf32, #tpu.memory_space<vmem_shared>> -> memref<128x64xf32, #tpu.memory_space<vmem_shared>>
      tpu.enqueue_dma source(%arg13 : memref<128x64xf32, #tpu.memory_space<vmem>>) target(%dma_start3A_111 : memref<128x64xf32, #tpu.memory_space<vmem_shared>>) target_semaphore(%run_scoped3A : memref<!tpu.dma_semaphore, #tpu.memory_space<semaphore_mem>>)
      %dma_wait3A_112 = arith.constant 0 : i32
      %dma_wait3A_113 = tpu.memref_slice %arg14[%add3A_18, %dma_wait3A_112] : memref<10240x64xf32, #tpu.memory_space<vmem_shared>> -> memref<128x64xf32, #tpu.memory_space<vmem_shared>>
      %dma_wait3A_114 = arith.constant 0 : i32
      %dma_wait3A_115 = tpu.memref_slice %arg14[%add3A_18, %dma_wait3A_114] : memref<10240x64xf32, #tpu.memory_space<vmem_shared>> -> memref<128x64xf32, #tpu.memory_space<vmem_shared>>
      tpu.wait_dma2 semaphore(%run_scoped3A : memref<!tpu.dma_semaphore, #tpu.memory_space<semaphore_mem>>) src(%arg13 : memref<128x64xf32, #tpu.memory_space<vmem>>) dst(%dma_wait3A_115 : memref<128x64xf32, #tpu.memory_space<vmem_shared>>)
      tpu.yield
    }) : () -> ()
    %mul3A_19 = arith.constant 640 : i32
    %mul3A_20 = arith.muli %arg1, %mul3A_19 : i32
    %add3A_21 = arith.constant 384 : i32
    %add3A_22 = arith.addi %mul3A_20, %add3A_21 : i32
    "tpu.region"() ({
      %run_scoped3A = tpu.sem_alloc : memref<!tpu.dma_semaphore, #tpu.memory_space<semaphore_mem>>
      %dma_start3A_108 = arith.constant 0 : i32
      %dma_start3A_109 = tpu.memref_slice %arg14[%add3A_22, %dma_start3A_108] : memref<10240x64xf32, #tpu.memory_space<vmem_shared>> -> memref<128x64xf32, #tpu.memory_space<vmem_shared>>
      %dma_start3A_110 = arith.constant 0 : i32
      %dma_start3A_111 = tpu.memref_slice %arg14[%add3A_22, %dma_start3A_110] : memref<10240x64xf32, #tpu.memory_space<vmem_shared>> -> memref<128x64xf32, #tpu.memory_space<vmem_shared>>
      tpu.enqueue_dma source(%arg13 : memref<128x64xf32, #tpu.memory_space<vmem>>) target(%dma_start3A_111 : memref<128x64xf32, #tpu.memory_space<vmem_shared>>) target_semaphore(%run_scoped3A : memref<!tpu.dma_semaphore, #tpu.memory_space<semaphore_mem>>)
      %dma_wait3A_112 = arith.constant 0 : i32
      %dma_wait3A_113 = tpu.memref_slice %arg14[%add3A_22, %dma_wait3A_112] : memref<10240x64xf32, #tpu.memory_space<vmem_shared>> -> memref<128x64xf32, #tpu.memory_space<vmem_shared>>
      %dma_wait3A_114 = arith.constant 0 : i32
      %dma_wait3A_115 = tpu.memref_slice %arg14[%add3A_22, %dma_wait3A_114] : memref<10240x64xf32, #tpu.memory_space<vmem_shared>> -> memref<128x64xf32, #tpu.memory_space<vmem_shared>>
      tpu.wait_dma2 semaphore(%run_scoped3A : memref<!tpu.dma_semaphore, #tpu.memory_space<semaphore_mem>>) src(%arg13 : memref<128x64xf32, #tpu.memory_space<vmem>>) dst(%dma_wait3A_115 : memref<128x64xf32, #tpu.memory_space<vmem_shared>>)
      tpu.yield
    }) : () -> ()
    %mul3A_23 = arith.constant 640 : i32
    %mul3A_24 = arith.muli %arg1, %mul3A_23 : i32
    %add3A_25 = arith.constant 512 : i32
    %add3A_26 = arith.addi %mul3A_24, %add3A_25 : i32
    "tpu.region"() ({
      %run_scoped3A = tpu.sem_alloc : memref<!tpu.dma_semaphore, #tpu.memory_space<semaphore_mem>>
      %dma_start3A_108 = arith.constant 0 : i32
      %dma_start3A_109 = tpu.memref_slice %arg14[%add3A_26, %dma_start3A_108] : memref<10240x64xf32, #tpu.memory_space<vmem_shared>> -> memref<128x64xf32, #tpu.memory_space<vmem_shared>>
      %dma_start3A_110 = arith.constant 0 : i32
      %dma_start3A_111 = tpu.memref_slice %arg14[%add3A_26, %dma_start3A_110] : memref<10240x64xf32, #tpu.memory_space<vmem_shared>> -> memref<128x64xf32, #tpu.memory_space<vmem_shared>>
      tpu.enqueue_dma source(%arg13 : memref<128x64xf32, #tpu.memory_space<vmem>>) target(%dma_start3A_111 : memref<128x64xf32, #tpu.memory_space<vmem_shared>>) target_semaphore(%run_scoped3A : memref<!tpu.dma_semaphore, #tpu.memory_space<semaphore_mem>>)
      %dma_wait3A_112 = arith.constant 0 : i32
      %dma_wait3A_113 = tpu.memref_slice %arg14[%add3A_26, %dma_wait3A_112] : memref<10240x64xf32, #tpu.memory_space<vmem_shared>> -> memref<128x64xf32, #tpu.memory_space<vmem_shared>>
      %dma_wait3A_114 = arith.constant 0 : i32
      %dma_wait3A_115 = tpu.memref_slice %arg14[%add3A_26, %dma_wait3A_114] : memref<10240x64xf32, #tpu.memory_space<vmem_shared>> -> memref<128x64xf32, #tpu.memory_space<vmem_shared>>
      tpu.wait_dma2 semaphore(%run_scoped3A : memref<!tpu.dma_semaphore, #tpu.memory_space<semaphore_mem>>) src(%arg13 : memref<128x64xf32, #tpu.memory_space<vmem>>) dst(%dma_wait3A_115 : memref<128x64xf32, #tpu.memory_space<vmem_shared>>)
      tpu.yield
    }) : () -> ()
    "tpu.region"() ({
      %run_scoped3A = tpu.sem_alloc : memref<!tpu.dma_semaphore, #tpu.memory_space<semaphore_mem>>
      %dma_start3A_108 = arith.constant 0 : i32
      %dma_start3A_109 = arith.constant 0 : i32
      %dma_start3A_110 = tpu.memref_slice %arg3[%add3A, %dma_start3A_108, %dma_start3A_109] : memref<32x250x80xi32, #tpu.memory_space<hbm>> -> memref<1x250x80xi32, #tpu.memory_space<hbm>>
      %dma_start3A_111 = tpu.memref_squeeze %dma_start3A_110 : memref<1x250x80xi32, #tpu.memory_space<hbm>> -> memref<250x80xi32, #tpu.memory_space<hbm>>
      %dma_start3A_112 = arith.constant 0 : i32
      %dma_start3A_113 = arith.constant 0 : i32
      %dma_start3A_114 = tpu.memref_slice %arg3[%add3A, %dma_start3A_112, %dma_start3A_113] : memref<32x250x80xi32, #tpu.memory_space<hbm>> -> memref<1x250x80xi32, #tpu.memory_space<hbm>>
      %dma_start3A_115 = tpu.memref_squeeze %dma_start3A_114 : memref<1x250x80xi32, #tpu.memory_space<hbm>> -> memref<250x80xi32, #tpu.memory_space<hbm>>
      tpu.enqueue_dma source(%dma_start3A_115 : memref<250x80xi32, #tpu.memory_space<hbm>>) target(%arg6 : memref<250x80xi32, #tpu.memory_space<vmem>>) target_semaphore(%run_scoped3A : memref<!tpu.dma_semaphore, #tpu.memory_space<semaphore_mem>>)
      %dma_wait3A_116 = arith.constant 0 : i32
      %dma_wait3A_117 = arith.constant 0 : i32
      %dma_wait3A_118 = tpu.memref_slice %arg3[%add3A, %dma_wait3A_116, %dma_wait3A_117] : memref<32x250x80xi32, #tpu.memory_space<hbm>> -> memref<1x250x80xi32, #tpu.memory_space<hbm>>
      %dma_wait3A_119 = tpu.memref_squeeze %dma_wait3A_118 : memref<1x250x80xi32, #tpu.memory_space<hbm>> -> memref<250x80xi32, #tpu.memory_space<hbm>>
      %dma_wait3A_120 = arith.constant 0 : i32
      %dma_wait3A_121 = arith.constant 0 : i32
      %dma_wait3A_122 = tpu.memref_slice %arg3[%add3A, %dma_wait3A_120, %dma_wait3A_121] : memref<32x250x80xi32, #tpu.memory_space<hbm>> -> memref<1x250x80xi32, #tpu.memory_space<hbm>>
      %dma_wait3A_123 = tpu.memref_squeeze %dma_wait3A_122 : memref<1x250x80xi32, #tpu.memory_space<hbm>> -> memref<250x80xi32, #tpu.memory_space<hbm>>
      tpu.wait_dma2 semaphore(%run_scoped3A : memref<!tpu.dma_semaphore, #tpu.memory_space<semaphore_mem>>) src(%dma_wait3A_123 : memref<250x80xi32, #tpu.memory_space<hbm>>) dst(%arg6 : memref<250x80xi32, #tpu.memory_space<vmem>>)
      tpu.yield
    }) : () -> ()
    "tpu.region"() ({
      %run_scoped3A = tpu.sem_alloc : memref<!tpu.dma_semaphore, #tpu.memory_space<semaphore_mem>>
      %dma_start3A_108 = arith.constant 0 : i32
      %dma_start3A_109 = arith.constant 0 : i32
      %dma_start3A_110 = tpu.memref_slice %arg4[%arg1, %dma_start3A_108, %dma_start3A_109] : memref<16x250x80xi32, #tpu.memory_space<hbm>> -> memref<1x250x80xi32, #tpu.memory_space<hbm>>
      %dma_start3A_111 = tpu.memref_squeeze %dma_start3A_110 : memref<1x250x80xi32, #tpu.memory_space<hbm>> -> memref<250x80xi32, #tpu.memory_space<hbm>>
      %dma_start3A_112 = arith.constant 0 : i32
      %dma_start3A_113 = arith.constant 0 : i32
      %dma_start3A_114 = tpu.memref_slice %arg4[%arg1, %dma_start3A_112, %dma_start3A_113] : memref<16x250x80xi32, #tpu.memory_space<hbm>> -> memref<1x250x80xi32, #tpu.memory_space<hbm>>
      %dma_start3A_115 = tpu.memref_squeeze %dma_start3A_114 : memref<1x250x80xi32, #tpu.memory_space<hbm>> -> memref<250x80xi32, #tpu.memory_space<hbm>>
      tpu.enqueue_dma source(%dma_start3A_115 : memref<250x80xi32, #tpu.memory_space<hbm>>) target(%arg7 : memref<250x80xi32, #tpu.memory_space<vmem>>) target_semaphore(%run_scoped3A : memref<!tpu.dma_semaphore, #tpu.memory_space<semaphore_mem>>)
      %dma_wait3A_116 = arith.constant 0 : i32
      %dma_wait3A_117 = arith.constant 0 : i32
      %dma_wait3A_118 = tpu.memref_slice %arg4[%arg1, %dma_wait3A_116, %dma_wait3A_117] : memref<16x250x80xi32, #tpu.memory_space<hbm>> -> memref<1x250x80xi32, #tpu.memory_space<hbm>>
      %dma_wait3A_119 = tpu.memref_squeeze %dma_wait3A_118 : memref<1x250x80xi32, #tpu.memory_space<hbm>> -> memref<250x80xi32, #tpu.memory_space<hbm>>
      %dma_wait3A_120 = arith.constant 0 : i32
      %dma_wait3A_121 = arith.constant 0 : i32
      %dma_wait3A_122 = tpu.memref_slice %arg4[%arg1, %dma_wait3A_120, %dma_wait3A_121] : memref<16x250x80xi32, #tpu.memory_space<hbm>> -> memref<1x250x80xi32, #tpu.memory_space<hbm>>
      %dma_wait3A_123 = tpu.memref_squeeze %dma_wait3A_122 : memref<1x250x80xi32, #tpu.memory_space<hbm>> -> memref<250x80xi32, #tpu.memory_space<hbm>>
      tpu.wait_dma2 semaphore(%run_scoped3A : memref<!tpu.dma_semaphore, #tpu.memory_space<semaphore_mem>>) src(%dma_wait3A_123 : memref<250x80xi32, #tpu.memory_space<hbm>>) dst(%arg7 : memref<250x80xi32, #tpu.memory_space<vmem>>)
      tpu.yield
    }) : () -> ()
    %barrier3A = arith.constant 0 : index
    tpu.barrier barrier_id(%barrier3A)
    %dma_start3A = arith.constant 0 : i32
    %dma_start3A_27 = arith.constant 0 : i32
    %dma_start3A_28 = tpu.memref_slice %arg6[%dma_start3A, %dma_start3A_27] : memref<250x80xi32, #tpu.memory_space<vmem>> -> memref<1x80xi32, #tpu.memory_space<vmem>>
    %dma_start3A_29 = tpu.memref_squeeze %dma_start3A_28 : memref<1x80xi32, #tpu.memory_space<vmem>> -> memref<80xi32, #tpu.memory_space<vmem>>
    %dma_start3A_30 = arith.constant 0 : i32
    %dma_start3A_31 = arith.constant 0 : i32
    %dma_start3A_32 = tpu.memref_slice %arg2[%dma_start3A_30, %dma_start3A_31] : memref<20000x64xf32, #tpu.memory_space<hbm>> -> memref<20000x64xf32, #tpu.memory_space<hbm>>
    tpu.enqueue_indirect_dma source(%dma_start3A_32 : memref<20000x64xf32, #tpu.memory_space<hbm>>) target(%arg8 : memref<80x64xf32, #tpu.memory_space<vmem>>) offsets(%dma_start3A_29 : memref<80xi32, #tpu.memory_space<vmem>>) semaphore(%arg15 : memref<!tpu.dma_semaphore, #tpu.memory_space<semaphore_mem>>)
    %dma_start3A_33 = arith.constant 1 : i32
    %dma_start3A_34 = arith.constant 0 : i32
    %dma_start3A_35 = tpu.memref_slice %arg6[%dma_start3A_33, %dma_start3A_34] : memref<250x80xi32, #tpu.memory_space<vmem>> -> memref<1x80xi32, #tpu.memory_space<vmem>>
    %dma_start3A_36 = tpu.memref_squeeze %dma_start3A_35 : memref<1x80xi32, #tpu.memory_space<vmem>> -> memref<80xi32, #tpu.memory_space<vmem>>
    %dma_start3A_37 = arith.constant 0 : i32
    %dma_start3A_38 = arith.constant 0 : i32
    %dma_start3A_39 = tpu.memref_slice %arg2[%dma_start3A_37, %dma_start3A_38] : memref<20000x64xf32, #tpu.memory_space<hbm>> -> memref<20000x64xf32, #tpu.memory_space<hbm>>
    tpu.enqueue_indirect_dma source(%dma_start3A_39 : memref<20000x64xf32, #tpu.memory_space<hbm>>) target(%arg9 : memref<80x64xf32, #tpu.memory_space<vmem>>) offsets(%dma_start3A_36 : memref<80xi32, #tpu.memory_space<vmem>>) semaphore(%arg16 : memref<!tpu.dma_semaphore, #tpu.memory_space<semaphore_mem>>)
    %dma_start3A_40 = arith.constant 2 : i32
    %dma_start3A_41 = arith.constant 0 : i32
    %dma_start3A_42 = tpu.memref_slice %arg6[%dma_start3A_40, %dma_start3A_41] : memref<250x80xi32, #tpu.memory_space<vmem>> -> memref<1x80xi32, #tpu.memory_space<vmem>>
    %dma_start3A_43 = tpu.memref_squeeze %dma_start3A_42 : memref<1x80xi32, #tpu.memory_space<vmem>> -> memref<80xi32, #tpu.memory_space<vmem>>
    %dma_start3A_44 = arith.constant 0 : i32
    %dma_start3A_45 = arith.constant 0 : i32
    %dma_start3A_46 = tpu.memref_slice %arg2[%dma_start3A_44, %dma_start3A_45] : memref<20000x64xf32, #tpu.memory_space<hbm>> -> memref<20000x64xf32, #tpu.memory_space<hbm>>
    tpu.enqueue_indirect_dma source(%dma_start3A_46 : memref<20000x64xf32, #tpu.memory_space<hbm>>) target(%arg10 : memref<80x64xf32, #tpu.memory_space<vmem>>) offsets(%dma_start3A_43 : memref<80xi32, #tpu.memory_space<vmem>>) semaphore(%arg17 : memref<!tpu.dma_semaphore, #tpu.memory_space<semaphore_mem>>)
    %dma_start3A_47 = arith.constant 3 : i32
    %dma_start3A_48 = arith.constant 0 : i32
    %dma_start3A_49 = tpu.memref_slice %arg6[%dma_start3A_47, %dma_start3A_48] : memref<250x80xi32, #tpu.memory_space<vmem>> -> memref<1x80xi32, #tpu.memory_space<vmem>>
    %dma_start3A_50 = tpu.memref_squeeze %dma_start3A_49 : memref<1x80xi32, #tpu.memory_space<vmem>> -> memref<80xi32, #tpu.memory_space<vmem>>
    %dma_start3A_51 = arith.constant 0 : i32
    %dma_start3A_52 = arith.constant 0 : i32
    %dma_start3A_53 = tpu.memref_slice %arg2[%dma_start3A_51, %dma_start3A_52] : memref<20000x64xf32, #tpu.memory_space<hbm>> -> memref<20000x64xf32, #tpu.memory_space<hbm>>
    tpu.enqueue_indirect_dma source(%dma_start3A_53 : memref<20000x64xf32, #tpu.memory_space<hbm>>) target(%arg11 : memref<80x64xf32, #tpu.memory_space<vmem>>) offsets(%dma_start3A_50 : memref<80xi32, #tpu.memory_space<vmem>>) semaphore(%arg18 : memref<!tpu.dma_semaphore, #tpu.memory_space<semaphore_mem>>)
    %scan3A_54 = arith.constant 0 : i32
    %scan3A_55 = arith.constant 0 : i32
    %scan3A_56 = arith.constant 50 : i32
    %scan3A_57 = arith.addi %scan3A_55, %scan3A_56 : i32
    %scan3A_58 = arith.constant 1 : i32
    scf.for %scan3A_108 = %scan3A_55 to %scan3A_57 step %scan3A_58  : i32 {
      %mul3A_109 = arith.constant 5 : i32
      %mul3A_110 = arith.muli %mul3A_109, %scan3A_108 : i32
      %add3A_111 = arith.constant 0 : i32
      %add3A_112 = arith.addi %mul3A_110, %add3A_111 : i32
      %dma_wait3A_113 = arith.constant 0 : i32
      %dma_wait3A_114 = tpu.memref_slice %arg6[%add3A_112, %dma_wait3A_113] : memref<250x80xi32, #tpu.memory_space<vmem>> -> memref<1x80xi32, #tpu.memory_space<vmem>>
      %dma_wait3A_115 = tpu.memref_squeeze %dma_wait3A_114 : memref<1x80xi32, #tpu.memory_space<vmem>> -> memref<80xi32, #tpu.memory_space<vmem>>
      %dma_wait3A_116 = arith.constant 0 : i32
      %dma_wait3A_117 = arith.constant 0 : i32
      %dma_wait3A_118 = tpu.memref_slice %arg2[%dma_wait3A_116, %dma_wait3A_117] : memref<20000x64xf32, #tpu.memory_space<hbm>> -> memref<20000x64xf32, #tpu.memory_space<hbm>>
      tpu.wait_indirect_dma semaphore(%arg15 : memref<!tpu.dma_semaphore, #tpu.memory_space<semaphore_mem>>) src(%dma_wait3A_118 : memref<20000x64xf32, #tpu.memory_space<hbm>>) dst(%arg8 : memref<80x64xf32, #tpu.memory_space<vmem>>)
      %add3A_119 = arith.constant 5 : i32
      %add3A_120 = arith.addi %add3A_112, %add3A_119 : i32
      %sub3A = arith.constant 1 : i32
      %sub3A_121 = arith.subi %add3A_120, %sub3A : i32
      %min3A = arith.constant 249 : i32
      %min3A_122 = arith.minsi %sub3A_121, %min3A : i32
      %dma_start3A_123 = arith.constant 0 : i32
      %dma_start3A_124 = tpu.memref_slice %arg6[%min3A_122, %dma_start3A_123] : memref<250x80xi32, #tpu.memory_space<vmem>> -> memref<1x80xi32, #tpu.memory_space<vmem>>
      %dma_start3A_125 = tpu.memref_squeeze %dma_start3A_124 : memref<1x80xi32, #tpu.memory_space<vmem>> -> memref<80xi32, #tpu.memory_space<vmem>>
      %dma_start3A_126 = arith.constant 0 : i32
      %dma_start3A_127 = arith.constant 0 : i32
      %dma_start3A_128 = tpu.memref_slice %arg2[%dma_start3A_126, %dma_start3A_127] : memref<20000x64xf32, #tpu.memory_space<hbm>> -> memref<20000x64xf32, #tpu.memory_space<hbm>>
      tpu.enqueue_indirect_dma source(%dma_start3A_128 : memref<20000x64xf32, #tpu.memory_space<hbm>>) target(%arg12 : memref<80x64xf32, #tpu.memory_space<vmem>>) offsets(%dma_start3A_125 : memref<80xi32, #tpu.memory_space<vmem>>) semaphore(%arg19 : memref<!tpu.dma_semaphore, #tpu.memory_space<semaphore_mem>>)
      "tpu.region"() ({
        %run_scoped3A = tpu.sem_alloc : memref<!tpu.dma_semaphore, #tpu.memory_space<semaphore_mem>>
        %dma_start3A_217 = arith.constant 0 : i32
        %dma_start3A_218 = tpu.memref_slice %arg7[%add3A_112, %dma_start3A_217] : memref<250x80xi32, #tpu.memory_space<vmem>> -> memref<1x80xi32, #tpu.memory_space<vmem>>
        %dma_start3A_219 = tpu.memref_squeeze %dma_start3A_218 : memref<1x80xi32, #tpu.memory_space<vmem>> -> memref<80xi32, #tpu.memory_space<vmem>>
        %dma_start3A_220 = arith.constant 0 : i32
        %dma_start3A_221 = arith.constant 0 : i32
        %dma_start3A_222 = tpu.memref_slice %arg14[%dma_start3A_220, %dma_start3A_221] : memref<10240x64xf32, #tpu.memory_space<vmem_shared>> -> memref<10240x64xf32, #tpu.memory_space<vmem_shared>>
        tpu.enqueue_indirect_dma source(%arg8 : memref<80x64xf32, #tpu.memory_space<vmem>>) target(%dma_start3A_222 : memref<10240x64xf32, #tpu.memory_space<vmem_shared>>) offsets(%dma_start3A_219 : memref<80xi32, #tpu.memory_space<vmem>>) semaphore(%run_scoped3A : memref<!tpu.dma_semaphore, #tpu.memory_space<semaphore_mem>>) {add = true}
        %dma_wait3A_223 = arith.constant 0 : i32
        %dma_wait3A_224 = tpu.memref_slice %arg7[%add3A_112, %dma_wait3A_223] : memref<250x80xi32, #tpu.memory_space<vmem>> -> memref<1x80xi32, #tpu.memory_space<vmem>>
        %dma_wait3A_225 = tpu.memref_squeeze %dma_wait3A_224 : memref<1x80xi32, #tpu.memory_space<vmem>> -> memref<80xi32, #tpu.memory_space<vmem>>
        %dma_wait3A_226 = arith.constant 0 : i32
        %dma_wait3A_227 = arith.constant 0 : i32
        %dma_wait3A_228 = tpu.memref_slice %arg14[%dma_wait3A_226, %dma_wait3A_227] : memref<10240x64xf32, #tpu.memory_space<vmem_shared>> -> memref<10240x64xf32, #tpu.memory_space<vmem_shared>>
        tpu.wait_indirect_dma semaphore(%run_scoped3A : memref<!tpu.dma_semaphore, #tpu.memory_space<semaphore_mem>>) src(%arg8 : memref<80x64xf32, #tpu.memory_space<vmem>>) dst(%dma_wait3A_228 : memref<10240x64xf32, #tpu.memory_space<vmem_shared>>)
        tpu.yield
      }) : () -> ()
      %mul3A_129 = arith.constant 5 : i32
      %mul3A_130 = arith.muli %mul3A_129, %scan3A_108 : i32
      %add3A_131 = arith.constant 1 : i32
      %add3A_132 = arith.addi %mul3A_130, %add3A_131 : i32
      %dma_wait3A_133 = arith.constant 0 : i32
      %dma_wait3A_134 = tpu.memref_slice %arg6[%add3A_132, %dma_wait3A_133] : memref<250x80xi32, #tpu.memory_space<vmem>> -> memref<1x80xi32, #tpu.memory_space<vmem>>
      %dma_wait3A_135 = tpu.memref_squeeze %dma_wait3A_134 : memref<1x80xi32, #tpu.memory_space<vmem>> -> memref<80xi32, #tpu.memory_space<vmem>>
      %dma_wait3A_136 = arith.constant 0 : i32
      %dma_wait3A_137 = arith.constant 0 : i32
      %dma_wait3A_138 = tpu.memref_slice %arg2[%dma_wait3A_136, %dma_wait3A_137] : memref<20000x64xf32, #tpu.memory_space<hbm>> -> memref<20000x64xf32, #tpu.memory_space<hbm>>
      tpu.wait_indirect_dma semaphore(%arg16 : memref<!tpu.dma_semaphore, #tpu.memory_space<semaphore_mem>>) src(%dma_wait3A_138 : memref<20000x64xf32, #tpu.memory_space<hbm>>) dst(%arg9 : memref<80x64xf32, #tpu.memory_space<vmem>>)
      %add3A_139 = arith.constant 5 : i32
      %add3A_140 = arith.addi %add3A_132, %add3A_139 : i32
      %sub3A_141 = arith.constant 1 : i32
      %sub3A_142 = arith.subi %add3A_140, %sub3A_141 : i32
      %min3A_143 = arith.constant 249 : i32
      %min3A_144 = arith.minsi %sub3A_142, %min3A_143 : i32
      %dma_start3A_145 = arith.constant 0 : i32
      %dma_start3A_146 = tpu.memref_slice %arg6[%min3A_144, %dma_start3A_145] : memref<250x80xi32, #tpu.memory_space<vmem>> -> memref<1x80xi32, #tpu.memory_space<vmem>>
      %dma_start3A_147 = tpu.memref_squeeze %dma_start3A_146 : memref<1x80xi32, #tpu.memory_space<vmem>> -> memref<80xi32, #tpu.memory_space<vmem>>
      %dma_start3A_148 = arith.constant 0 : i32
      %dma_start3A_149 = arith.constant 0 : i32
      %dma_start3A_150 = tpu.memref_slice %arg2[%dma_start3A_148, %dma_start3A_149] : memref<20000x64xf32, #tpu.memory_space<hbm>> -> memref<20000x64xf32, #tpu.memory_space<hbm>>
      tpu.enqueue_indirect_dma source(%dma_start3A_150 : memref<20000x64xf32, #tpu.memory_space<hbm>>) target(%arg8 : memref<80x64xf32, #tpu.memory_space<vmem>>) offsets(%dma_start3A_147 : memref<80xi32, #tpu.memory_space<vmem>>) semaphore(%arg15 : memref<!tpu.dma_semaphore, #tpu.memory_space<semaphore_mem>>)
      "tpu.region"() ({
        %run_scoped3A = tpu.sem_alloc : memref<!tpu.dma_semaphore, #tpu.memory_space<semaphore_mem>>
        %dma_start3A_217 = arith.constant 0 : i32
        %dma_start3A_218 = tpu.memref_slice %arg7[%add3A_132, %dma_start3A_217] : memref<250x80xi32, #tpu.memory_space<vmem>> -> memref<1x80xi32, #tpu.memory_space<vmem>>
        %dma_start3A_219 = tpu.memref_squeeze %dma_start3A_218 : memref<1x80xi32, #tpu.memory_space<vmem>> -> memref<80xi32, #tpu.memory_space<vmem>>
        %dma_start3A_220 = arith.constant 0 : i32
        %dma_start3A_221 = arith.constant 0 : i32
        %dma_start3A_222 = tpu.memref_slice %arg14[%dma_start3A_220, %dma_start3A_221] : memref<10240x64xf32, #tpu.memory_space<vmem_shared>> -> memref<10240x64xf32, #tpu.memory_space<vmem_shared>>
        tpu.enqueue_indirect_dma source(%arg9 : memref<80x64xf32, #tpu.memory_space<vmem>>) target(%dma_start3A_222 : memref<10240x64xf32, #tpu.memory_space<vmem_shared>>) offsets(%dma_start3A_219 : memref<80xi32, #tpu.memory_space<vmem>>) semaphore(%run_scoped3A : memref<!tpu.dma_semaphore, #tpu.memory_space<semaphore_mem>>) {add = true}
        %dma_wait3A_223 = arith.constant 0 : i32
        %dma_wait3A_224 = tpu.memref_slice %arg7[%add3A_132, %dma_wait3A_223] : memref<250x80xi32, #tpu.memory_space<vmem>> -> memref<1x80xi32, #tpu.memory_space<vmem>>
        %dma_wait3A_225 = tpu.memref_squeeze %dma_wait3A_224 : memref<1x80xi32, #tpu.memory_space<vmem>> -> memref<80xi32, #tpu.memory_space<vmem>>
        %dma_wait3A_226 = arith.constant 0 : i32
        %dma_wait3A_227 = arith.constant 0 : i32
        %dma_wait3A_228 = tpu.memref_slice %arg14[%dma_wait3A_226, %dma_wait3A_227] : memref<10240x64xf32, #tpu.memory_space<vmem_shared>> -> memref<10240x64xf32, #tpu.memory_space<vmem_shared>>
        tpu.wait_indirect_dma semaphore(%run_scoped3A : memref<!tpu.dma_semaphore, #tpu.memory_space<semaphore_mem>>) src(%arg9 : memref<80x64xf32, #tpu.memory_space<vmem>>) dst(%dma_wait3A_228 : memref<10240x64xf32, #tpu.memory_space<vmem_shared>>)
        tpu.yield
      }) : () -> ()
      %mul3A_151 = arith.constant 5 : i32
      %mul3A_152 = arith.muli %mul3A_151, %scan3A_108 : i32
      %add3A_153 = arith.constant 2 : i32
      %add3A_154 = arith.addi %mul3A_152, %add3A_153 : i32
      %dma_wait3A_155 = arith.constant 0 : i32
      %dma_wait3A_156 = tpu.memref_slice %arg6[%add3A_154, %dma_wait3A_155] : memref<250x80xi32, #tpu.memory_space<vmem>> -> memref<1x80xi32, #tpu.memory_space<vmem>>
      %dma_wait3A_157 = tpu.memref_squeeze %dma_wait3A_156 : memref<1x80xi32, #tpu.memory_space<vmem>> -> memref<80xi32, #tpu.memory_space<vmem>>
      %dma_wait3A_158 = arith.constant 0 : i32
      %dma_wait3A_159 = arith.constant 0 : i32
      %dma_wait3A_160 = tpu.memref_slice %arg2[%dma_wait3A_158, %dma_wait3A_159] : memref<20000x64xf32, #tpu.memory_space<hbm>> -> memref<20000x64xf32, #tpu.memory_space<hbm>>
      tpu.wait_indirect_dma semaphore(%arg17 : memref<!tpu.dma_semaphore, #tpu.memory_space<semaphore_mem>>) src(%dma_wait3A_160 : memref<20000x64xf32, #tpu.memory_space<hbm>>) dst(%arg10 : memref<80x64xf32, #tpu.memory_space<vmem>>)
      %add3A_161 = arith.constant 5 : i32
      %add3A_162 = arith.addi %add3A_154, %add3A_161 : i32
      %sub3A_163 = arith.constant 1 : i32
      %sub3A_164 = arith.subi %add3A_162, %sub3A_163 : i32
      %min3A_165 = arith.constant 249 : i32
      %min3A_166 = arith.minsi %sub3A_164, %min3A_165 : i32
      %dma_start3A_167 = arith.constant 0 : i32
      %dma_start3A_168 = tpu.memref_slice %arg6[%min3A_166, %dma_start3A_167] : memref<250x80xi32, #tpu.memory_space<vmem>> -> memref<1x80xi32, #tpu.memory_space<vmem>>
      %dma_start3A_169 = tpu.memref_squeeze %dma_start3A_168 : memref<1x80xi32, #tpu.memory_space<vmem>> -> memref<80xi32, #tpu.memory_space<vmem>>
      %dma_start3A_170 = arith.constant 0 : i32
      %dma_start3A_171 = arith.constant 0 : i32
      %dma_start3A_172 = tpu.memref_slice %arg2[%dma_start3A_170, %dma_start3A_171] : memref<20000x64xf32, #tpu.memory_space<hbm>> -> memref<20000x64xf32, #tpu.memory_space<hbm>>
      tpu.enqueue_indirect_dma source(%dma_start3A_172 : memref<20000x64xf32, #tpu.memory_space<hbm>>) target(%arg9 : memref<80x64xf32, #tpu.memory_space<vmem>>) offsets(%dma_start3A_169 : memref<80xi32, #tpu.memory_space<vmem>>) semaphore(%arg16 : memref<!tpu.dma_semaphore, #tpu.memory_space<semaphore_mem>>)
      "tpu.region"() ({
        %run_scoped3A = tpu.sem_alloc : memref<!tpu.dma_semaphore, #tpu.memory_space<semaphore_mem>>
        %dma_start3A_217 = arith.constant 0 : i32
        %dma_start3A_218 = tpu.memref_slice %arg7[%add3A_154, %dma_start3A_217] : memref<250x80xi32, #tpu.memory_space<vmem>> -> memref<1x80xi32, #tpu.memory_space<vmem>>
        %dma_start3A_219 = tpu.memref_squeeze %dma_start3A_218 : memref<1x80xi32, #tpu.memory_space<vmem>> -> memref<80xi32, #tpu.memory_space<vmem>>
        %dma_start3A_220 = arith.constant 0 : i32
        %dma_start3A_221 = arith.constant 0 : i32
        %dma_start3A_222 = tpu.memref_slice %arg14[%dma_start3A_220, %dma_start3A_221] : memref<10240x64xf32, #tpu.memory_space<vmem_shared>> -> memref<10240x64xf32, #tpu.memory_space<vmem_shared>>
        tpu.enqueue_indirect_dma source(%arg10 : memref<80x64xf32, #tpu.memory_space<vmem>>) target(%dma_start3A_222 : memref<10240x64xf32, #tpu.memory_space<vmem_shared>>) offsets(%dma_start3A_219 : memref<80xi32, #tpu.memory_space<vmem>>) semaphore(%run_scoped3A : memref<!tpu.dma_semaphore, #tpu.memory_space<semaphore_mem>>) {add = true}
        %dma_wait3A_223 = arith.constant 0 : i32
        %dma_wait3A_224 = tpu.memref_slice %arg7[%add3A_154, %dma_wait3A_223] : memref<250x80xi32, #tpu.memory_space<vmem>> -> memref<1x80xi32, #tpu.memory_space<vmem>>
        %dma_wait3A_225 = tpu.memref_squeeze %dma_wait3A_224 : memref<1x80xi32, #tpu.memory_space<vmem>> -> memref<80xi32, #tpu.memory_space<vmem>>
        %dma_wait3A_226 = arith.constant 0 : i32
        %dma_wait3A_227 = arith.constant 0 : i32
        %dma_wait3A_228 = tpu.memref_slice %arg14[%dma_wait3A_226, %dma_wait3A_227] : memref<10240x64xf32, #tpu.memory_space<vmem_shared>> -> memref<10240x64xf32, #tpu.memory_space<vmem_shared>>
        tpu.wait_indirect_dma semaphore(%run_scoped3A : memref<!tpu.dma_semaphore, #tpu.memory_space<semaphore_mem>>) src(%arg10 : memref<80x64xf32, #tpu.memory_space<vmem>>) dst(%dma_wait3A_228 : memref<10240x64xf32, #tpu.memory_space<vmem_shared>>)
        tpu.yield
      }) : () -> ()
      %mul3A_173 = arith.constant 5 : i32
      %mul3A_174 = arith.muli %mul3A_173, %scan3A_108 : i32
      %add3A_175 = arith.constant 3 : i32
      %add3A_176 = arith.addi %mul3A_174, %add3A_175 : i32
      %dma_wait3A_177 = arith.constant 0 : i32
      %dma_wait3A_178 = tpu.memref_slice %arg6[%add3A_176, %dma_wait3A_177] : memref<250x80xi32, #tpu.memory_space<vmem>> -> memref<1x80xi32, #tpu.memory_space<vmem>>
      %dma_wait3A_179 = tpu.memref_squeeze %dma_wait3A_178 : memref<1x80xi32, #tpu.memory_space<vmem>> -> memref<80xi32, #tpu.memory_space<vmem>>
      %dma_wait3A_180 = arith.constant 0 : i32
      %dma_wait3A_181 = arith.constant 0 : i32
      %dma_wait3A_182 = tpu.memref_slice %arg2[%dma_wait3A_180, %dma_wait3A_181] : memref<20000x64xf32, #tpu.memory_space<hbm>> -> memref<20000x64xf32, #tpu.memory_space<hbm>>
      tpu.wait_indirect_dma semaphore(%arg18 : memref<!tpu.dma_semaphore, #tpu.memory_space<semaphore_mem>>) src(%dma_wait3A_182 : memref<20000x64xf32, #tpu.memory_space<hbm>>) dst(%arg11 : memref<80x64xf32, #tpu.memory_space<vmem>>)
      %add3A_183 = arith.constant 5 : i32
      %add3A_184 = arith.addi %add3A_176, %add3A_183 : i32
      %sub3A_185 = arith.constant 1 : i32
      %sub3A_186 = arith.subi %add3A_184, %sub3A_185 : i32
      %min3A_187 = arith.constant 249 : i32
      %min3A_188 = arith.minsi %sub3A_186, %min3A_187 : i32
      %dma_start3A_189 = arith.constant 0 : i32
      %dma_start3A_190 = tpu.memref_slice %arg6[%min3A_188, %dma_start3A_189] : memref<250x80xi32, #tpu.memory_space<vmem>> -> memref<1x80xi32, #tpu.memory_space<vmem>>
      %dma_start3A_191 = tpu.memref_squeeze %dma_start3A_190 : memref<1x80xi32, #tpu.memory_space<vmem>> -> memref<80xi32, #tpu.memory_space<vmem>>
      %dma_start3A_192 = arith.constant 0 : i32
      %dma_start3A_193 = arith.constant 0 : i32
      %dma_start3A_194 = tpu.memref_slice %arg2[%dma_start3A_192, %dma_start3A_193] : memref<20000x64xf32, #tpu.memory_space<hbm>> -> memref<20000x64xf32, #tpu.memory_space<hbm>>
      tpu.enqueue_indirect_dma source(%dma_start3A_194 : memref<20000x64xf32, #tpu.memory_space<hbm>>) target(%arg10 : memref<80x64xf32, #tpu.memory_space<vmem>>) offsets(%dma_start3A_191 : memref<80xi32, #tpu.memory_space<vmem>>) semaphore(%arg17 : memref<!tpu.dma_semaphore, #tpu.memory_space<semaphore_mem>>)
      "tpu.region"() ({
        %run_scoped3A = tpu.sem_alloc : memref<!tpu.dma_semaphore, #tpu.memory_space<semaphore_mem>>
        %dma_start3A_217 = arith.constant 0 : i32
        %dma_start3A_218 = tpu.memref_slice %arg7[%add3A_176, %dma_start3A_217] : memref<250x80xi32, #tpu.memory_space<vmem>> -> memref<1x80xi32, #tpu.memory_space<vmem>>
        %dma_start3A_219 = tpu.memref_squeeze %dma_start3A_218 : memref<1x80xi32, #tpu.memory_space<vmem>> -> memref<80xi32, #tpu.memory_space<vmem>>
        %dma_start3A_220 = arith.constant 0 : i32
        %dma_start3A_221 = arith.constant 0 : i32
        %dma_start3A_222 = tpu.memref_slice %arg14[%dma_start3A_220, %dma_start3A_221] : memref<10240x64xf32, #tpu.memory_space<vmem_shared>> -> memref<10240x64xf32, #tpu.memory_space<vmem_shared>>
        tpu.enqueue_indirect_dma source(%arg11 : memref<80x64xf32, #tpu.memory_space<vmem>>) target(%dma_start3A_222 : memref<10240x64xf32, #tpu.memory_space<vmem_shared>>) offsets(%dma_start3A_219 : memref<80xi32, #tpu.memory_space<vmem>>) semaphore(%run_scoped3A : memref<!tpu.dma_semaphore, #tpu.memory_space<semaphore_mem>>) {add = true}
        %dma_wait3A_223 = arith.constant 0 : i32
        %dma_wait3A_224 = tpu.memref_slice %arg7[%add3A_176, %dma_wait3A_223] : memref<250x80xi32, #tpu.memory_space<vmem>> -> memref<1x80xi32, #tpu.memory_space<vmem>>
        %dma_wait3A_225 = tpu.memref_squeeze %dma_wait3A_224 : memref<1x80xi32, #tpu.memory_space<vmem>> -> memref<80xi32, #tpu.memory_space<vmem>>
        %dma_wait3A_226 = arith.constant 0 : i32
        %dma_wait3A_227 = arith.constant 0 : i32
        %dma_wait3A_228 = tpu.memref_slice %arg14[%dma_wait3A_226, %dma_wait3A_227] : memref<10240x64xf32, #tpu.memory_space<vmem_shared>> -> memref<10240x64xf32, #tpu.memory_space<vmem_shared>>
        tpu.wait_indirect_dma semaphore(%run_scoped3A : memref<!tpu.dma_semaphore, #tpu.memory_space<semaphore_mem>>) src(%arg11 : memref<80x64xf32, #tpu.memory_space<vmem>>) dst(%dma_wait3A_228 : memref<10240x64xf32, #tpu.memory_space<vmem_shared>>)
        tpu.yield
      }) : () -> ()
      %mul3A_195 = arith.constant 5 : i32
      %mul3A_196 = arith.muli %mul3A_195, %scan3A_108 : i32
      %add3A_197 = arith.constant 4 : i32
      %add3A_198 = arith.addi %mul3A_196, %add3A_197 : i32
      %dma_wait3A_199 = arith.constant 0 : i32
      %dma_wait3A_200 = tpu.memref_slice %arg6[%add3A_198, %dma_wait3A_199] : memref<250x80xi32, #tpu.memory_space<vmem>> -> memref<1x80xi32, #tpu.memory_space<vmem>>
      %dma_wait3A_201 = tpu.memref_squeeze %dma_wait3A_200 : memref<1x80xi32, #tpu.memory_space<vmem>> -> memref<80xi32, #tpu.memory_space<vmem>>
      %dma_wait3A_202 = arith.constant 0 : i32
      %dma_wait3A_203 = arith.constant 0 : i32
      %dma_wait3A_204 = tpu.memref_slice %arg2[%dma_wait3A_202, %dma_wait3A_203] : memref<20000x64xf32, #tpu.memory_space<hbm>> -> memref<20000x64xf32, #tpu.memory_space<hbm>>
      tpu.wait_indirect_dma semaphore(%arg19 : memref<!tpu.dma_semaphore, #tpu.memory_space<semaphore_mem>>) src(%dma_wait3A_204 : memref<20000x64xf32, #tpu.memory_space<hbm>>) dst(%arg12 : memref<80x64xf32, #tpu.memory_space<vmem>>)
      %add3A_205 = arith.constant 5 : i32
      %add3A_206 = arith.addi %add3A_198, %add3A_205 : i32
      %sub3A_207 = arith.constant 1 : i32
      %sub3A_208 = arith.subi %add3A_206, %sub3A_207 : i32
      %min3A_209 = arith.constant 249 : i32
      %min3A_210 = arith.minsi %sub3A_208, %min3A_209 : i32
      %dma_start3A_211 = arith.constant 0 : i32
      %dma_start3A_212 = tpu.memref_slice %arg6[%min3A_210, %dma_start3A_211] : memref<250x80xi32, #tpu.memory_space<vmem>> -> memref<1x80xi32, #tpu.memory_space<vmem>>
      %dma_start3A_213 = tpu.memref_squeeze %dma_start3A_212 : memref<1x80xi32, #tpu.memory_space<vmem>> -> memref<80xi32, #tpu.memory_space<vmem>>
      %dma_start3A_214 = arith.constant 0 : i32
      %dma_start3A_215 = arith.constant 0 : i32
      %dma_start3A_216 = tpu.memref_slice %arg2[%dma_start3A_214, %dma_start3A_215] : memref<20000x64xf32, #tpu.memory_space<hbm>> -> memref<20000x64xf32, #tpu.memory_space<hbm>>
      tpu.enqueue_indirect_dma source(%dma_start3A_216 : memref<20000x64xf32, #tpu.memory_space<hbm>>) target(%arg11 : memref<80x64xf32, #tpu.memory_space<vmem>>) offsets(%dma_start3A_213 : memref<80xi32, #tpu.memory_space<vmem>>) semaphore(%arg18 : memref<!tpu.dma_semaphore, #tpu.memory_space<semaphore_mem>>)
      "tpu.region"() ({
        %run_scoped3A = tpu.sem_alloc : memref<!tpu.dma_semaphore, #tpu.memory_space<semaphore_mem>>
        %dma_start3A_217 = arith.constant 0 : i32
        %dma_start3A_218 = tpu.memref_slice %arg7[%add3A_198, %dma_start3A_217] : memref<250x80xi32, #tpu.memory_space<vmem>> -> memref<1x80xi32, #tpu.memory_space<vmem>>
        %dma_start3A_219 = tpu.memref_squeeze %dma_start3A_218 : memref<1x80xi32, #tpu.memory_space<vmem>> -> memref<80xi32, #tpu.memory_space<vmem>>
        %dma_start3A_220 = arith.constant 0 : i32
        %dma_start3A_221 = arith.constant 0 : i32
        %dma_start3A_222 = tpu.memref_slice %arg14[%dma_start3A_220, %dma_start3A_221] : memref<10240x64xf32, #tpu.memory_space<vmem_shared>> -> memref<10240x64xf32, #tpu.memory_space<vmem_shared>>
        tpu.enqueue_indirect_dma source(%arg12 : memref<80x64xf32, #tpu.memory_space<vmem>>) target(%dma_start3A_222 : memref<10240x64xf32, #tpu.memory_space<vmem_shared>>) offsets(%dma_start3A_219 : memref<80xi32, #tpu.memory_space<vmem>>) semaphore(%run_scoped3A : memref<!tpu.dma_semaphore, #tpu.memory_space<semaphore_mem>>) {add = true}
        %dma_wait3A_223 = arith.constant 0 : i32
        %dma_wait3A_224 = tpu.memref_slice %arg7[%add3A_198, %dma_wait3A_223] : memref<250x80xi32, #tpu.memory_space<vmem>> -> memref<1x80xi32, #tpu.memory_space<vmem>>
        %dma_wait3A_225 = tpu.memref_squeeze %dma_wait3A_224 : memref<1x80xi32, #tpu.memory_space<vmem>> -> memref<80xi32, #tpu.memory_space<vmem>>
        %dma_wait3A_226 = arith.constant 0 : i32
        %dma_wait3A_227 = arith.constant 0 : i32
        %dma_wait3A_228 = tpu.memref_slice %arg14[%dma_wait3A_226, %dma_wait3A_227] : memref<10240x64xf32, #tpu.memory_space<vmem_shared>> -> memref<10240x64xf32, #tpu.memory_space<vmem_shared>>
        tpu.wait_indirect_dma semaphore(%run_scoped3A : memref<!tpu.dma_semaphore, #tpu.memory_space<semaphore_mem>>) src(%arg12 : memref<80x64xf32, #tpu.memory_space<vmem>>) dst(%dma_wait3A_228 : memref<10240x64xf32, #tpu.memory_space<vmem_shared>>)
        tpu.yield
      }) : () -> ()
    }
    %scan3A_59 = arith.constant 50 : i32
    %dma_wait3A = arith.constant 249 : i32
    %dma_wait3A_60 = arith.constant 0 : i32
    %dma_wait3A_61 = tpu.memref_slice %arg6[%dma_wait3A, %dma_wait3A_60] : memref<250x80xi32, #tpu.memory_space<vmem>> -> memref<1x80xi32, #tpu.memory_space<vmem>>
    %dma_wait3A_62 = tpu.memref_squeeze %dma_wait3A_61 : memref<1x80xi32, #tpu.memory_space<vmem>> -> memref<80xi32, #tpu.memory_space<vmem>>
    %dma_wait3A_63 = arith.constant 0 : i32
    %dma_wait3A_64 = arith.constant 0 : i32
    %dma_wait3A_65 = tpu.memref_slice %arg2[%dma_wait3A_63, %dma_wait3A_64] : memref<20000x64xf32, #tpu.memory_space<hbm>> -> memref<20000x64xf32, #tpu.memory_space<hbm>>
    tpu.wait_indirect_dma semaphore(%arg15 : memref<!tpu.dma_semaphore, #tpu.memory_space<semaphore_mem>>) src(%dma_wait3A_65 : memref<20000x64xf32, #tpu.memory_space<hbm>>) dst(%arg8 : memref<80x64xf32, #tpu.memory_space<vmem>>)
    %dma_wait3A_66 = arith.constant 249 : i32
    %dma_wait3A_67 = arith.constant 0 : i32
    %dma_wait3A_68 = tpu.memref_slice %arg6[%dma_wait3A_66, %dma_wait3A_67] : memref<250x80xi32, #tpu.memory_space<vmem>> -> memref<1x80xi32, #tpu.memory_space<vmem>>
    %dma_wait3A_69 = tpu.memref_squeeze %dma_wait3A_68 : memref<1x80xi32, #tpu.memory_space<vmem>> -> memref<80xi32, #tpu.memory_space<vmem>>
    %dma_wait3A_70 = arith.constant 0 : i32
    %dma_wait3A_71 = arith.constant 0 : i32
    %dma_wait3A_72 = tpu.memref_slice %arg2[%dma_wait3A_70, %dma_wait3A_71] : memref<20000x64xf32, #tpu.memory_space<hbm>> -> memref<20000x64xf32, #tpu.memory_space<hbm>>
    tpu.wait_indirect_dma semaphore(%arg16 : memref<!tpu.dma_semaphore, #tpu.memory_space<semaphore_mem>>) src(%dma_wait3A_72 : memref<20000x64xf32, #tpu.memory_space<hbm>>) dst(%arg9 : memref<80x64xf32, #tpu.memory_space<vmem>>)
    %dma_wait3A_73 = arith.constant 249 : i32
    %dma_wait3A_74 = arith.constant 0 : i32
    %dma_wait3A_75 = tpu.memref_slice %arg6[%dma_wait3A_73, %dma_wait3A_74] : memref<250x80xi32, #tpu.memory_space<vmem>> -> memref<1x80xi32, #tpu.memory_space<vmem>>
    %dma_wait3A_76 = tpu.memref_squeeze %dma_wait3A_75 : memref<1x80xi32, #tpu.memory_space<vmem>> -> memref<80xi32, #tpu.memory_space<vmem>>
    %dma_wait3A_77 = arith.constant 0 : i32
    %dma_wait3A_78 = arith.constant 0 : i32
    %dma_wait3A_79 = tpu.memref_slice %arg2[%dma_wait3A_77, %dma_wait3A_78] : memref<20000x64xf32, #tpu.memory_space<hbm>> -> memref<20000x64xf32, #tpu.memory_space<hbm>>
    tpu.wait_indirect_dma semaphore(%arg17 : memref<!tpu.dma_semaphore, #tpu.memory_space<semaphore_mem>>) src(%dma_wait3A_79 : memref<20000x64xf32, #tpu.memory_space<hbm>>) dst(%arg10 : memref<80x64xf32, #tpu.memory_space<vmem>>)
    %dma_wait3A_80 = arith.constant 249 : i32
    %dma_wait3A_81 = arith.constant 0 : i32
    %dma_wait3A_82 = tpu.memref_slice %arg6[%dma_wait3A_80, %dma_wait3A_81] : memref<250x80xi32, #tpu.memory_space<vmem>> -> memref<1x80xi32, #tpu.memory_space<vmem>>
    %dma_wait3A_83 = tpu.memref_squeeze %dma_wait3A_82 : memref<1x80xi32, #tpu.memory_space<vmem>> -> memref<80xi32, #tpu.memory_space<vmem>>
    %dma_wait3A_84 = arith.constant 0 : i32
    %dma_wait3A_85 = arith.constant 0 : i32
    %dma_wait3A_86 = tpu.memref_slice %arg2[%dma_wait3A_84, %dma_wait3A_85] : memref<20000x64xf32, #tpu.memory_space<hbm>> -> memref<20000x64xf32, #tpu.memory_space<hbm>>
    tpu.wait_indirect_dma semaphore(%arg18 : memref<!tpu.dma_semaphore, #tpu.memory_space<semaphore_mem>>) src(%dma_wait3A_86 : memref<20000x64xf32, #tpu.memory_space<hbm>>) dst(%arg11 : memref<80x64xf32, #tpu.memory_space<vmem>>)
    %barrier3A_87 = arith.constant 0 : index
    tpu.barrier barrier_id(%barrier3A_87)
    %mul3A_88 = arith.constant 640 : i32
    %mul3A_89 = arith.muli %arg1, %mul3A_88 : i32
    %add3A_90 = arith.constant 0 : i32
    %add3A_91 = arith.addi %mul3A_89, %add3A_90 : i32
    "tpu.region"() ({
      %run_scoped3A = tpu.sem_alloc : memref<!tpu.dma_semaphore, #tpu.memory_space<semaphore_mem>>
      %dma_start3A_108 = arith.constant 0 : i32
      %dma_start3A_109 = tpu.memref_slice %arg14[%add3A_91, %dma_start3A_108] : memref<10240x64xf32, #tpu.memory_space<vmem_shared>> -> memref<128x64xf32, #tpu.memory_space<vmem_shared>>
      %dma_start3A_110 = arith.constant 0 : i32
      %dma_start3A_111 = tpu.memref_slice %arg14[%add3A_91, %dma_start3A_110] : memref<10240x64xf32, #tpu.memory_space<vmem_shared>> -> memref<128x64xf32, #tpu.memory_space<vmem_shared>>
      tpu.enqueue_dma source(%dma_start3A_111 : memref<128x64xf32, #tpu.memory_space<vmem_shared>>) target(%arg13 : memref<128x64xf32, #tpu.memory_space<vmem>>) target_semaphore(%run_scoped3A : memref<!tpu.dma_semaphore, #tpu.memory_space<semaphore_mem>>)
      %dma_wait3A_112 = arith.constant 0 : i32
      %dma_wait3A_113 = tpu.memref_slice %arg14[%add3A_91, %dma_wait3A_112] : memref<10240x64xf32, #tpu.memory_space<vmem_shared>> -> memref<128x64xf32, #tpu.memory_space<vmem_shared>>
      %dma_wait3A_114 = arith.constant 0 : i32
      %dma_wait3A_115 = tpu.memref_slice %arg14[%add3A_91, %dma_wait3A_114] : memref<10240x64xf32, #tpu.memory_space<vmem_shared>> -> memref<128x64xf32, #tpu.memory_space<vmem_shared>>
      tpu.wait_dma2 semaphore(%run_scoped3A : memref<!tpu.dma_semaphore, #tpu.memory_space<semaphore_mem>>) src(%dma_wait3A_115 : memref<128x64xf32, #tpu.memory_space<vmem_shared>>) dst(%arg13 : memref<128x64xf32, #tpu.memory_space<vmem>>)
      tpu.yield
    }) : () -> ()
    "tpu.region"() ({
      %run_scoped3A = tpu.sem_alloc : memref<!tpu.dma_semaphore, #tpu.memory_space<semaphore_mem>>
      %dma_start3A_108 = arith.constant 0 : i32
      %dma_start3A_109 = arith.constant 0 : i32
      %dma_start3A_110 = tpu.memref_slice %arg5[%arg0, %dma_start3A_108, %dma_start3A_109] : memref<2x10240x64xf32, #tpu.memory_space<hbm>> -> memref<1x10240x64xf32, #tpu.memory_space<hbm>>
      %dma_start3A_111 = tpu.memref_squeeze %dma_start3A_110 : memref<1x10240x64xf32, #tpu.memory_space<hbm>> -> memref<10240x64xf32, #tpu.memory_space<hbm>>
      %dma_start3A_112 = arith.constant 0 : i32
      %dma_start3A_113 = tpu.memref_slice %dma_start3A_111[%add3A_91, %dma_start3A_112] : memref<10240x64xf32, #tpu.memory_space<hbm>> -> memref<128x64xf32, #tpu.memory_space<hbm>>
      %dma_start3A_114 = arith.constant 0 : i32
      %dma_start3A_115 = arith.constant 0 : i32
      %dma_start3A_116 = tpu.memref_slice %arg5[%arg0, %dma_start3A_114, %dma_start3A_115] : memref<2x10240x64xf32, #tpu.memory_space<hbm>> -> memref<1x10240x64xf32, #tpu.memory_space<hbm>>
      %dma_start3A_117 = tpu.memref_squeeze %dma_start3A_116 : memref<1x10240x64xf32, #tpu.memory_space<hbm>> -> memref<10240x64xf32, #tpu.memory_space<hbm>>
      %dma_start3A_118 = arith.constant 0 : i32
      %dma_start3A_119 = tpu.memref_slice %dma_start3A_117[%add3A_91, %dma_start3A_118] : memref<10240x64xf32, #tpu.memory_space<hbm>> -> memref<128x64xf32, #tpu.memory_space<hbm>>
      tpu.enqueue_dma source(%arg13 : memref<128x64xf32, #tpu.memory_space<vmem>>) target(%dma_start3A_119 : memref<128x64xf32, #tpu.memory_space<hbm>>) target_semaphore(%run_scoped3A : memref<!tpu.dma_semaphore, #tpu.memory_space<semaphore_mem>>)
      %dma_wait3A_120 = arith.constant 0 : i32
      %dma_wait3A_121 = arith.constant 0 : i32
      %dma_wait3A_122 = tpu.memref_slice %arg5[%arg0, %dma_wait3A_120, %dma_wait3A_121] : memref<2x10240x64xf32, #tpu.memory_space<hbm>> -> memref<1x10240x64xf32, #tpu.memory_space<hbm>>
      %dma_wait3A_123 = tpu.memref_squeeze %dma_wait3A_122 : memref<1x10240x64xf32, #tpu.memory_space<hbm>> -> memref<10240x64xf32, #tpu.memory_space<hbm>>
      %dma_wait3A_124 = arith.constant 0 : i32
      %dma_wait3A_125 = tpu.memref_slice %dma_wait3A_123[%add3A_91, %dma_wait3A_124] : memref<10240x64xf32, #tpu.memory_space<hbm>> -> memref<128x64xf32, #tpu.memory_space<hbm>>
      %dma_wait3A_126 = arith.constant 0 : i32
      %dma_wait3A_127 = arith.constant 0 : i32
      %dma_wait3A_128 = tpu.memref_slice %arg5[%arg0, %dma_wait3A_126, %dma_wait3A_127] : memref<2x10240x64xf32, #tpu.memory_space<hbm>> -> memref<1x10240x64xf32, #tpu.memory_space<hbm>>
      %dma_wait3A_129 = tpu.memref_squeeze %dma_wait3A_128 : memref<1x10240x64xf32, #tpu.memory_space<hbm>> -> memref<10240x64xf32, #tpu.memory_space<hbm>>
      %dma_wait3A_130 = arith.constant 0 : i32
      %dma_wait3A_131 = tpu.memref_slice %dma_wait3A_129[%add3A_91, %dma_wait3A_130] : memref<10240x64xf32, #tpu.memory_space<hbm>> -> memref<128x64xf32, #tpu.memory_space<hbm>>
      tpu.wait_dma2 semaphore(%run_scoped3A : memref<!tpu.dma_semaphore, #tpu.memory_space<semaphore_mem>>) src(%arg13 : memref<128x64xf32, #tpu.memory_space<vmem>>) dst(%dma_wait3A_131 : memref<128x64xf32, #tpu.memory_space<hbm>>)
      tpu.yield
    }) : () -> ()
    %mul3A_92 = arith.constant 640 : i32
    %mul3A_93 = arith.muli %arg1, %mul3A_92 : i32
    %add3A_94 = arith.constant 128 : i32
    %add3A_95 = arith.addi %mul3A_93, %add3A_94 : i32
    "tpu.region"() ({
      %run_scoped3A = tpu.sem_alloc : memref<!tpu.dma_semaphore, #tpu.memory_space<semaphore_mem>>
      %dma_start3A_108 = arith.constant 0 : i32
      %dma_start3A_109 = tpu.memref_slice %arg14[%add3A_95, %dma_start3A_108] : memref<10240x64xf32, #tpu.memory_space<vmem_shared>> -> memref<128x64xf32, #tpu.memory_space<vmem_shared>>
      %dma_start3A_110 = arith.constant 0 : i32
      %dma_start3A_111 = tpu.memref_slice %arg14[%add3A_95, %dma_start3A_110] : memref<10240x64xf32, #tpu.memory_space<vmem_shared>> -> memref<128x64xf32, #tpu.memory_space<vmem_shared>>
      tpu.enqueue_dma source(%dma_start3A_111 : memref<128x64xf32, #tpu.memory_space<vmem_shared>>) target(%arg13 : memref<128x64xf32, #tpu.memory_space<vmem>>) target_semaphore(%run_scoped3A : memref<!tpu.dma_semaphore, #tpu.memory_space<semaphore_mem>>)
      %dma_wait3A_112 = arith.constant 0 : i32
      %dma_wait3A_113 = tpu.memref_slice %arg14[%add3A_95, %dma_wait3A_112] : memref<10240x64xf32, #tpu.memory_space<vmem_shared>> -> memref<128x64xf32, #tpu.memory_space<vmem_shared>>
      %dma_wait3A_114 = arith.constant 0 : i32
      %dma_wait3A_115 = tpu.memref_slice %arg14[%add3A_95, %dma_wait3A_114] : memref<10240x64xf32, #tpu.memory_space<vmem_shared>> -> memref<128x64xf32, #tpu.memory_space<vmem_shared>>
      tpu.wait_dma2 semaphore(%run_scoped3A : memref<!tpu.dma_semaphore, #tpu.memory_space<semaphore_mem>>) src(%dma_wait3A_115 : memref<128x64xf32, #tpu.memory_space<vmem_shared>>) dst(%arg13 : memref<128x64xf32, #tpu.memory_space<vmem>>)
      tpu.yield
    }) : () -> ()
    "tpu.region"() ({
      %run_scoped3A = tpu.sem_alloc : memref<!tpu.dma_semaphore, #tpu.memory_space<semaphore_mem>>
      %dma_start3A_108 = arith.constant 0 : i32
      %dma_start3A_109 = arith.constant 0 : i32
      %dma_start3A_110 = tpu.memref_slice %arg5[%arg0, %dma_start3A_108, %dma_start3A_109] : memref<2x10240x64xf32, #tpu.memory_space<hbm>> -> memref<1x10240x64xf32, #tpu.memory_space<hbm>>
      %dma_start3A_111 = tpu.memref_squeeze %dma_start3A_110 : memref<1x10240x64xf32, #tpu.memory_space<hbm>> -> memref<10240x64xf32, #tpu.memory_space<hbm>>
      %dma_start3A_112 = arith.constant 0 : i32
      %dma_start3A_113 = tpu.memref_slice %dma_start3A_111[%add3A_95, %dma_start3A_112] : memref<10240x64xf32, #tpu.memory_space<hbm>> -> memref<128x64xf32, #tpu.memory_space<hbm>>
      %dma_start3A_114 = arith.constant 0 : i32
      %dma_start3A_115 = arith.constant 0 : i32
      %dma_start3A_116 = tpu.memref_slice %arg5[%arg0, %dma_start3A_114, %dma_start3A_115] : memref<2x10240x64xf32, #tpu.memory_space<hbm>> -> memref<1x10240x64xf32, #tpu.memory_space<hbm>>
      %dma_start3A_117 = tpu.memref_squeeze %dma_start3A_116 : memref<1x10240x64xf32, #tpu.memory_space<hbm>> -> memref<10240x64xf32, #tpu.memory_space<hbm>>
      %dma_start3A_118 = arith.constant 0 : i32
      %dma_start3A_119 = tpu.memref_slice %dma_start3A_117[%add3A_95, %dma_start3A_118] : memref<10240x64xf32, #tpu.memory_space<hbm>> -> memref<128x64xf32, #tpu.memory_space<hbm>>
      tpu.enqueue_dma source(%arg13 : memref<128x64xf32, #tpu.memory_space<vmem>>) target(%dma_start3A_119 : memref<128x64xf32, #tpu.memory_space<hbm>>) target_semaphore(%run_scoped3A : memref<!tpu.dma_semaphore, #tpu.memory_space<semaphore_mem>>)
      %dma_wait3A_120 = arith.constant 0 : i32
      %dma_wait3A_121 = arith.constant 0 : i32
      %dma_wait3A_122 = tpu.memref_slice %arg5[%arg0, %dma_wait3A_120, %dma_wait3A_121] : memref<2x10240x64xf32, #tpu.memory_space<hbm>> -> memref<1x10240x64xf32, #tpu.memory_space<hbm>>
      %dma_wait3A_123 = tpu.memref_squeeze %dma_wait3A_122 : memref<1x10240x64xf32, #tpu.memory_space<hbm>> -> memref<10240x64xf32, #tpu.memory_space<hbm>>
      %dma_wait3A_124 = arith.constant 0 : i32
      %dma_wait3A_125 = tpu.memref_slice %dma_wait3A_123[%add3A_95, %dma_wait3A_124] : memref<10240x64xf32, #tpu.memory_space<hbm>> -> memref<128x64xf32, #tpu.memory_space<hbm>>
      %dma_wait3A_126 = arith.constant 0 : i32
      %dma_wait3A_127 = arith.constant 0 : i32
      %dma_wait3A_128 = tpu.memref_slice %arg5[%arg0, %dma_wait3A_126, %dma_wait3A_127] : memref<2x10240x64xf32, #tpu.memory_space<hbm>> -> memref<1x10240x64xf32, #tpu.memory_space<hbm>>
      %dma_wait3A_129 = tpu.memref_squeeze %dma_wait3A_128 : memref<1x10240x64xf32, #tpu.memory_space<hbm>> -> memref<10240x64xf32, #tpu.memory_space<hbm>>
      %dma_wait3A_130 = arith.constant 0 : i32
      %dma_wait3A_131 = tpu.memref_slice %dma_wait3A_129[%add3A_95, %dma_wait3A_130] : memref<10240x64xf32, #tpu.memory_space<hbm>> -> memref<128x64xf32, #tpu.memory_space<hbm>>
      tpu.wait_dma2 semaphore(%run_scoped3A : memref<!tpu.dma_semaphore, #tpu.memory_space<semaphore_mem>>) src(%arg13 : memref<128x64xf32, #tpu.memory_space<vmem>>) dst(%dma_wait3A_131 : memref<128x64xf32, #tpu.memory_space<hbm>>)
      tpu.yield
    }) : () -> ()
    %mul3A_96 = arith.constant 640 : i32
    %mul3A_97 = arith.muli %arg1, %mul3A_96 : i32
    %add3A_98 = arith.constant 256 : i32
    %add3A_99 = arith.addi %mul3A_97, %add3A_98 : i32
    "tpu.region"() ({
      %run_scoped3A = tpu.sem_alloc : memref<!tpu.dma_semaphore, #tpu.memory_space<semaphore_mem>>
      %dma_start3A_108 = arith.constant 0 : i32
      %dma_start3A_109 = tpu.memref_slice %arg14[%add3A_99, %dma_start3A_108] : memref<10240x64xf32, #tpu.memory_space<vmem_shared>> -> memref<128x64xf32, #tpu.memory_space<vmem_shared>>
      %dma_start3A_110 = arith.constant 0 : i32
      %dma_start3A_111 = tpu.memref_slice %arg14[%add3A_99, %dma_start3A_110] : memref<10240x64xf32, #tpu.memory_space<vmem_shared>> -> memref<128x64xf32, #tpu.memory_space<vmem_shared>>
      tpu.enqueue_dma source(%dma_start3A_111 : memref<128x64xf32, #tpu.memory_space<vmem_shared>>) target(%arg13 : memref<128x64xf32, #tpu.memory_space<vmem>>) target_semaphore(%run_scoped3A : memref<!tpu.dma_semaphore, #tpu.memory_space<semaphore_mem>>)
      %dma_wait3A_112 = arith.constant 0 : i32
      %dma_wait3A_113 = tpu.memref_slice %arg14[%add3A_99, %dma_wait3A_112] : memref<10240x64xf32, #tpu.memory_space<vmem_shared>> -> memref<128x64xf32, #tpu.memory_space<vmem_shared>>
      %dma_wait3A_114 = arith.constant 0 : i32
      %dma_wait3A_115 = tpu.memref_slice %arg14[%add3A_99, %dma_wait3A_114] : memref<10240x64xf32, #tpu.memory_space<vmem_shared>> -> memref<128x64xf32, #tpu.memory_space<vmem_shared>>
      tpu.wait_dma2 semaphore(%run_scoped3A : memref<!tpu.dma_semaphore, #tpu.memory_space<semaphore_mem>>) src(%dma_wait3A_115 : memref<128x64xf32, #tpu.memory_space<vmem_shared>>) dst(%arg13 : memref<128x64xf32, #tpu.memory_space<vmem>>)
      tpu.yield
    }) : () -> ()
    "tpu.region"() ({
      %run_scoped3A = tpu.sem_alloc : memref<!tpu.dma_semaphore, #tpu.memory_space<semaphore_mem>>
      %dma_start3A_108 = arith.constant 0 : i32
      %dma_start3A_109 = arith.constant 0 : i32
      %dma_start3A_110 = tpu.memref_slice %arg5[%arg0, %dma_start3A_108, %dma_start3A_109] : memref<2x10240x64xf32, #tpu.memory_space<hbm>> -> memref<1x10240x64xf32, #tpu.memory_space<hbm>>
      %dma_start3A_111 = tpu.memref_squeeze %dma_start3A_110 : memref<1x10240x64xf32, #tpu.memory_space<hbm>> -> memref<10240x64xf32, #tpu.memory_space<hbm>>
      %dma_start3A_112 = arith.constant 0 : i32
      %dma_start3A_113 = tpu.memref_slice %dma_start3A_111[%add3A_99, %dma_start3A_112] : memref<10240x64xf32, #tpu.memory_space<hbm>> -> memref<128x64xf32, #tpu.memory_space<hbm>>
      %dma_start3A_114 = arith.constant 0 : i32
      %dma_start3A_115 = arith.constant 0 : i32
      %dma_start3A_116 = tpu.memref_slice %arg5[%arg0, %dma_start3A_114, %dma_start3A_115] : memref<2x10240x64xf32, #tpu.memory_space<hbm>> -> memref<1x10240x64xf32, #tpu.memory_space<hbm>>
      %dma_start3A_117 = tpu.memref_squeeze %dma_start3A_116 : memref<1x10240x64xf32, #tpu.memory_space<hbm>> -> memref<10240x64xf32, #tpu.memory_space<hbm>>
      %dma_start3A_118 = arith.constant 0 : i32
      %dma_start3A_119 = tpu.memref_slice %dma_start3A_117[%add3A_99, %dma_start3A_118] : memref<10240x64xf32, #tpu.memory_space<hbm>> -> memref<128x64xf32, #tpu.memory_space<hbm>>
      tpu.enqueue_dma source(%arg13 : memref<128x64xf32, #tpu.memory_space<vmem>>) target(%dma_start3A_119 : memref<128x64xf32, #tpu.memory_space<hbm>>) target_semaphore(%run_scoped3A : memref<!tpu.dma_semaphore, #tpu.memory_space<semaphore_mem>>)
      %dma_wait3A_120 = arith.constant 0 : i32
      %dma_wait3A_121 = arith.constant 0 : i32
      %dma_wait3A_122 = tpu.memref_slice %arg5[%arg0, %dma_wait3A_120, %dma_wait3A_121] : memref<2x10240x64xf32, #tpu.memory_space<hbm>> -> memref<1x10240x64xf32, #tpu.memory_space<hbm>>
      %dma_wait3A_123 = tpu.memref_squeeze %dma_wait3A_122 : memref<1x10240x64xf32, #tpu.memory_space<hbm>> -> memref<10240x64xf32, #tpu.memory_space<hbm>>
      %dma_wait3A_124 = arith.constant 0 : i32
      %dma_wait3A_125 = tpu.memref_slice %dma_wait3A_123[%add3A_99, %dma_wait3A_124] : memref<10240x64xf32, #tpu.memory_space<hbm>> -> memref<128x64xf32, #tpu.memory_space<hbm>>
      %dma_wait3A_126 = arith.constant 0 : i32
      %dma_wait3A_127 = arith.constant 0 : i32
      %dma_wait3A_128 = tpu.memref_slice %arg5[%arg0, %dma_wait3A_126, %dma_wait3A_127] : memref<2x10240x64xf32, #tpu.memory_space<hbm>> -> memref<1x10240x64xf32, #tpu.memory_space<hbm>>
      %dma_wait3A_129 = tpu.memref_squeeze %dma_wait3A_128 : memref<1x10240x64xf32, #tpu.memory_space<hbm>> -> memref<10240x64xf32, #tpu.memory_space<hbm>>
      %dma_wait3A_130 = arith.constant 0 : i32
      %dma_wait3A_131 = tpu.memref_slice %dma_wait3A_129[%add3A_99, %dma_wait3A_130] : memref<10240x64xf32, #tpu.memory_space<hbm>> -> memref<128x64xf32, #tpu.memory_space<hbm>>
      tpu.wait_dma2 semaphore(%run_scoped3A : memref<!tpu.dma_semaphore, #tpu.memory_space<semaphore_mem>>) src(%arg13 : memref<128x64xf32, #tpu.memory_space<vmem>>) dst(%dma_wait3A_131 : memref<128x64xf32, #tpu.memory_space<hbm>>)
      tpu.yield
    }) : () -> ()
    %mul3A_100 = arith.constant 640 : i32
    %mul3A_101 = arith.muli %arg1, %mul3A_100 : i32
    %add3A_102 = arith.constant 384 : i32
    %add3A_103 = arith.addi %mul3A_101, %add3A_102 : i32
    "tpu.region"() ({
      %run_scoped3A = tpu.sem_alloc : memref<!tpu.dma_semaphore, #tpu.memory_space<semaphore_mem>>
      %dma_start3A_108 = arith.constant 0 : i32
      %dma_start3A_109 = tpu.memref_slice %arg14[%add3A_103, %dma_start3A_108] : memref<10240x64xf32, #tpu.memory_space<vmem_shared>> -> memref<128x64xf32, #tpu.memory_space<vmem_shared>>
      %dma_start3A_110 = arith.constant 0 : i32
      %dma_start3A_111 = tpu.memref_slice %arg14[%add3A_103, %dma_start3A_110] : memref<10240x64xf32, #tpu.memory_space<vmem_shared>> -> memref<128x64xf32, #tpu.memory_space<vmem_shared>>
      tpu.enqueue_dma source(%dma_start3A_111 : memref<128x64xf32, #tpu.memory_space<vmem_shared>>) target(%arg13 : memref<128x64xf32, #tpu.memory_space<vmem>>) target_semaphore(%run_scoped3A : memref<!tpu.dma_semaphore, #tpu.memory_space<semaphore_mem>>)
      %dma_wait3A_112 = arith.constant 0 : i32
      %dma_wait3A_113 = tpu.memref_slice %arg14[%add3A_103, %dma_wait3A_112] : memref<10240x64xf32, #tpu.memory_space<vmem_shared>> -> memref<128x64xf32, #tpu.memory_space<vmem_shared>>
      %dma_wait3A_114 = arith.constant 0 : i32
      %dma_wait3A_115 = tpu.memref_slice %arg14[%add3A_103, %dma_wait3A_114] : memref<10240x64xf32, #tpu.memory_space<vmem_shared>> -> memref<128x64xf32, #tpu.memory_space<vmem_shared>>
      tpu.wait_dma2 semaphore(%run_scoped3A : memref<!tpu.dma_semaphore, #tpu.memory_space<semaphore_mem>>) src(%dma_wait3A_115 : memref<128x64xf32, #tpu.memory_space<vmem_shared>>) dst(%arg13 : memref<128x64xf32, #tpu.memory_space<vmem>>)
      tpu.yield
    }) : () -> ()
    "tpu.region"() ({
      %run_scoped3A = tpu.sem_alloc : memref<!tpu.dma_semaphore, #tpu.memory_space<semaphore_mem>>
      %dma_start3A_108 = arith.constant 0 : i32
      %dma_start3A_109 = arith.constant 0 : i32
      %dma_start3A_110 = tpu.memref_slice %arg5[%arg0, %dma_start3A_108, %dma_start3A_109] : memref<2x10240x64xf32, #tpu.memory_space<hbm>> -> memref<1x10240x64xf32, #tpu.memory_space<hbm>>
      %dma_start3A_111 = tpu.memref_squeeze %dma_start3A_110 : memref<1x10240x64xf32, #tpu.memory_space<hbm>> -> memref<10240x64xf32, #tpu.memory_space<hbm>>
      %dma_start3A_112 = arith.constant 0 : i32
      %dma_start3A_113 = tpu.memref_slice %dma_start3A_111[%add3A_103, %dma_start3A_112] : memref<10240x64xf32, #tpu.memory_space<hbm>> -> memref<128x64xf32, #tpu.memory_space<hbm>>
      %dma_start3A_114 = arith.constant 0 : i32
      %dma_start3A_115 = arith.constant 0 : i32
      %dma_start3A_116 = tpu.memref_slice %arg5[%arg0, %dma_start3A_114, %dma_start3A_115] : memref<2x10240x64xf32, #tpu.memory_space<hbm>> -> memref<1x10240x64xf32, #tpu.memory_space<hbm>>
      %dma_start3A_117 = tpu.memref_squeeze %dma_start3A_116 : memref<1x10240x64xf32, #tpu.memory_space<hbm>> -> memref<10240x64xf32, #tpu.memory_space<hbm>>
      %dma_start3A_118 = arith.constant 0 : i32
      %dma_start3A_119 = tpu.memref_slice %dma_start3A_117[%add3A_103, %dma_start3A_118] : memref<10240x64xf32, #tpu.memory_space<hbm>> -> memref<128x64xf32, #tpu.memory_space<hbm>>
      tpu.enqueue_dma source(%arg13 : memref<128x64xf32, #tpu.memory_space<vmem>>) target(%dma_start3A_119 : memref<128x64xf32, #tpu.memory_space<hbm>>) target_semaphore(%run_scoped3A : memref<!tpu.dma_semaphore, #tpu.memory_space<semaphore_mem>>)
      %dma_wait3A_120 = arith.constant 0 : i32
      %dma_wait3A_121 = arith.constant 0 : i32
      %dma_wait3A_122 = tpu.memref_slice %arg5[%arg0, %dma_wait3A_120, %dma_wait3A_121] : memref<2x10240x64xf32, #tpu.memory_space<hbm>> -> memref<1x10240x64xf32, #tpu.memory_space<hbm>>
      %dma_wait3A_123 = tpu.memref_squeeze %dma_wait3A_122 : memref<1x10240x64xf32, #tpu.memory_space<hbm>> -> memref<10240x64xf32, #tpu.memory_space<hbm>>
      %dma_wait3A_124 = arith.constant 0 : i32
      %dma_wait3A_125 = tpu.memref_slice %dma_wait3A_123[%add3A_103, %dma_wait3A_124] : memref<10240x64xf32, #tpu.memory_space<hbm>> -> memref<128x64xf32, #tpu.memory_space<hbm>>
      %dma_wait3A_126 = arith.constant 0 : i32
      %dma_wait3A_127 = arith.constant 0 : i32
      %dma_wait3A_128 = tpu.memref_slice %arg5[%arg0, %dma_wait3A_126, %dma_wait3A_127] : memref<2x10240x64xf32, #tpu.memory_space<hbm>> -> memref<1x10240x64xf32, #tpu.memory_space<hbm>>
      %dma_wait3A_129 = tpu.memref_squeeze %dma_wait3A_128 : memref<1x10240x64xf32, #tpu.memory_space<hbm>> -> memref<10240x64xf32, #tpu.memory_space<hbm>>
      %dma_wait3A_130 = arith.constant 0 : i32
      %dma_wait3A_131 = tpu.memref_slice %dma_wait3A_129[%add3A_103, %dma_wait3A_130] : memref<10240x64xf32, #tpu.memory_space<hbm>> -> memref<128x64xf32, #tpu.memory_space<hbm>>
      tpu.wait_dma2 semaphore(%run_scoped3A : memref<!tpu.dma_semaphore, #tpu.memory_space<semaphore_mem>>) src(%arg13 : memref<128x64xf32, #tpu.memory_space<vmem>>) dst(%dma_wait3A_131 : memref<128x64xf32, #tpu.memory_space<hbm>>)
      tpu.yield
    }) : () -> ()
    %mul3A_104 = arith.constant 640 : i32
    %mul3A_105 = arith.muli %arg1, %mul3A_104 : i32
    %add3A_106 = arith.constant 512 : i32
    %add3A_107 = arith.addi %mul3A_105, %add3A_106 : i32
    "tpu.region"() ({
      %run_scoped3A = tpu.sem_alloc : memref<!tpu.dma_semaphore, #tpu.memory_space<semaphore_mem>>
      %dma_start3A_108 = arith.constant 0 : i32
      %dma_start3A_109 = tpu.memref_slice %arg14[%add3A_107, %dma_start3A_108] : memref<10240x64xf32, #tpu.memory_space<vmem_shared>> -> memref<128x64xf32, #tpu.memory_space<vmem_shared>>
      %dma_start3A_110 = arith.constant 0 : i32
      %dma_start3A_111 = tpu.memref_slice %arg14[%add3A_107, %dma_start3A_110] : memref<10240x64xf32, #tpu.memory_space<vmem_shared>> -> memref<128x64xf32, #tpu.memory_space<vmem_shared>>
      tpu.enqueue_dma source(%dma_start3A_111 : memref<128x64xf32, #tpu.memory_space<vmem_shared>>) target(%arg13 : memref<128x64xf32, #tpu.memory_space<vmem>>) target_semaphore(%run_scoped3A : memref<!tpu.dma_semaphore, #tpu.memory_space<semaphore_mem>>)
      %dma_wait3A_112 = arith.constant 0 : i32
      %dma_wait3A_113 = tpu.memref_slice %arg14[%add3A_107, %dma_wait3A_112] : memref<10240x64xf32, #tpu.memory_space<vmem_shared>> -> memref<128x64xf32, #tpu.memory_space<vmem_shared>>
      %dma_wait3A_114 = arith.constant 0 : i32
      %dma_wait3A_115 = tpu.memref_slice %arg14[%add3A_107, %dma_wait3A_114] : memref<10240x64xf32, #tpu.memory_space<vmem_shared>> -> memref<128x64xf32, #tpu.memory_space<vmem_shared>>
      tpu.wait_dma2 semaphore(%run_scoped3A : memref<!tpu.dma_semaphore, #tpu.memory_space<semaphore_mem>>) src(%dma_wait3A_115 : memref<128x64xf32, #tpu.memory_space<vmem_shared>>) dst(%arg13 : memref<128x64xf32, #tpu.memory_space<vmem>>)
      tpu.yield
    }) : () -> ()
    "tpu.region"() ({
      %run_scoped3A = tpu.sem_alloc : memref<!tpu.dma_semaphore, #tpu.memory_space<semaphore_mem>>
      %dma_start3A_108 = arith.constant 0 : i32
      %dma_start3A_109 = arith.constant 0 : i32
      %dma_start3A_110 = tpu.memref_slice %arg5[%arg0, %dma_start3A_108, %dma_start3A_109] : memref<2x10240x64xf32, #tpu.memory_space<hbm>> -> memref<1x10240x64xf32, #tpu.memory_space<hbm>>
      %dma_start3A_111 = tpu.memref_squeeze %dma_start3A_110 : memref<1x10240x64xf32, #tpu.memory_space<hbm>> -> memref<10240x64xf32, #tpu.memory_space<hbm>>
      %dma_start3A_112 = arith.constant 0 : i32
      %dma_start3A_113 = tpu.memref_slice %dma_start3A_111[%add3A_107, %dma_start3A_112] : memref<10240x64xf32, #tpu.memory_space<hbm>> -> memref<128x64xf32, #tpu.memory_space<hbm>>
      %dma_start3A_114 = arith.constant 0 : i32
      %dma_start3A_115 = arith.constant 0 : i32
      %dma_start3A_116 = tpu.memref_slice %arg5[%arg0, %dma_start3A_114, %dma_start3A_115] : memref<2x10240x64xf32, #tpu.memory_space<hbm>> -> memref<1x10240x64xf32, #tpu.memory_space<hbm>>
      %dma_start3A_117 = tpu.memref_squeeze %dma_start3A_116 : memref<1x10240x64xf32, #tpu.memory_space<hbm>> -> memref<10240x64xf32, #tpu.memory_space<hbm>>
      %dma_start3A_118 = arith.constant 0 : i32
      %dma_start3A_119 = tpu.memref_slice %dma_start3A_117[%add3A_107, %dma_start3A_118] : memref<10240x64xf32, #tpu.memory_space<hbm>> -> memref<128x64xf32, #tpu.memory_space<hbm>>
      tpu.enqueue_dma source(%arg13 : memref<128x64xf32, #tpu.memory_space<vmem>>) target(%dma_start3A_119 : memref<128x64xf32, #tpu.memory_space<hbm>>) target_semaphore(%run_scoped3A : memref<!tpu.dma_semaphore, #tpu.memory_space<semaphore_mem>>)
      %dma_wait3A_120 = arith.constant 0 : i32
      %dma_wait3A_121 = arith.constant 0 : i32
      %dma_wait3A_122 = tpu.memref_slice %arg5[%arg0, %dma_wait3A_120, %dma_wait3A_121] : memref<2x10240x64xf32, #tpu.memory_space<hbm>> -> memref<1x10240x64xf32, #tpu.memory_space<hbm>>
      %dma_wait3A_123 = tpu.memref_squeeze %dma_wait3A_122 : memref<1x10240x64xf32, #tpu.memory_space<hbm>> -> memref<10240x64xf32, #tpu.memory_space<hbm>>
      %dma_wait3A_124 = arith.constant 0 : i32
      %dma_wait3A_125 = tpu.memref_slice %dma_wait3A_123[%add3A_107, %dma_wait3A_124] : memref<10240x64xf32, #tpu.memory_space<hbm>> -> memref<128x64xf32, #tpu.memory_space<hbm>>
      %dma_wait3A_126 = arith.constant 0 : i32
      %dma_wait3A_127 = arith.constant 0 : i32
      %dma_wait3A_128 = tpu.memref_slice %arg5[%arg0, %dma_wait3A_126, %dma_wait3A_127] : memref<2x10240x64xf32, #tpu.memory_space<hbm>> -> memref<1x10240x64xf32, #tpu.memory_space<hbm>>
      %dma_wait3A_129 = tpu.memref_squeeze %dma_wait3A_128 : memref<1x10240x64xf32, #tpu.memory_space<hbm>> -> memref<10240x64xf32, #tpu.memory_space<hbm>>
      %dma_wait3A_130 = arith.constant 0 : i32
      %dma_wait3A_131 = tpu.memref_slice %dma_wait3A_129[%add3A_107, %dma_wait3A_130] : memref<10240x64xf32, #tpu.memory_space<hbm>> -> memref<128x64xf32, #tpu.memory_space<hbm>>
      tpu.wait_dma2 semaphore(%run_scoped3A : memref<!tpu.dma_semaphore, #tpu.memory_space<semaphore_mem>>) src(%arg13 : memref<128x64xf32, #tpu.memory_space<vmem>>) dst(%dma_wait3A_131 : memref<128x64xf32, #tpu.memory_space<hbm>>)
      tpu.yield
    }) : () -> ()
    return
  }
}

#map = affine_map<(d0, d1) -> (0, 0)>
#map1 = affine_map<(d0, d1) -> (0, 0, 0)>
module attributes {stable_mosaic.version = 14 : i64} {
  func.func @_prop_staged_body(%arg0: i32, %arg1: i32, %arg2: memref<10240x16xf32, #tpu.memory_space<hbm>>, %arg3: memref<32x125x80xi32, #tpu.memory_space<hbm>>, %arg4: memref<32x125x80xi32, #tpu.memory_space<hbm>>, %arg5: memref<2x10240x16xf32, #tpu.memory_space<hbm>>, %arg6: memref<125x80xi32, #tpu.memory_space<vmem>>, %arg7: memref<125x80xi32, #tpu.memory_space<vmem>>, %arg8: memref<80x16xf32, #tpu.memory_space<vmem>>, %arg9: memref<80x16xf32, #tpu.memory_space<vmem>>, %arg10: memref<80x16xf32, #tpu.memory_space<vmem>>, %arg11: memref<80x16xf32, #tpu.memory_space<vmem>>, %arg12: memref<80x16xf32, #tpu.memory_space<vmem>>, %arg13: memref<128x16xf32, #tpu.memory_space<vmem>>, %arg14: memref<10240x16xf32, #tpu.memory_space<vmem_shared>>, %arg15: memref<10240x16xf32, #tpu.memory_space<vmem_shared>>, %arg16: memref<!tpu.dma_semaphore, #tpu.memory_space<semaphore_mem>>, %arg17: memref<!tpu.dma_semaphore, #tpu.memory_space<semaphore_mem>>, %arg18: memref<!tpu.dma_semaphore, #tpu.memory_space<semaphore_mem>>, %arg19: memref<!tpu.dma_semaphore, #tpu.memory_space<semaphore_mem>>, %arg20: memref<!tpu.dma_semaphore, #tpu.memory_space<semaphore_mem>>) attributes {dimension_semantics = [#tpu.dimension_semantics<core_parallel>, #tpu.dimension_semantics<subcore_parallel>], iteration_bounds = array<i64: 2, 16>, scalar_prefetch = 0 : i64, scratch_operands = 15 : i64, tpu.core_type = #tpu.core_type<sc_vector_subcore>, window_params = [{transform_indices = #map}, {transform_indices = #map1}, {transform_indices = #map1}, {transform_indices = #map1}]} {
    %mul3A = arith.constant 16 : i32
    %mul3A_0 = arith.muli %arg0, %mul3A : i32
    %add3A = arith.addi %mul3A_0, %arg1 : i32
    %broadcast_in_dim3A = arith.constant 0.000000e+00 : f32
    %broadcast_in_dim3A_1 = vector.broadcast %broadcast_in_dim3A : f32 to vector<16xf32>
    %scan3A = arith.constant 0 : i32
    %scan3A_2 = arith.constant 0 : i32
    %scan3A_3 = arith.constant 128 : i32
    %scan3A_4 = arith.addi %scan3A_2, %scan3A_3 : i32
    %scan3A_5 = arith.constant 1 : i32
    scf.for %scan3A_128 = %scan3A_2 to %scan3A_4 step %scan3A_5  : i32 {
      %swap3A = arith.index_cast %scan3A_128 : i32 to index
      %swap3A_129 = arith.constant 0 : index
      %swap3A_130 = tpu.vector_load %arg13[%swap3A, %swap3A_129] {strides = array<i32>} : memref<128x16xf32, #tpu.memory_space<vmem>>, vector<1x16xf32>,
      %swap3A_131 = vector.shape_cast %swap3A_130 : vector<1x16xf32> to vector<16xf32>
      %swap3A_132 = vector.shape_cast %broadcast_in_dim3A_1 : vector<16xf32> to vector<1x16xf32>
      tpu.vector_store %arg13[%swap3A, %swap3A_129], %swap3A_132 {strides = array<i32>} : memref<128x16xf32, #tpu.memory_space<vmem>>, vector<1x16xf32>,
    }
    %scan3A_6 = arith.constant 128 : i32
    %mul3A_7 = arith.constant 640 : i32
    %mul3A_8 = arith.muli %arg1, %mul3A_7 : i32
    %add3A_9 = arith.constant 0 : i32
    %add3A_10 = arith.addi %mul3A_8, %add3A_9 : i32
    "tpu.region"() ({
      %run_scoped3A = tpu.sem_alloc : memref<!tpu.dma_semaphore, #tpu.memory_space<semaphore_mem>>
      %dma_start3A_128 = arith.constant 0 : i32
      %dma_start3A_129 = tpu.memref_slice %arg14[%add3A_10, %dma_start3A_128] : memref<10240x16xf32, #tpu.memory_space<vmem_shared>> -> memref<128x16xf32, #tpu.memory_space<vmem_shared>>
      %dma_start3A_130 = arith.constant 0 : i32
      %dma_start3A_131 = tpu.memref_slice %arg14[%add3A_10, %dma_start3A_130] : memref<10240x16xf32, #tpu.memory_space<vmem_shared>> -> memref<128x16xf32, #tpu.memory_space<vmem_shared>>
      tpu.enqueue_dma source(%arg13 : memref<128x16xf32, #tpu.memory_space<vmem>>) target(%dma_start3A_131 : memref<128x16xf32, #tpu.memory_space<vmem_shared>>) target_semaphore(%run_scoped3A : memref<!tpu.dma_semaphore, #tpu.memory_space<semaphore_mem>>)
      %dma_wait3A_132 = arith.constant 0 : i32
      %dma_wait3A_133 = tpu.memref_slice %arg14[%add3A_10, %dma_wait3A_132] : memref<10240x16xf32, #tpu.memory_space<vmem_shared>> -> memref<128x16xf32, #tpu.memory_space<vmem_shared>>
      %dma_wait3A_134 = arith.constant 0 : i32
      %dma_wait3A_135 = tpu.memref_slice %arg14[%add3A_10, %dma_wait3A_134] : memref<10240x16xf32, #tpu.memory_space<vmem_shared>> -> memref<128x16xf32, #tpu.memory_space<vmem_shared>>
      tpu.wait_dma2 semaphore(%run_scoped3A : memref<!tpu.dma_semaphore, #tpu.memory_space<semaphore_mem>>) src(%arg13 : memref<128x16xf32, #tpu.memory_space<vmem>>) dst(%dma_wait3A_135 : memref<128x16xf32, #tpu.memory_space<vmem_shared>>)
      tpu.yield
    }) : () -> ()
    %mul3A_11 = arith.constant 640 : i32
    %mul3A_12 = arith.muli %arg1, %mul3A_11 : i32
    %add3A_13 = arith.constant 128 : i32
    %add3A_14 = arith.addi %mul3A_12, %add3A_13 : i32
    "tpu.region"() ({
      %run_scoped3A = tpu.sem_alloc : memref<!tpu.dma_semaphore, #tpu.memory_space<semaphore_mem>>
      %dma_start3A_128 = arith.constant 0 : i32
      %dma_start3A_129 = tpu.memref_slice %arg14[%add3A_14, %dma_start3A_128] : memref<10240x16xf32, #tpu.memory_space<vmem_shared>> -> memref<128x16xf32, #tpu.memory_space<vmem_shared>>
      %dma_start3A_130 = arith.constant 0 : i32
      %dma_start3A_131 = tpu.memref_slice %arg14[%add3A_14, %dma_start3A_130] : memref<10240x16xf32, #tpu.memory_space<vmem_shared>> -> memref<128x16xf32, #tpu.memory_space<vmem_shared>>
      tpu.enqueue_dma source(%arg13 : memref<128x16xf32, #tpu.memory_space<vmem>>) target(%dma_start3A_131 : memref<128x16xf32, #tpu.memory_space<vmem_shared>>) target_semaphore(%run_scoped3A : memref<!tpu.dma_semaphore, #tpu.memory_space<semaphore_mem>>)
      %dma_wait3A_132 = arith.constant 0 : i32
      %dma_wait3A_133 = tpu.memref_slice %arg14[%add3A_14, %dma_wait3A_132] : memref<10240x16xf32, #tpu.memory_space<vmem_shared>> -> memref<128x16xf32, #tpu.memory_space<vmem_shared>>
      %dma_wait3A_134 = arith.constant 0 : i32
      %dma_wait3A_135 = tpu.memref_slice %arg14[%add3A_14, %dma_wait3A_134] : memref<10240x16xf32, #tpu.memory_space<vmem_shared>> -> memref<128x16xf32, #tpu.memory_space<vmem_shared>>
      tpu.wait_dma2 semaphore(%run_scoped3A : memref<!tpu.dma_semaphore, #tpu.memory_space<semaphore_mem>>) src(%arg13 : memref<128x16xf32, #tpu.memory_space<vmem>>) dst(%dma_wait3A_135 : memref<128x16xf32, #tpu.memory_space<vmem_shared>>)
      tpu.yield
    }) : () -> ()
    %mul3A_15 = arith.constant 640 : i32
    %mul3A_16 = arith.muli %arg1, %mul3A_15 : i32
    %add3A_17 = arith.constant 256 : i32
    %add3A_18 = arith.addi %mul3A_16, %add3A_17 : i32
    "tpu.region"() ({
      %run_scoped3A = tpu.sem_alloc : memref<!tpu.dma_semaphore, #tpu.memory_space<semaphore_mem>>
      %dma_start3A_128 = arith.constant 0 : i32
      %dma_start3A_129 = tpu.memref_slice %arg14[%add3A_18, %dma_start3A_128] : memref<10240x16xf32, #tpu.memory_space<vmem_shared>> -> memref<128x16xf32, #tpu.memory_space<vmem_shared>>
      %dma_start3A_130 = arith.constant 0 : i32
      %dma_start3A_131 = tpu.memref_slice %arg14[%add3A_18, %dma_start3A_130] : memref<10240x16xf32, #tpu.memory_space<vmem_shared>> -> memref<128x16xf32, #tpu.memory_space<vmem_shared>>
      tpu.enqueue_dma source(%arg13 : memref<128x16xf32, #tpu.memory_space<vmem>>) target(%dma_start3A_131 : memref<128x16xf32, #tpu.memory_space<vmem_shared>>) target_semaphore(%run_scoped3A : memref<!tpu.dma_semaphore, #tpu.memory_space<semaphore_mem>>)
      %dma_wait3A_132 = arith.constant 0 : i32
      %dma_wait3A_133 = tpu.memref_slice %arg14[%add3A_18, %dma_wait3A_132] : memref<10240x16xf32, #tpu.memory_space<vmem_shared>> -> memref<128x16xf32, #tpu.memory_space<vmem_shared>>
      %dma_wait3A_134 = arith.constant 0 : i32
      %dma_wait3A_135 = tpu.memref_slice %arg14[%add3A_18, %dma_wait3A_134] : memref<10240x16xf32, #tpu.memory_space<vmem_shared>> -> memref<128x16xf32, #tpu.memory_space<vmem_shared>>
      tpu.wait_dma2 semaphore(%run_scoped3A : memref<!tpu.dma_semaphore, #tpu.memory_space<semaphore_mem>>) src(%arg13 : memref<128x16xf32, #tpu.memory_space<vmem>>) dst(%dma_wait3A_135 : memref<128x16xf32, #tpu.memory_space<vmem_shared>>)
      tpu.yield
    }) : () -> ()
    %mul3A_19 = arith.constant 640 : i32
    %mul3A_20 = arith.muli %arg1, %mul3A_19 : i32
    %add3A_21 = arith.constant 384 : i32
    %add3A_22 = arith.addi %mul3A_20, %add3A_21 : i32
    "tpu.region"() ({
      %run_scoped3A = tpu.sem_alloc : memref<!tpu.dma_semaphore, #tpu.memory_space<semaphore_mem>>
      %dma_start3A_128 = arith.constant 0 : i32
      %dma_start3A_129 = tpu.memref_slice %arg14[%add3A_22, %dma_start3A_128] : memref<10240x16xf32, #tpu.memory_space<vmem_shared>> -> memref<128x16xf32, #tpu.memory_space<vmem_shared>>
      %dma_start3A_130 = arith.constant 0 : i32
      %dma_start3A_131 = tpu.memref_slice %arg14[%add3A_22, %dma_start3A_130] : memref<10240x16xf32, #tpu.memory_space<vmem_shared>> -> memref<128x16xf32, #tpu.memory_space<vmem_shared>>
      tpu.enqueue_dma source(%arg13 : memref<128x16xf32, #tpu.memory_space<vmem>>) target(%dma_start3A_131 : memref<128x16xf32, #tpu.memory_space<vmem_shared>>) target_semaphore(%run_scoped3A : memref<!tpu.dma_semaphore, #tpu.memory_space<semaphore_mem>>)
      %dma_wait3A_132 = arith.constant 0 : i32
      %dma_wait3A_133 = tpu.memref_slice %arg14[%add3A_22, %dma_wait3A_132] : memref<10240x16xf32, #tpu.memory_space<vmem_shared>> -> memref<128x16xf32, #tpu.memory_space<vmem_shared>>
      %dma_wait3A_134 = arith.constant 0 : i32
      %dma_wait3A_135 = tpu.memref_slice %arg14[%add3A_22, %dma_wait3A_134] : memref<10240x16xf32, #tpu.memory_space<vmem_shared>> -> memref<128x16xf32, #tpu.memory_space<vmem_shared>>
      tpu.wait_dma2 semaphore(%run_scoped3A : memref<!tpu.dma_semaphore, #tpu.memory_space<semaphore_mem>>) src(%arg13 : memref<128x16xf32, #tpu.memory_space<vmem>>) dst(%dma_wait3A_135 : memref<128x16xf32, #tpu.memory_space<vmem_shared>>)
      tpu.yield
    }) : () -> ()
    %mul3A_23 = arith.constant 640 : i32
    %mul3A_24 = arith.muli %arg1, %mul3A_23 : i32
    %add3A_25 = arith.constant 512 : i32
    %add3A_26 = arith.addi %mul3A_24, %add3A_25 : i32
    "tpu.region"() ({
      %run_scoped3A = tpu.sem_alloc : memref<!tpu.dma_semaphore, #tpu.memory_space<semaphore_mem>>
      %dma_start3A_128 = arith.constant 0 : i32
      %dma_start3A_129 = tpu.memref_slice %arg14[%add3A_26, %dma_start3A_128] : memref<10240x16xf32, #tpu.memory_space<vmem_shared>> -> memref<128x16xf32, #tpu.memory_space<vmem_shared>>
      %dma_start3A_130 = arith.constant 0 : i32
      %dma_start3A_131 = tpu.memref_slice %arg14[%add3A_26, %dma_start3A_130] : memref<10240x16xf32, #tpu.memory_space<vmem_shared>> -> memref<128x16xf32, #tpu.memory_space<vmem_shared>>
      tpu.enqueue_dma source(%arg13 : memref<128x16xf32, #tpu.memory_space<vmem>>) target(%dma_start3A_131 : memref<128x16xf32, #tpu.memory_space<vmem_shared>>) target_semaphore(%run_scoped3A : memref<!tpu.dma_semaphore, #tpu.memory_space<semaphore_mem>>)
      %dma_wait3A_132 = arith.constant 0 : i32
      %dma_wait3A_133 = tpu.memref_slice %arg14[%add3A_26, %dma_wait3A_132] : memref<10240x16xf32, #tpu.memory_space<vmem_shared>> -> memref<128x16xf32, #tpu.memory_space<vmem_shared>>
      %dma_wait3A_134 = arith.constant 0 : i32
      %dma_wait3A_135 = tpu.memref_slice %arg14[%add3A_26, %dma_wait3A_134] : memref<10240x16xf32, #tpu.memory_space<vmem_shared>> -> memref<128x16xf32, #tpu.memory_space<vmem_shared>>
      tpu.wait_dma2 semaphore(%run_scoped3A : memref<!tpu.dma_semaphore, #tpu.memory_space<semaphore_mem>>) src(%arg13 : memref<128x16xf32, #tpu.memory_space<vmem>>) dst(%dma_wait3A_135 : memref<128x16xf32, #tpu.memory_space<vmem_shared>>)
      tpu.yield
    }) : () -> ()
    %mul3A_27 = arith.constant 640 : i32
    %mul3A_28 = arith.muli %arg1, %mul3A_27 : i32
    %add3A_29 = arith.constant 0 : i32
    %add3A_30 = arith.addi %mul3A_28, %add3A_29 : i32
    "tpu.region"() ({
      %run_scoped3A = tpu.sem_alloc : memref<!tpu.dma_semaphore, #tpu.memory_space<semaphore_mem>>
      %dma_start3A_128 = arith.constant 0 : i32
      %dma_start3A_129 = tpu.memref_slice %arg15[%add3A_30, %dma_start3A_128] : memref<10240x16xf32, #tpu.memory_space<vmem_shared>> -> memref<128x16xf32, #tpu.memory_space<vmem_shared>>
      %dma_start3A_130 = arith.constant 0 : i32
      %dma_start3A_131 = tpu.memref_slice %arg2[%add3A_30, %dma_start3A_130] : memref<10240x16xf32, #tpu.memory_space<hbm>> -> memref<128x16xf32, #tpu.memory_space<hbm>>
      tpu.enqueue_dma source(%dma_start3A_131 : memref<128x16xf32, #tpu.memory_space<hbm>>) target(%dma_start3A_129 : memref<128x16xf32, #tpu.memory_space<vmem_shared>>) target_semaphore(%run_scoped3A : memref<!tpu.dma_semaphore, #tpu.memory_space<semaphore_mem>>)
      %dma_wait3A_132 = arith.constant 0 : i32
      %dma_wait3A_133 = tpu.memref_slice %arg15[%add3A_30, %dma_wait3A_132] : memref<10240x16xf32, #tpu.memory_space<vmem_shared>> -> memref<128x16xf32, #tpu.memory_space<vmem_shared>>
      %dma_wait3A_134 = arith.constant 0 : i32
      %dma_wait3A_135 = tpu.memref_slice %arg2[%add3A_30, %dma_wait3A_134] : memref<10240x16xf32, #tpu.memory_space<hbm>> -> memref<128x16xf32, #tpu.memory_space<hbm>>
      tpu.wait_dma2 semaphore(%run_scoped3A : memref<!tpu.dma_semaphore, #tpu.memory_space<semaphore_mem>>) src(%dma_wait3A_135 : memref<128x16xf32, #tpu.memory_space<hbm>>) dst(%dma_wait3A_133 : memref<128x16xf32, #tpu.memory_space<vmem_shared>>)
      tpu.yield
    }) : () -> ()
    %mul3A_31 = arith.constant 640 : i32
    %mul3A_32 = arith.muli %arg1, %mul3A_31 : i32
    %add3A_33 = arith.constant 128 : i32
    %add3A_34 = arith.addi %mul3A_32, %add3A_33 : i32
    "tpu.region"() ({
      %run_scoped3A = tpu.sem_alloc : memref<!tpu.dma_semaphore, #tpu.memory_space<semaphore_mem>>
      %dma_start3A_128 = arith.constant 0 : i32
      %dma_start3A_129 = tpu.memref_slice %arg15[%add3A_34, %dma_start3A_128] : memref<10240x16xf32, #tpu.memory_space<vmem_shared>> -> memref<128x16xf32, #tpu.memory_space<vmem_shared>>
      %dma_start3A_130 = arith.constant 0 : i32
      %dma_start3A_131 = tpu.memref_slice %arg2[%add3A_34, %dma_start3A_130] : memref<10240x16xf32, #tpu.memory_space<hbm>> -> memref<128x16xf32, #tpu.memory_space<hbm>>
      tpu.enqueue_dma source(%dma_start3A_131 : memref<128x16xf32, #tpu.memory_space<hbm>>) target(%dma_start3A_129 : memref<128x16xf32, #tpu.memory_space<vmem_shared>>) target_semaphore(%run_scoped3A : memref<!tpu.dma_semaphore, #tpu.memory_space<semaphore_mem>>)
      %dma_wait3A_132 = arith.constant 0 : i32
      %dma_wait3A_133 = tpu.memref_slice %arg15[%add3A_34, %dma_wait3A_132] : memref<10240x16xf32, #tpu.memory_space<vmem_shared>> -> memref<128x16xf32, #tpu.memory_space<vmem_shared>>
      %dma_wait3A_134 = arith.constant 0 : i32
      %dma_wait3A_135 = tpu.memref_slice %arg2[%add3A_34, %dma_wait3A_134] : memref<10240x16xf32, #tpu.memory_space<hbm>> -> memref<128x16xf32, #tpu.memory_space<hbm>>
      tpu.wait_dma2 semaphore(%run_scoped3A : memref<!tpu.dma_semaphore, #tpu.memory_space<semaphore_mem>>) src(%dma_wait3A_135 : memref<128x16xf32, #tpu.memory_space<hbm>>) dst(%dma_wait3A_133 : memref<128x16xf32, #tpu.memory_space<vmem_shared>>)
      tpu.yield
    }) : () -> ()
    %mul3A_35 = arith.constant 640 : i32
    %mul3A_36 = arith.muli %arg1, %mul3A_35 : i32
    %add3A_37 = arith.constant 256 : i32
    %add3A_38 = arith.addi %mul3A_36, %add3A_37 : i32
    "tpu.region"() ({
      %run_scoped3A = tpu.sem_alloc : memref<!tpu.dma_semaphore, #tpu.memory_space<semaphore_mem>>
      %dma_start3A_128 = arith.constant 0 : i32
      %dma_start3A_129 = tpu.memref_slice %arg15[%add3A_38, %dma_start3A_128] : memref<10240x16xf32, #tpu.memory_space<vmem_shared>> -> memref<128x16xf32, #tpu.memory_space<vmem_shared>>
      %dma_start3A_130 = arith.constant 0 : i32
      %dma_start3A_131 = tpu.memref_slice %arg2[%add3A_38, %dma_start3A_130] : memref<10240x16xf32, #tpu.memory_space<hbm>> -> memref<128x16xf32, #tpu.memory_space<hbm>>
      tpu.enqueue_dma source(%dma_start3A_131 : memref<128x16xf32, #tpu.memory_space<hbm>>) target(%dma_start3A_129 : memref<128x16xf32, #tpu.memory_space<vmem_shared>>) target_semaphore(%run_scoped3A : memref<!tpu.dma_semaphore, #tpu.memory_space<semaphore_mem>>)
      %dma_wait3A_132 = arith.constant 0 : i32
      %dma_wait3A_133 = tpu.memref_slice %arg15[%add3A_38, %dma_wait3A_132] : memref<10240x16xf32, #tpu.memory_space<vmem_shared>> -> memref<128x16xf32, #tpu.memory_space<vmem_shared>>
      %dma_wait3A_134 = arith.constant 0 : i32
      %dma_wait3A_135 = tpu.memref_slice %arg2[%add3A_38, %dma_wait3A_134] : memref<10240x16xf32, #tpu.memory_space<hbm>> -> memref<128x16xf32, #tpu.memory_space<hbm>>
      tpu.wait_dma2 semaphore(%run_scoped3A : memref<!tpu.dma_semaphore, #tpu.memory_space<semaphore_mem>>) src(%dma_wait3A_135 : memref<128x16xf32, #tpu.memory_space<hbm>>) dst(%dma_wait3A_133 : memref<128x16xf32, #tpu.memory_space<vmem_shared>>)
      tpu.yield
    }) : () -> ()
    %mul3A_39 = arith.constant 640 : i32
    %mul3A_40 = arith.muli %arg1, %mul3A_39 : i32
    %add3A_41 = arith.constant 384 : i32
    %add3A_42 = arith.addi %mul3A_40, %add3A_41 : i32
    "tpu.region"() ({
      %run_scoped3A = tpu.sem_alloc : memref<!tpu.dma_semaphore, #tpu.memory_space<semaphore_mem>>
      %dma_start3A_128 = arith.constant 0 : i32
      %dma_start3A_129 = tpu.memref_slice %arg15[%add3A_42, %dma_start3A_128] : memref<10240x16xf32, #tpu.memory_space<vmem_shared>> -> memref<128x16xf32, #tpu.memory_space<vmem_shared>>
      %dma_start3A_130 = arith.constant 0 : i32
      %dma_start3A_131 = tpu.memref_slice %arg2[%add3A_42, %dma_start3A_130] : memref<10240x16xf32, #tpu.memory_space<hbm>> -> memref<128x16xf32, #tpu.memory_space<hbm>>
      tpu.enqueue_dma source(%dma_start3A_131 : memref<128x16xf32, #tpu.memory_space<hbm>>) target(%dma_start3A_129 : memref<128x16xf32, #tpu.memory_space<vmem_shared>>) target_semaphore(%run_scoped3A : memref<!tpu.dma_semaphore, #tpu.memory_space<semaphore_mem>>)
      %dma_wait3A_132 = arith.constant 0 : i32
      %dma_wait3A_133 = tpu.memref_slice %arg15[%add3A_42, %dma_wait3A_132] : memref<10240x16xf32, #tpu.memory_space<vmem_shared>> -> memref<128x16xf32, #tpu.memory_space<vmem_shared>>
      %dma_wait3A_134 = arith.constant 0 : i32
      %dma_wait3A_135 = tpu.memref_slice %arg2[%add3A_42, %dma_wait3A_134] : memref<10240x16xf32, #tpu.memory_space<hbm>> -> memref<128x16xf32, #tpu.memory_space<hbm>>
      tpu.wait_dma2 semaphore(%run_scoped3A : memref<!tpu.dma_semaphore, #tpu.memory_space<semaphore_mem>>) src(%dma_wait3A_135 : memref<128x16xf32, #tpu.memory_space<hbm>>) dst(%dma_wait3A_133 : memref<128x16xf32, #tpu.memory_space<vmem_shared>>)
      tpu.yield
    }) : () -> ()
    %mul3A_43 = arith.constant 640 : i32
    %mul3A_44 = arith.muli %arg1, %mul3A_43 : i32
    %add3A_45 = arith.constant 512 : i32
    %add3A_46 = arith.addi %mul3A_44, %add3A_45 : i32
    "tpu.region"() ({
      %run_scoped3A = tpu.sem_alloc : memref<!tpu.dma_semaphore, #tpu.memory_space<semaphore_mem>>
      %dma_start3A_128 = arith.constant 0 : i32
      %dma_start3A_129 = tpu.memref_slice %arg15[%add3A_46, %dma_start3A_128] : memref<10240x16xf32, #tpu.memory_space<vmem_shared>> -> memref<128x16xf32, #tpu.memory_space<vmem_shared>>
      %dma_start3A_130 = arith.constant 0 : i32
      %dma_start3A_131 = tpu.memref_slice %arg2[%add3A_46, %dma_start3A_130] : memref<10240x16xf32, #tpu.memory_space<hbm>> -> memref<128x16xf32, #tpu.memory_space<hbm>>
      tpu.enqueue_dma source(%dma_start3A_131 : memref<128x16xf32, #tpu.memory_space<hbm>>) target(%dma_start3A_129 : memref<128x16xf32, #tpu.memory_space<vmem_shared>>) target_semaphore(%run_scoped3A : memref<!tpu.dma_semaphore, #tpu.memory_space<semaphore_mem>>)
      %dma_wait3A_132 = arith.constant 0 : i32
      %dma_wait3A_133 = tpu.memref_slice %arg15[%add3A_46, %dma_wait3A_132] : memref<10240x16xf32, #tpu.memory_space<vmem_shared>> -> memref<128x16xf32, #tpu.memory_space<vmem_shared>>
      %dma_wait3A_134 = arith.constant 0 : i32
      %dma_wait3A_135 = tpu.memref_slice %arg2[%add3A_46, %dma_wait3A_134] : memref<10240x16xf32, #tpu.memory_space<hbm>> -> memref<128x16xf32, #tpu.memory_space<hbm>>
      tpu.wait_dma2 semaphore(%run_scoped3A : memref<!tpu.dma_semaphore, #tpu.memory_space<semaphore_mem>>) src(%dma_wait3A_135 : memref<128x16xf32, #tpu.memory_space<hbm>>) dst(%dma_wait3A_133 : memref<128x16xf32, #tpu.memory_space<vmem_shared>>)
      tpu.yield
    }) : () -> ()
    "tpu.region"() ({
      %run_scoped3A = tpu.sem_alloc : memref<!tpu.dma_semaphore, #tpu.memory_space<semaphore_mem>>
      %dma_start3A_128 = arith.constant 0 : i32
      %dma_start3A_129 = arith.constant 0 : i32
      %dma_start3A_130 = tpu.memref_slice %arg3[%add3A, %dma_start3A_128, %dma_start3A_129] : memref<32x125x80xi32, #tpu.memory_space<hbm>> -> memref<1x125x80xi32, #tpu.memory_space<hbm>>
      %dma_start3A_131 = tpu.memref_squeeze %dma_start3A_130 : memref<1x125x80xi32, #tpu.memory_space<hbm>> -> memref<125x80xi32, #tpu.memory_space<hbm>>
      %dma_start3A_132 = arith.constant 0 : i32
      %dma_start3A_133 = arith.constant 0 : i32
      %dma_start3A_134 = tpu.memref_slice %arg3[%add3A, %dma_start3A_132, %dma_start3A_133] : memref<32x125x80xi32, #tpu.memory_space<hbm>> -> memref<1x125x80xi32, #tpu.memory_space<hbm>>
      %dma_start3A_135 = tpu.memref_squeeze %dma_start3A_134 : memref<1x125x80xi32, #tpu.memory_space<hbm>> -> memref<125x80xi32, #tpu.memory_space<hbm>>
      tpu.enqueue_dma source(%dma_start3A_135 : memref<125x80xi32, #tpu.memory_space<hbm>>) target(%arg6 : memref<125x80xi32, #tpu.memory_space<vmem>>) target_semaphore(%run_scoped3A : memref<!tpu.dma_semaphore, #tpu.memory_space<semaphore_mem>>)
      %dma_wait3A_136 = arith.constant 0 : i32
      %dma_wait3A_137 = arith.constant 0 : i32
      %dma_wait3A_138 = tpu.memref_slice %arg3[%add3A, %dma_wait3A_136, %dma_wait3A_137] : memref<32x125x80xi32, #tpu.memory_space<hbm>> -> memref<1x125x80xi32, #tpu.memory_space<hbm>>
      %dma_wait3A_139 = tpu.memref_squeeze %dma_wait3A_138 : memref<1x125x80xi32, #tpu.memory_space<hbm>> -> memref<125x80xi32, #tpu.memory_space<hbm>>
      %dma_wait3A_140 = arith.constant 0 : i32
      %dma_wait3A_141 = arith.constant 0 : i32
      %dma_wait3A_142 = tpu.memref_slice %arg3[%add3A, %dma_wait3A_140, %dma_wait3A_141] : memref<32x125x80xi32, #tpu.memory_space<hbm>> -> memref<1x125x80xi32, #tpu.memory_space<hbm>>
      %dma_wait3A_143 = tpu.memref_squeeze %dma_wait3A_142 : memref<1x125x80xi32, #tpu.memory_space<hbm>> -> memref<125x80xi32, #tpu.memory_space<hbm>>
      tpu.wait_dma2 semaphore(%run_scoped3A : memref<!tpu.dma_semaphore, #tpu.memory_space<semaphore_mem>>) src(%dma_wait3A_143 : memref<125x80xi32, #tpu.memory_space<hbm>>) dst(%arg6 : memref<125x80xi32, #tpu.memory_space<vmem>>)
      tpu.yield
    }) : () -> ()
    "tpu.region"() ({
      %run_scoped3A = tpu.sem_alloc : memref<!tpu.dma_semaphore, #tpu.memory_space<semaphore_mem>>
      %dma_start3A_128 = arith.constant 0 : i32
      %dma_start3A_129 = arith.constant 0 : i32
      %dma_start3A_130 = tpu.memref_slice %arg4[%add3A, %dma_start3A_128, %dma_start3A_129] : memref<32x125x80xi32, #tpu.memory_space<hbm>> -> memref<1x125x80xi32, #tpu.memory_space<hbm>>
      %dma_start3A_131 = tpu.memref_squeeze %dma_start3A_130 : memref<1x125x80xi32, #tpu.memory_space<hbm>> -> memref<125x80xi32, #tpu.memory_space<hbm>>
      %dma_start3A_132 = arith.constant 0 : i32
      %dma_start3A_133 = arith.constant 0 : i32
      %dma_start3A_134 = tpu.memref_slice %arg4[%add3A, %dma_start3A_132, %dma_start3A_133] : memref<32x125x80xi32, #tpu.memory_space<hbm>> -> memref<1x125x80xi32, #tpu.memory_space<hbm>>
      %dma_start3A_135 = tpu.memref_squeeze %dma_start3A_134 : memref<1x125x80xi32, #tpu.memory_space<hbm>> -> memref<125x80xi32, #tpu.memory_space<hbm>>
      tpu.enqueue_dma source(%dma_start3A_135 : memref<125x80xi32, #tpu.memory_space<hbm>>) target(%arg7 : memref<125x80xi32, #tpu.memory_space<vmem>>) target_semaphore(%run_scoped3A : memref<!tpu.dma_semaphore, #tpu.memory_space<semaphore_mem>>)
      %dma_wait3A_136 = arith.constant 0 : i32
      %dma_wait3A_137 = arith.constant 0 : i32
      %dma_wait3A_138 = tpu.memref_slice %arg4[%add3A, %dma_wait3A_136, %dma_wait3A_137] : memref<32x125x80xi32, #tpu.memory_space<hbm>> -> memref<1x125x80xi32, #tpu.memory_space<hbm>>
      %dma_wait3A_139 = tpu.memref_squeeze %dma_wait3A_138 : memref<1x125x80xi32, #tpu.memory_space<hbm>> -> memref<125x80xi32, #tpu.memory_space<hbm>>
      %dma_wait3A_140 = arith.constant 0 : i32
      %dma_wait3A_141 = arith.constant 0 : i32
      %dma_wait3A_142 = tpu.memref_slice %arg4[%add3A, %dma_wait3A_140, %dma_wait3A_141] : memref<32x125x80xi32, #tpu.memory_space<hbm>> -> memref<1x125x80xi32, #tpu.memory_space<hbm>>
      %dma_wait3A_143 = tpu.memref_squeeze %dma_wait3A_142 : memref<1x125x80xi32, #tpu.memory_space<hbm>> -> memref<125x80xi32, #tpu.memory_space<hbm>>
      tpu.wait_dma2 semaphore(%run_scoped3A : memref<!tpu.dma_semaphore, #tpu.memory_space<semaphore_mem>>) src(%dma_wait3A_143 : memref<125x80xi32, #tpu.memory_space<hbm>>) dst(%arg7 : memref<125x80xi32, #tpu.memory_space<vmem>>)
      tpu.yield
    }) : () -> ()
    %barrier3A = arith.constant 0 : index
    tpu.barrier barrier_id(%barrier3A)
    %dma_start3A = arith.constant 0 : i32
    %dma_start3A_47 = arith.constant 0 : i32
    %dma_start3A_48 = tpu.memref_slice %arg6[%dma_start3A, %dma_start3A_47] : memref<125x80xi32, #tpu.memory_space<vmem>> -> memref<1x80xi32, #tpu.memory_space<vmem>>
    %dma_start3A_49 = tpu.memref_squeeze %dma_start3A_48 : memref<1x80xi32, #tpu.memory_space<vmem>> -> memref<80xi32, #tpu.memory_space<vmem>>
    %dma_start3A_50 = arith.constant 0 : i32
    %dma_start3A_51 = arith.constant 0 : i32
    %dma_start3A_52 = tpu.memref_slice %arg15[%dma_start3A_50, %dma_start3A_51] : memref<10240x16xf32, #tpu.memory_space<vmem_shared>> -> memref<10240x16xf32, #tpu.memory_space<vmem_shared>>
    tpu.enqueue_indirect_dma source(%dma_start3A_52 : memref<10240x16xf32, #tpu.memory_space<vmem_shared>>) target(%arg8 : memref<80x16xf32, #tpu.memory_space<vmem>>) offsets(%dma_start3A_49 : memref<80xi32, #tpu.memory_space<vmem>>) semaphore(%arg16 : memref<!tpu.dma_semaphore, #tpu.memory_space<semaphore_mem>>)
    %dma_start3A_53 = arith.constant 1 : i32
    %dma_start3A_54 = arith.constant 0 : i32
    %dma_start3A_55 = tpu.memref_slice %arg6[%dma_start3A_53, %dma_start3A_54] : memref<125x80xi32, #tpu.memory_space<vmem>> -> memref<1x80xi32, #tpu.memory_space<vmem>>
    %dma_start3A_56 = tpu.memref_squeeze %dma_start3A_55 : memref<1x80xi32, #tpu.memory_space<vmem>> -> memref<80xi32, #tpu.memory_space<vmem>>
    %dma_start3A_57 = arith.constant 0 : i32
    %dma_start3A_58 = arith.constant 0 : i32
    %dma_start3A_59 = tpu.memref_slice %arg15[%dma_start3A_57, %dma_start3A_58] : memref<10240x16xf32, #tpu.memory_space<vmem_shared>> -> memref<10240x16xf32, #tpu.memory_space<vmem_shared>>
    tpu.enqueue_indirect_dma source(%dma_start3A_59 : memref<10240x16xf32, #tpu.memory_space<vmem_shared>>) target(%arg9 : memref<80x16xf32, #tpu.memory_space<vmem>>) offsets(%dma_start3A_56 : memref<80xi32, #tpu.memory_space<vmem>>) semaphore(%arg17 : memref<!tpu.dma_semaphore, #tpu.memory_space<semaphore_mem>>)
    %dma_start3A_60 = arith.constant 2 : i32
    %dma_start3A_61 = arith.constant 0 : i32
    %dma_start3A_62 = tpu.memref_slice %arg6[%dma_start3A_60, %dma_start3A_61] : memref<125x80xi32, #tpu.memory_space<vmem>> -> memref<1x80xi32, #tpu.memory_space<vmem>>
    %dma_start3A_63 = tpu.memref_squeeze %dma_start3A_62 : memref<1x80xi32, #tpu.memory_space<vmem>> -> memref<80xi32, #tpu.memory_space<vmem>>
    %dma_start3A_64 = arith.constant 0 : i32
    %dma_start3A_65 = arith.constant 0 : i32
    %dma_start3A_66 = tpu.memref_slice %arg15[%dma_start3A_64, %dma_start3A_65] : memref<10240x16xf32, #tpu.memory_space<vmem_shared>> -> memref<10240x16xf32, #tpu.memory_space<vmem_shared>>
    tpu.enqueue_indirect_dma source(%dma_start3A_66 : memref<10240x16xf32, #tpu.memory_space<vmem_shared>>) target(%arg10 : memref<80x16xf32, #tpu.memory_space<vmem>>) offsets(%dma_start3A_63 : memref<80xi32, #tpu.memory_space<vmem>>) semaphore(%arg18 : memref<!tpu.dma_semaphore, #tpu.memory_space<semaphore_mem>>)
    %dma_start3A_67 = arith.constant 3 : i32
    %dma_start3A_68 = arith.constant 0 : i32
    %dma_start3A_69 = tpu.memref_slice %arg6[%dma_start3A_67, %dma_start3A_68] : memref<125x80xi32, #tpu.memory_space<vmem>> -> memref<1x80xi32, #tpu.memory_space<vmem>>
    %dma_start3A_70 = tpu.memref_squeeze %dma_start3A_69 : memref<1x80xi32, #tpu.memory_space<vmem>> -> memref<80xi32, #tpu.memory_space<vmem>>
    %dma_start3A_71 = arith.constant 0 : i32
    %dma_start3A_72 = arith.constant 0 : i32
    %dma_start3A_73 = tpu.memref_slice %arg15[%dma_start3A_71, %dma_start3A_72] : memref<10240x16xf32, #tpu.memory_space<vmem_shared>> -> memref<10240x16xf32, #tpu.memory_space<vmem_shared>>
    tpu.enqueue_indirect_dma source(%dma_start3A_73 : memref<10240x16xf32, #tpu.memory_space<vmem_shared>>) target(%arg11 : memref<80x16xf32, #tpu.memory_space<vmem>>) offsets(%dma_start3A_70 : memref<80xi32, #tpu.memory_space<vmem>>) semaphore(%arg19 : memref<!tpu.dma_semaphore, #tpu.memory_space<semaphore_mem>>)
    %scan3A_74 = arith.constant 0 : i32
    %scan3A_75 = arith.constant 0 : i32
    %scan3A_76 = arith.constant 25 : i32
    %scan3A_77 = arith.addi %scan3A_75, %scan3A_76 : i32
    %scan3A_78 = arith.constant 1 : i32
    scf.for %scan3A_128 = %scan3A_75 to %scan3A_77 step %scan3A_78  : i32 {
      %mul3A_129 = arith.constant 5 : i32
      %mul3A_130 = arith.muli %mul3A_129, %scan3A_128 : i32
      %add3A_131 = arith.constant 0 : i32
      %add3A_132 = arith.addi %mul3A_130, %add3A_131 : i32
      %dma_wait3A_133 = arith.constant 0 : i32
      %dma_wait3A_134 = tpu.memref_slice %arg6[%add3A_132, %dma_wait3A_133] : memref<125x80xi32, #tpu.memory_space<vmem>> -> memref<1x80xi32, #tpu.memory_space<vmem>>
      %dma_wait3A_135 = tpu.memref_squeeze %dma_wait3A_134 : memref<1x80xi32, #tpu.memory_space<vmem>> -> memref<80xi32, #tpu.memory_space<vmem>>
      %dma_wait3A_136 = arith.constant 0 : i32
      %dma_wait3A_137 = arith.constant 0 : i32
      %dma_wait3A_138 = tpu.memref_slice %arg15[%dma_wait3A_136, %dma_wait3A_137] : memref<10240x16xf32, #tpu.memory_space<vmem_shared>> -> memref<10240x16xf32, #tpu.memory_space<vmem_shared>>
      tpu.wait_indirect_dma semaphore(%arg16 : memref<!tpu.dma_semaphore, #tpu.memory_space<semaphore_mem>>) src(%dma_wait3A_138 : memref<10240x16xf32, #tpu.memory_space<vmem_shared>>) dst(%arg8 : memref<80x16xf32, #tpu.memory_space<vmem>>)
      %add3A_139 = arith.constant 5 : i32
      %add3A_140 = arith.addi %add3A_132, %add3A_139 : i32
      %sub3A = arith.constant 1 : i32
      %sub3A_141 = arith.subi %add3A_140, %sub3A : i32
      %min3A = arith.constant 124 : i32
      %min3A_142 = arith.minsi %sub3A_141, %min3A : i32
      %dma_start3A_143 = arith.constant 0 : i32
      %dma_start3A_144 = tpu.memref_slice %arg6[%min3A_142, %dma_start3A_143] : memref<125x80xi32, #tpu.memory_space<vmem>> -> memref<1x80xi32, #tpu.memory_space<vmem>>
      %dma_start3A_145 = tpu.memref_squeeze %dma_start3A_144 : memref<1x80xi32, #tpu.memory_space<vmem>> -> memref<80xi32, #tpu.memory_space<vmem>>
      %dma_start3A_146 = arith.constant 0 : i32
      %dma_start3A_147 = arith.constant 0 : i32
      %dma_start3A_148 = tpu.memref_slice %arg15[%dma_start3A_146, %dma_start3A_147] : memref<10240x16xf32, #tpu.memory_space<vmem_shared>> -> memref<10240x16xf32, #tpu.memory_space<vmem_shared>>
      tpu.enqueue_indirect_dma source(%dma_start3A_148 : memref<10240x16xf32, #tpu.memory_space<vmem_shared>>) target(%arg12 : memref<80x16xf32, #tpu.memory_space<vmem>>) offsets(%dma_start3A_145 : memref<80xi32, #tpu.memory_space<vmem>>) semaphore(%arg20 : memref<!tpu.dma_semaphore, #tpu.memory_space<semaphore_mem>>)
      "tpu.region"() ({
        %run_scoped3A = tpu.sem_alloc : memref<!tpu.dma_semaphore, #tpu.memory_space<semaphore_mem>>
        %dma_start3A_237 = arith.constant 0 : i32
        %dma_start3A_238 = tpu.memref_slice %arg7[%add3A_132, %dma_start3A_237] : memref<125x80xi32, #tpu.memory_space<vmem>> -> memref<1x80xi32, #tpu.memory_space<vmem>>
        %dma_start3A_239 = tpu.memref_squeeze %dma_start3A_238 : memref<1x80xi32, #tpu.memory_space<vmem>> -> memref<80xi32, #tpu.memory_space<vmem>>
        %dma_start3A_240 = arith.constant 0 : i32
        %dma_start3A_241 = arith.constant 0 : i32
        %dma_start3A_242 = tpu.memref_slice %arg14[%dma_start3A_240, %dma_start3A_241] : memref<10240x16xf32, #tpu.memory_space<vmem_shared>> -> memref<10240x16xf32, #tpu.memory_space<vmem_shared>>
        tpu.enqueue_indirect_dma source(%arg8 : memref<80x16xf32, #tpu.memory_space<vmem>>) target(%dma_start3A_242 : memref<10240x16xf32, #tpu.memory_space<vmem_shared>>) offsets(%dma_start3A_239 : memref<80xi32, #tpu.memory_space<vmem>>) semaphore(%run_scoped3A : memref<!tpu.dma_semaphore, #tpu.memory_space<semaphore_mem>>) {add = true}
        %dma_wait3A_243 = arith.constant 0 : i32
        %dma_wait3A_244 = tpu.memref_slice %arg7[%add3A_132, %dma_wait3A_243] : memref<125x80xi32, #tpu.memory_space<vmem>> -> memref<1x80xi32, #tpu.memory_space<vmem>>
        %dma_wait3A_245 = tpu.memref_squeeze %dma_wait3A_244 : memref<1x80xi32, #tpu.memory_space<vmem>> -> memref<80xi32, #tpu.memory_space<vmem>>
        %dma_wait3A_246 = arith.constant 0 : i32
        %dma_wait3A_247 = arith.constant 0 : i32
        %dma_wait3A_248 = tpu.memref_slice %arg14[%dma_wait3A_246, %dma_wait3A_247] : memref<10240x16xf32, #tpu.memory_space<vmem_shared>> -> memref<10240x16xf32, #tpu.memory_space<vmem_shared>>
        tpu.wait_indirect_dma semaphore(%run_scoped3A : memref<!tpu.dma_semaphore, #tpu.memory_space<semaphore_mem>>) src(%arg8 : memref<80x16xf32, #tpu.memory_space<vmem>>) dst(%dma_wait3A_248 : memref<10240x16xf32, #tpu.memory_space<vmem_shared>>)
        tpu.yield
      }) : () -> ()
      %mul3A_149 = arith.constant 5 : i32
      %mul3A_150 = arith.muli %mul3A_149, %scan3A_128 : i32
      %add3A_151 = arith.constant 1 : i32
      %add3A_152 = arith.addi %mul3A_150, %add3A_151 : i32
      %dma_wait3A_153 = arith.constant 0 : i32
      %dma_wait3A_154 = tpu.memref_slice %arg6[%add3A_152, %dma_wait3A_153] : memref<125x80xi32, #tpu.memory_space<vmem>> -> memref<1x80xi32, #tpu.memory_space<vmem>>
      %dma_wait3A_155 = tpu.memref_squeeze %dma_wait3A_154 : memref<1x80xi32, #tpu.memory_space<vmem>> -> memref<80xi32, #tpu.memory_space<vmem>>
      %dma_wait3A_156 = arith.constant 0 : i32
      %dma_wait3A_157 = arith.constant 0 : i32
      %dma_wait3A_158 = tpu.memref_slice %arg15[%dma_wait3A_156, %dma_wait3A_157] : memref<10240x16xf32, #tpu.memory_space<vmem_shared>> -> memref<10240x16xf32, #tpu.memory_space<vmem_shared>>
      tpu.wait_indirect_dma semaphore(%arg17 : memref<!tpu.dma_semaphore, #tpu.memory_space<semaphore_mem>>) src(%dma_wait3A_158 : memref<10240x16xf32, #tpu.memory_space<vmem_shared>>) dst(%arg9 : memref<80x16xf32, #tpu.memory_space<vmem>>)
      %add3A_159 = arith.constant 5 : i32
      %add3A_160 = arith.addi %add3A_152, %add3A_159 : i32
      %sub3A_161 = arith.constant 1 : i32
      %sub3A_162 = arith.subi %add3A_160, %sub3A_161 : i32
      %min3A_163 = arith.constant 124 : i32
      %min3A_164 = arith.minsi %sub3A_162, %min3A_163 : i32
      %dma_start3A_165 = arith.constant 0 : i32
      %dma_start3A_166 = tpu.memref_slice %arg6[%min3A_164, %dma_start3A_165] : memref<125x80xi32, #tpu.memory_space<vmem>> -> memref<1x80xi32, #tpu.memory_space<vmem>>
      %dma_start3A_167 = tpu.memref_squeeze %dma_start3A_166 : memref<1x80xi32, #tpu.memory_space<vmem>> -> memref<80xi32, #tpu.memory_space<vmem>>
      %dma_start3A_168 = arith.constant 0 : i32
      %dma_start3A_169 = arith.constant 0 : i32
      %dma_start3A_170 = tpu.memref_slice %arg15[%dma_start3A_168, %dma_start3A_169] : memref<10240x16xf32, #tpu.memory_space<vmem_shared>> -> memref<10240x16xf32, #tpu.memory_space<vmem_shared>>
      tpu.enqueue_indirect_dma source(%dma_start3A_170 : memref<10240x16xf32, #tpu.memory_space<vmem_shared>>) target(%arg8 : memref<80x16xf32, #tpu.memory_space<vmem>>) offsets(%dma_start3A_167 : memref<80xi32, #tpu.memory_space<vmem>>) semaphore(%arg16 : memref<!tpu.dma_semaphore, #tpu.memory_space<semaphore_mem>>)
      "tpu.region"() ({
        %run_scoped3A = tpu.sem_alloc : memref<!tpu.dma_semaphore, #tpu.memory_space<semaphore_mem>>
        %dma_start3A_237 = arith.constant 0 : i32
        %dma_start3A_238 = tpu.memref_slice %arg7[%add3A_152, %dma_start3A_237] : memref<125x80xi32, #tpu.memory_space<vmem>> -> memref<1x80xi32, #tpu.memory_space<vmem>>
        %dma_start3A_239 = tpu.memref_squeeze %dma_start3A_238 : memref<1x80xi32, #tpu.memory_space<vmem>> -> memref<80xi32, #tpu.memory_space<vmem>>
        %dma_start3A_240 = arith.constant 0 : i32
        %dma_start3A_241 = arith.constant 0 : i32
        %dma_start3A_242 = tpu.memref_slice %arg14[%dma_start3A_240, %dma_start3A_241] : memref<10240x16xf32, #tpu.memory_space<vmem_shared>> -> memref<10240x16xf32, #tpu.memory_space<vmem_shared>>
        tpu.enqueue_indirect_dma source(%arg9 : memref<80x16xf32, #tpu.memory_space<vmem>>) target(%dma_start3A_242 : memref<10240x16xf32, #tpu.memory_space<vmem_shared>>) offsets(%dma_start3A_239 : memref<80xi32, #tpu.memory_space<vmem>>) semaphore(%run_scoped3A : memref<!tpu.dma_semaphore, #tpu.memory_space<semaphore_mem>>) {add = true}
        %dma_wait3A_243 = arith.constant 0 : i32
        %dma_wait3A_244 = tpu.memref_slice %arg7[%add3A_152, %dma_wait3A_243] : memref<125x80xi32, #tpu.memory_space<vmem>> -> memref<1x80xi32, #tpu.memory_space<vmem>>
        %dma_wait3A_245 = tpu.memref_squeeze %dma_wait3A_244 : memref<1x80xi32, #tpu.memory_space<vmem>> -> memref<80xi32, #tpu.memory_space<vmem>>
        %dma_wait3A_246 = arith.constant 0 : i32
        %dma_wait3A_247 = arith.constant 0 : i32
        %dma_wait3A_248 = tpu.memref_slice %arg14[%dma_wait3A_246, %dma_wait3A_247] : memref<10240x16xf32, #tpu.memory_space<vmem_shared>> -> memref<10240x16xf32, #tpu.memory_space<vmem_shared>>
        tpu.wait_indirect_dma semaphore(%run_scoped3A : memref<!tpu.dma_semaphore, #tpu.memory_space<semaphore_mem>>) src(%arg9 : memref<80x16xf32, #tpu.memory_space<vmem>>) dst(%dma_wait3A_248 : memref<10240x16xf32, #tpu.memory_space<vmem_shared>>)
        tpu.yield
      }) : () -> ()
      %mul3A_171 = arith.constant 5 : i32
      %mul3A_172 = arith.muli %mul3A_171, %scan3A_128 : i32
      %add3A_173 = arith.constant 2 : i32
      %add3A_174 = arith.addi %mul3A_172, %add3A_173 : i32
      %dma_wait3A_175 = arith.constant 0 : i32
      %dma_wait3A_176 = tpu.memref_slice %arg6[%add3A_174, %dma_wait3A_175] : memref<125x80xi32, #tpu.memory_space<vmem>> -> memref<1x80xi32, #tpu.memory_space<vmem>>
      %dma_wait3A_177 = tpu.memref_squeeze %dma_wait3A_176 : memref<1x80xi32, #tpu.memory_space<vmem>> -> memref<80xi32, #tpu.memory_space<vmem>>
      %dma_wait3A_178 = arith.constant 0 : i32
      %dma_wait3A_179 = arith.constant 0 : i32
      %dma_wait3A_180 = tpu.memref_slice %arg15[%dma_wait3A_178, %dma_wait3A_179] : memref<10240x16xf32, #tpu.memory_space<vmem_shared>> -> memref<10240x16xf32, #tpu.memory_space<vmem_shared>>
      tpu.wait_indirect_dma semaphore(%arg18 : memref<!tpu.dma_semaphore, #tpu.memory_space<semaphore_mem>>) src(%dma_wait3A_180 : memref<10240x16xf32, #tpu.memory_space<vmem_shared>>) dst(%arg10 : memref<80x16xf32, #tpu.memory_space<vmem>>)
      %add3A_181 = arith.constant 5 : i32
      %add3A_182 = arith.addi %add3A_174, %add3A_181 : i32
      %sub3A_183 = arith.constant 1 : i32
      %sub3A_184 = arith.subi %add3A_182, %sub3A_183 : i32
      %min3A_185 = arith.constant 124 : i32
      %min3A_186 = arith.minsi %sub3A_184, %min3A_185 : i32
      %dma_start3A_187 = arith.constant 0 : i32
      %dma_start3A_188 = tpu.memref_slice %arg6[%min3A_186, %dma_start3A_187] : memref<125x80xi32, #tpu.memory_space<vmem>> -> memref<1x80xi32, #tpu.memory_space<vmem>>
      %dma_start3A_189 = tpu.memref_squeeze %dma_start3A_188 : memref<1x80xi32, #tpu.memory_space<vmem>> -> memref<80xi32, #tpu.memory_space<vmem>>
      %dma_start3A_190 = arith.constant 0 : i32
      %dma_start3A_191 = arith.constant 0 : i32
      %dma_start3A_192 = tpu.memref_slice %arg15[%dma_start3A_190, %dma_start3A_191] : memref<10240x16xf32, #tpu.memory_space<vmem_shared>> -> memref<10240x16xf32, #tpu.memory_space<vmem_shared>>
      tpu.enqueue_indirect_dma source(%dma_start3A_192 : memref<10240x16xf32, #tpu.memory_space<vmem_shared>>) target(%arg9 : memref<80x16xf32, #tpu.memory_space<vmem>>) offsets(%dma_start3A_189 : memref<80xi32, #tpu.memory_space<vmem>>) semaphore(%arg17 : memref<!tpu.dma_semaphore, #tpu.memory_space<semaphore_mem>>)
      "tpu.region"() ({
        %run_scoped3A = tpu.sem_alloc : memref<!tpu.dma_semaphore, #tpu.memory_space<semaphore_mem>>
        %dma_start3A_237 = arith.constant 0 : i32
        %dma_start3A_238 = tpu.memref_slice %arg7[%add3A_174, %dma_start3A_237] : memref<125x80xi32, #tpu.memory_space<vmem>> -> memref<1x80xi32, #tpu.memory_space<vmem>>
        %dma_start3A_239 = tpu.memref_squeeze %dma_start3A_238 : memref<1x80xi32, #tpu.memory_space<vmem>> -> memref<80xi32, #tpu.memory_space<vmem>>
        %dma_start3A_240 = arith.constant 0 : i32
        %dma_start3A_241 = arith.constant 0 : i32
        %dma_start3A_242 = tpu.memref_slice %arg14[%dma_start3A_240, %dma_start3A_241] : memref<10240x16xf32, #tpu.memory_space<vmem_shared>> -> memref<10240x16xf32, #tpu.memory_space<vmem_shared>>
        tpu.enqueue_indirect_dma source(%arg10 : memref<80x16xf32, #tpu.memory_space<vmem>>) target(%dma_start3A_242 : memref<10240x16xf32, #tpu.memory_space<vmem_shared>>) offsets(%dma_start3A_239 : memref<80xi32, #tpu.memory_space<vmem>>) semaphore(%run_scoped3A : memref<!tpu.dma_semaphore, #tpu.memory_space<semaphore_mem>>) {add = true}
        %dma_wait3A_243 = arith.constant 0 : i32
        %dma_wait3A_244 = tpu.memref_slice %arg7[%add3A_174, %dma_wait3A_243] : memref<125x80xi32, #tpu.memory_space<vmem>> -> memref<1x80xi32, #tpu.memory_space<vmem>>
        %dma_wait3A_245 = tpu.memref_squeeze %dma_wait3A_244 : memref<1x80xi32, #tpu.memory_space<vmem>> -> memref<80xi32, #tpu.memory_space<vmem>>
        %dma_wait3A_246 = arith.constant 0 : i32
        %dma_wait3A_247 = arith.constant 0 : i32
        %dma_wait3A_248 = tpu.memref_slice %arg14[%dma_wait3A_246, %dma_wait3A_247] : memref<10240x16xf32, #tpu.memory_space<vmem_shared>> -> memref<10240x16xf32, #tpu.memory_space<vmem_shared>>
        tpu.wait_indirect_dma semaphore(%run_scoped3A : memref<!tpu.dma_semaphore, #tpu.memory_space<semaphore_mem>>) src(%arg10 : memref<80x16xf32, #tpu.memory_space<vmem>>) dst(%dma_wait3A_248 : memref<10240x16xf32, #tpu.memory_space<vmem_shared>>)
        tpu.yield
      }) : () -> ()
      %mul3A_193 = arith.constant 5 : i32
      %mul3A_194 = arith.muli %mul3A_193, %scan3A_128 : i32
      %add3A_195 = arith.constant 3 : i32
      %add3A_196 = arith.addi %mul3A_194, %add3A_195 : i32
      %dma_wait3A_197 = arith.constant 0 : i32
      %dma_wait3A_198 = tpu.memref_slice %arg6[%add3A_196, %dma_wait3A_197] : memref<125x80xi32, #tpu.memory_space<vmem>> -> memref<1x80xi32, #tpu.memory_space<vmem>>
      %dma_wait3A_199 = tpu.memref_squeeze %dma_wait3A_198 : memref<1x80xi32, #tpu.memory_space<vmem>> -> memref<80xi32, #tpu.memory_space<vmem>>
      %dma_wait3A_200 = arith.constant 0 : i32
      %dma_wait3A_201 = arith.constant 0 : i32
      %dma_wait3A_202 = tpu.memref_slice %arg15[%dma_wait3A_200, %dma_wait3A_201] : memref<10240x16xf32, #tpu.memory_space<vmem_shared>> -> memref<10240x16xf32, #tpu.memory_space<vmem_shared>>
      tpu.wait_indirect_dma semaphore(%arg19 : memref<!tpu.dma_semaphore, #tpu.memory_space<semaphore_mem>>) src(%dma_wait3A_202 : memref<10240x16xf32, #tpu.memory_space<vmem_shared>>) dst(%arg11 : memref<80x16xf32, #tpu.memory_space<vmem>>)
      %add3A_203 = arith.constant 5 : i32
      %add3A_204 = arith.addi %add3A_196, %add3A_203 : i32
      %sub3A_205 = arith.constant 1 : i32
      %sub3A_206 = arith.subi %add3A_204, %sub3A_205 : i32
      %min3A_207 = arith.constant 124 : i32
      %min3A_208 = arith.minsi %sub3A_206, %min3A_207 : i32
      %dma_start3A_209 = arith.constant 0 : i32
      %dma_start3A_210 = tpu.memref_slice %arg6[%min3A_208, %dma_start3A_209] : memref<125x80xi32, #tpu.memory_space<vmem>> -> memref<1x80xi32, #tpu.memory_space<vmem>>
      %dma_start3A_211 = tpu.memref_squeeze %dma_start3A_210 : memref<1x80xi32, #tpu.memory_space<vmem>> -> memref<80xi32, #tpu.memory_space<vmem>>
      %dma_start3A_212 = arith.constant 0 : i32
      %dma_start3A_213 = arith.constant 0 : i32
      %dma_start3A_214 = tpu.memref_slice %arg15[%dma_start3A_212, %dma_start3A_213] : memref<10240x16xf32, #tpu.memory_space<vmem_shared>> -> memref<10240x16xf32, #tpu.memory_space<vmem_shared>>
      tpu.enqueue_indirect_dma source(%dma_start3A_214 : memref<10240x16xf32, #tpu.memory_space<vmem_shared>>) target(%arg10 : memref<80x16xf32, #tpu.memory_space<vmem>>) offsets(%dma_start3A_211 : memref<80xi32, #tpu.memory_space<vmem>>) semaphore(%arg18 : memref<!tpu.dma_semaphore, #tpu.memory_space<semaphore_mem>>)
      "tpu.region"() ({
        %run_scoped3A = tpu.sem_alloc : memref<!tpu.dma_semaphore, #tpu.memory_space<semaphore_mem>>
        %dma_start3A_237 = arith.constant 0 : i32
        %dma_start3A_238 = tpu.memref_slice %arg7[%add3A_196, %dma_start3A_237] : memref<125x80xi32, #tpu.memory_space<vmem>> -> memref<1x80xi32, #tpu.memory_space<vmem>>
        %dma_start3A_239 = tpu.memref_squeeze %dma_start3A_238 : memref<1x80xi32, #tpu.memory_space<vmem>> -> memref<80xi32, #tpu.memory_space<vmem>>
        %dma_start3A_240 = arith.constant 0 : i32
        %dma_start3A_241 = arith.constant 0 : i32
        %dma_start3A_242 = tpu.memref_slice %arg14[%dma_start3A_240, %dma_start3A_241] : memref<10240x16xf32, #tpu.memory_space<vmem_shared>> -> memref<10240x16xf32, #tpu.memory_space<vmem_shared>>
        tpu.enqueue_indirect_dma source(%arg11 : memref<80x16xf32, #tpu.memory_space<vmem>>) target(%dma_start3A_242 : memref<10240x16xf32, #tpu.memory_space<vmem_shared>>) offsets(%dma_start3A_239 : memref<80xi32, #tpu.memory_space<vmem>>) semaphore(%run_scoped3A : memref<!tpu.dma_semaphore, #tpu.memory_space<semaphore_mem>>) {add = true}
        %dma_wait3A_243 = arith.constant 0 : i32
        %dma_wait3A_244 = tpu.memref_slice %arg7[%add3A_196, %dma_wait3A_243] : memref<125x80xi32, #tpu.memory_space<vmem>> -> memref<1x80xi32, #tpu.memory_space<vmem>>
        %dma_wait3A_245 = tpu.memref_squeeze %dma_wait3A_244 : memref<1x80xi32, #tpu.memory_space<vmem>> -> memref<80xi32, #tpu.memory_space<vmem>>
        %dma_wait3A_246 = arith.constant 0 : i32
        %dma_wait3A_247 = arith.constant 0 : i32
        %dma_wait3A_248 = tpu.memref_slice %arg14[%dma_wait3A_246, %dma_wait3A_247] : memref<10240x16xf32, #tpu.memory_space<vmem_shared>> -> memref<10240x16xf32, #tpu.memory_space<vmem_shared>>
        tpu.wait_indirect_dma semaphore(%run_scoped3A : memref<!tpu.dma_semaphore, #tpu.memory_space<semaphore_mem>>) src(%arg11 : memref<80x16xf32, #tpu.memory_space<vmem>>) dst(%dma_wait3A_248 : memref<10240x16xf32, #tpu.memory_space<vmem_shared>>)
        tpu.yield
      }) : () -> ()
      %mul3A_215 = arith.constant 5 : i32
      %mul3A_216 = arith.muli %mul3A_215, %scan3A_128 : i32
      %add3A_217 = arith.constant 4 : i32
      %add3A_218 = arith.addi %mul3A_216, %add3A_217 : i32
      %dma_wait3A_219 = arith.constant 0 : i32
      %dma_wait3A_220 = tpu.memref_slice %arg6[%add3A_218, %dma_wait3A_219] : memref<125x80xi32, #tpu.memory_space<vmem>> -> memref<1x80xi32, #tpu.memory_space<vmem>>
      %dma_wait3A_221 = tpu.memref_squeeze %dma_wait3A_220 : memref<1x80xi32, #tpu.memory_space<vmem>> -> memref<80xi32, #tpu.memory_space<vmem>>
      %dma_wait3A_222 = arith.constant 0 : i32
      %dma_wait3A_223 = arith.constant 0 : i32
      %dma_wait3A_224 = tpu.memref_slice %arg15[%dma_wait3A_222, %dma_wait3A_223] : memref<10240x16xf32, #tpu.memory_space<vmem_shared>> -> memref<10240x16xf32, #tpu.memory_space<vmem_shared>>
      tpu.wait_indirect_dma semaphore(%arg20 : memref<!tpu.dma_semaphore, #tpu.memory_space<semaphore_mem>>) src(%dma_wait3A_224 : memref<10240x16xf32, #tpu.memory_space<vmem_shared>>) dst(%arg12 : memref<80x16xf32, #tpu.memory_space<vmem>>)
      %add3A_225 = arith.constant 5 : i32
      %add3A_226 = arith.addi %add3A_218, %add3A_225 : i32
      %sub3A_227 = arith.constant 1 : i32
      %sub3A_228 = arith.subi %add3A_226, %sub3A_227 : i32
      %min3A_229 = arith.constant 124 : i32
      %min3A_230 = arith.minsi %sub3A_228, %min3A_229 : i32
      %dma_start3A_231 = arith.constant 0 : i32
      %dma_start3A_232 = tpu.memref_slice %arg6[%min3A_230, %dma_start3A_231] : memref<125x80xi32, #tpu.memory_space<vmem>> -> memref<1x80xi32, #tpu.memory_space<vmem>>
      %dma_start3A_233 = tpu.memref_squeeze %dma_start3A_232 : memref<1x80xi32, #tpu.memory_space<vmem>> -> memref<80xi32, #tpu.memory_space<vmem>>
      %dma_start3A_234 = arith.constant 0 : i32
      %dma_start3A_235 = arith.constant 0 : i32
      %dma_start3A_236 = tpu.memref_slice %arg15[%dma_start3A_234, %dma_start3A_235] : memref<10240x16xf32, #tpu.memory_space<vmem_shared>> -> memref<10240x16xf32, #tpu.memory_space<vmem_shared>>
      tpu.enqueue_indirect_dma source(%dma_start3A_236 : memref<10240x16xf32, #tpu.memory_space<vmem_shared>>) target(%arg11 : memref<80x16xf32, #tpu.memory_space<vmem>>) offsets(%dma_start3A_233 : memref<80xi32, #tpu.memory_space<vmem>>) semaphore(%arg19 : memref<!tpu.dma_semaphore, #tpu.memory_space<semaphore_mem>>)
      "tpu.region"() ({
        %run_scoped3A = tpu.sem_alloc : memref<!tpu.dma_semaphore, #tpu.memory_space<semaphore_mem>>
        %dma_start3A_237 = arith.constant 0 : i32
        %dma_start3A_238 = tpu.memref_slice %arg7[%add3A_218, %dma_start3A_237] : memref<125x80xi32, #tpu.memory_space<vmem>> -> memref<1x80xi32, #tpu.memory_space<vmem>>
        %dma_start3A_239 = tpu.memref_squeeze %dma_start3A_238 : memref<1x80xi32, #tpu.memory_space<vmem>> -> memref<80xi32, #tpu.memory_space<vmem>>
        %dma_start3A_240 = arith.constant 0 : i32
        %dma_start3A_241 = arith.constant 0 : i32
        %dma_start3A_242 = tpu.memref_slice %arg14[%dma_start3A_240, %dma_start3A_241] : memref<10240x16xf32, #tpu.memory_space<vmem_shared>> -> memref<10240x16xf32, #tpu.memory_space<vmem_shared>>
        tpu.enqueue_indirect_dma source(%arg12 : memref<80x16xf32, #tpu.memory_space<vmem>>) target(%dma_start3A_242 : memref<10240x16xf32, #tpu.memory_space<vmem_shared>>) offsets(%dma_start3A_239 : memref<80xi32, #tpu.memory_space<vmem>>) semaphore(%run_scoped3A : memref<!tpu.dma_semaphore, #tpu.memory_space<semaphore_mem>>) {add = true}
        %dma_wait3A_243 = arith.constant 0 : i32
        %dma_wait3A_244 = tpu.memref_slice %arg7[%add3A_218, %dma_wait3A_243] : memref<125x80xi32, #tpu.memory_space<vmem>> -> memref<1x80xi32, #tpu.memory_space<vmem>>
        %dma_wait3A_245 = tpu.memref_squeeze %dma_wait3A_244 : memref<1x80xi32, #tpu.memory_space<vmem>> -> memref<80xi32, #tpu.memory_space<vmem>>
        %dma_wait3A_246 = arith.constant 0 : i32
        %dma_wait3A_247 = arith.constant 0 : i32
        %dma_wait3A_248 = tpu.memref_slice %arg14[%dma_wait3A_246, %dma_wait3A_247] : memref<10240x16xf32, #tpu.memory_space<vmem_shared>> -> memref<10240x16xf32, #tpu.memory_space<vmem_shared>>
        tpu.wait_indirect_dma semaphore(%run_scoped3A : memref<!tpu.dma_semaphore, #tpu.memory_space<semaphore_mem>>) src(%arg12 : memref<80x16xf32, #tpu.memory_space<vmem>>) dst(%dma_wait3A_248 : memref<10240x16xf32, #tpu.memory_space<vmem_shared>>)
        tpu.yield
      }) : () -> ()
    }
    %scan3A_79 = arith.constant 25 : i32
    %dma_wait3A = arith.constant 124 : i32
    %dma_wait3A_80 = arith.constant 0 : i32
    %dma_wait3A_81 = tpu.memref_slice %arg6[%dma_wait3A, %dma_wait3A_80] : memref<125x80xi32, #tpu.memory_space<vmem>> -> memref<1x80xi32, #tpu.memory_space<vmem>>
    %dma_wait3A_82 = tpu.memref_squeeze %dma_wait3A_81 : memref<1x80xi32, #tpu.memory_space<vmem>> -> memref<80xi32, #tpu.memory_space<vmem>>
    %dma_wait3A_83 = arith.constant 0 : i32
    %dma_wait3A_84 = arith.constant 0 : i32
    %dma_wait3A_85 = tpu.memref_slice %arg15[%dma_wait3A_83, %dma_wait3A_84] : memref<10240x16xf32, #tpu.memory_space<vmem_shared>> -> memref<10240x16xf32, #tpu.memory_space<vmem_shared>>
    tpu.wait_indirect_dma semaphore(%arg16 : memref<!tpu.dma_semaphore, #tpu.memory_space<semaphore_mem>>) src(%dma_wait3A_85 : memref<10240x16xf32, #tpu.memory_space<vmem_shared>>) dst(%arg8 : memref<80x16xf32, #tpu.memory_space<vmem>>)
    %dma_wait3A_86 = arith.constant 124 : i32
    %dma_wait3A_87 = arith.constant 0 : i32
    %dma_wait3A_88 = tpu.memref_slice %arg6[%dma_wait3A_86, %dma_wait3A_87] : memref<125x80xi32, #tpu.memory_space<vmem>> -> memref<1x80xi32, #tpu.memory_space<vmem>>
    %dma_wait3A_89 = tpu.memref_squeeze %dma_wait3A_88 : memref<1x80xi32, #tpu.memory_space<vmem>> -> memref<80xi32, #tpu.memory_space<vmem>>
    %dma_wait3A_90 = arith.constant 0 : i32
    %dma_wait3A_91 = arith.constant 0 : i32
    %dma_wait3A_92 = tpu.memref_slice %arg15[%dma_wait3A_90, %dma_wait3A_91] : memref<10240x16xf32, #tpu.memory_space<vmem_shared>> -> memref<10240x16xf32, #tpu.memory_space<vmem_shared>>
    tpu.wait_indirect_dma semaphore(%arg17 : memref<!tpu.dma_semaphore, #tpu.memory_space<semaphore_mem>>) src(%dma_wait3A_92 : memref<10240x16xf32, #tpu.memory_space<vmem_shared>>) dst(%arg9 : memref<80x16xf32, #tpu.memory_space<vmem>>)
    %dma_wait3A_93 = arith.constant 124 : i32
    %dma_wait3A_94 = arith.constant 0 : i32
    %dma_wait3A_95 = tpu.memref_slice %arg6[%dma_wait3A_93, %dma_wait3A_94] : memref<125x80xi32, #tpu.memory_space<vmem>> -> memref<1x80xi32, #tpu.memory_space<vmem>>
    %dma_wait3A_96 = tpu.memref_squeeze %dma_wait3A_95 : memref<1x80xi32, #tpu.memory_space<vmem>> -> memref<80xi32, #tpu.memory_space<vmem>>
    %dma_wait3A_97 = arith.constant 0 : i32
    %dma_wait3A_98 = arith.constant 0 : i32
    %dma_wait3A_99 = tpu.memref_slice %arg15[%dma_wait3A_97, %dma_wait3A_98] : memref<10240x16xf32, #tpu.memory_space<vmem_shared>> -> memref<10240x16xf32, #tpu.memory_space<vmem_shared>>
    tpu.wait_indirect_dma semaphore(%arg18 : memref<!tpu.dma_semaphore, #tpu.memory_space<semaphore_mem>>) src(%dma_wait3A_99 : memref<10240x16xf32, #tpu.memory_space<vmem_shared>>) dst(%arg10 : memref<80x16xf32, #tpu.memory_space<vmem>>)
    %dma_wait3A_100 = arith.constant 124 : i32
    %dma_wait3A_101 = arith.constant 0 : i32
    %dma_wait3A_102 = tpu.memref_slice %arg6[%dma_wait3A_100, %dma_wait3A_101] : memref<125x80xi32, #tpu.memory_space<vmem>> -> memref<1x80xi32, #tpu.memory_space<vmem>>
    %dma_wait3A_103 = tpu.memref_squeeze %dma_wait3A_102 : memref<1x80xi32, #tpu.memory_space<vmem>> -> memref<80xi32, #tpu.memory_space<vmem>>
    %dma_wait3A_104 = arith.constant 0 : i32
    %dma_wait3A_105 = arith.constant 0 : i32
    %dma_wait3A_106 = tpu.memref_slice %arg15[%dma_wait3A_104, %dma_wait3A_105] : memref<10240x16xf32, #tpu.memory_space<vmem_shared>> -> memref<10240x16xf32, #tpu.memory_space<vmem_shared>>
    tpu.wait_indirect_dma semaphore(%arg19 : memref<!tpu.dma_semaphore, #tpu.memory_space<semaphore_mem>>) src(%dma_wait3A_106 : memref<10240x16xf32, #tpu.memory_space<vmem_shared>>) dst(%arg11 : memref<80x16xf32, #tpu.memory_space<vmem>>)
    %barrier3A_107 = arith.constant 0 : index
    tpu.barrier barrier_id(%barrier3A_107)
    %mul3A_108 = arith.constant 640 : i32
    %mul3A_109 = arith.muli %arg1, %mul3A_108 : i32
    %add3A_110 = arith.constant 0 : i32
    %add3A_111 = arith.addi %mul3A_109, %add3A_110 : i32
    "tpu.region"() ({
      %run_scoped3A = tpu.sem_alloc : memref<!tpu.dma_semaphore, #tpu.memory_space<semaphore_mem>>
      %dma_start3A_128 = arith.constant 0 : i32
      %dma_start3A_129 = tpu.memref_slice %arg14[%add3A_111, %dma_start3A_128] : memref<10240x16xf32, #tpu.memory_space<vmem_shared>> -> memref<128x16xf32, #tpu.memory_space<vmem_shared>>
      %dma_start3A_130 = arith.constant 0 : i32
      %dma_start3A_131 = tpu.memref_slice %arg14[%add3A_111, %dma_start3A_130] : memref<10240x16xf32, #tpu.memory_space<vmem_shared>> -> memref<128x16xf32, #tpu.memory_space<vmem_shared>>
      tpu.enqueue_dma source(%dma_start3A_131 : memref<128x16xf32, #tpu.memory_space<vmem_shared>>) target(%arg13 : memref<128x16xf32, #tpu.memory_space<vmem>>) target_semaphore(%run_scoped3A : memref<!tpu.dma_semaphore, #tpu.memory_space<semaphore_mem>>)
      %dma_wait3A_132 = arith.constant 0 : i32
      %dma_wait3A_133 = tpu.memref_slice %arg14[%add3A_111, %dma_wait3A_132] : memref<10240x16xf32, #tpu.memory_space<vmem_shared>> -> memref<128x16xf32, #tpu.memory_space<vmem_shared>>
      %dma_wait3A_134 = arith.constant 0 : i32
      %dma_wait3A_135 = tpu.memref_slice %arg14[%add3A_111, %dma_wait3A_134] : memref<10240x16xf32, #tpu.memory_space<vmem_shared>> -> memref<128x16xf32, #tpu.memory_space<vmem_shared>>
      tpu.wait_dma2 semaphore(%run_scoped3A : memref<!tpu.dma_semaphore, #tpu.memory_space<semaphore_mem>>) src(%dma_wait3A_135 : memref<128x16xf32, #tpu.memory_space<vmem_shared>>) dst(%arg13 : memref<128x16xf32, #tpu.memory_space<vmem>>)
      tpu.yield
    }) : () -> ()
    "tpu.region"() ({
      %run_scoped3A = tpu.sem_alloc : memref<!tpu.dma_semaphore, #tpu.memory_space<semaphore_mem>>
      %dma_start3A_128 = arith.constant 0 : i32
      %dma_start3A_129 = arith.constant 0 : i32
      %dma_start3A_130 = tpu.memref_slice %arg5[%arg0, %dma_start3A_128, %dma_start3A_129] : memref<2x10240x16xf32, #tpu.memory_space<hbm>> -> memref<1x10240x16xf32, #tpu.memory_space<hbm>>
      %dma_start3A_131 = tpu.memref_squeeze %dma_start3A_130 : memref<1x10240x16xf32, #tpu.memory_space<hbm>> -> memref<10240x16xf32, #tpu.memory_space<hbm>>
      %dma_start3A_132 = arith.constant 0 : i32
      %dma_start3A_133 = tpu.memref_slice %dma_start3A_131[%add3A_111, %dma_start3A_132] : memref<10240x16xf32, #tpu.memory_space<hbm>> -> memref<128x16xf32, #tpu.memory_space<hbm>>
      %dma_start3A_134 = arith.constant 0 : i32
      %dma_start3A_135 = arith.constant 0 : i32
      %dma_start3A_136 = tpu.memref_slice %arg5[%arg0, %dma_start3A_134, %dma_start3A_135] : memref<2x10240x16xf32, #tpu.memory_space<hbm>> -> memref<1x10240x16xf32, #tpu.memory_space<hbm>>
      %dma_start3A_137 = tpu.memref_squeeze %dma_start3A_136 : memref<1x10240x16xf32, #tpu.memory_space<hbm>> -> memref<10240x16xf32, #tpu.memory_space<hbm>>
      %dma_start3A_138 = arith.constant 0 : i32
      %dma_start3A_139 = tpu.memref_slice %dma_start3A_137[%add3A_111, %dma_start3A_138] : memref<10240x16xf32, #tpu.memory_space<hbm>> -> memref<128x16xf32, #tpu.memory_space<hbm>>
      tpu.enqueue_dma source(%arg13 : memref<128x16xf32, #tpu.memory_space<vmem>>) target(%dma_start3A_139 : memref<128x16xf32, #tpu.memory_space<hbm>>) target_semaphore(%run_scoped3A : memref<!tpu.dma_semaphore, #tpu.memory_space<semaphore_mem>>)
      %dma_wait3A_140 = arith.constant 0 : i32
      %dma_wait3A_141 = arith.constant 0 : i32
      %dma_wait3A_142 = tpu.memref_slice %arg5[%arg0, %dma_wait3A_140, %dma_wait3A_141] : memref<2x10240x16xf32, #tpu.memory_space<hbm>> -> memref<1x10240x16xf32, #tpu.memory_space<hbm>>
      %dma_wait3A_143 = tpu.memref_squeeze %dma_wait3A_142 : memref<1x10240x16xf32, #tpu.memory_space<hbm>> -> memref<10240x16xf32, #tpu.memory_space<hbm>>
      %dma_wait3A_144 = arith.constant 0 : i32
      %dma_wait3A_145 = tpu.memref_slice %dma_wait3A_143[%add3A_111, %dma_wait3A_144] : memref<10240x16xf32, #tpu.memory_space<hbm>> -> memref<128x16xf32, #tpu.memory_space<hbm>>
      %dma_wait3A_146 = arith.constant 0 : i32
      %dma_wait3A_147 = arith.constant 0 : i32
      %dma_wait3A_148 = tpu.memref_slice %arg5[%arg0, %dma_wait3A_146, %dma_wait3A_147] : memref<2x10240x16xf32, #tpu.memory_space<hbm>> -> memref<1x10240x16xf32, #tpu.memory_space<hbm>>
      %dma_wait3A_149 = tpu.memref_squeeze %dma_wait3A_148 : memref<1x10240x16xf32, #tpu.memory_space<hbm>> -> memref<10240x16xf32, #tpu.memory_space<hbm>>
      %dma_wait3A_150 = arith.constant 0 : i32
      %dma_wait3A_151 = tpu.memref_slice %dma_wait3A_149[%add3A_111, %dma_wait3A_150] : memref<10240x16xf32, #tpu.memory_space<hbm>> -> memref<128x16xf32, #tpu.memory_space<hbm>>
      tpu.wait_dma2 semaphore(%run_scoped3A : memref<!tpu.dma_semaphore, #tpu.memory_space<semaphore_mem>>) src(%arg13 : memref<128x16xf32, #tpu.memory_space<vmem>>) dst(%dma_wait3A_151 : memref<128x16xf32, #tpu.memory_space<hbm>>)
      tpu.yield
    }) : () -> ()
    %mul3A_112 = arith.constant 640 : i32
    %mul3A_113 = arith.muli %arg1, %mul3A_112 : i32
    %add3A_114 = arith.constant 128 : i32
    %add3A_115 = arith.addi %mul3A_113, %add3A_114 : i32
    "tpu.region"() ({
      %run_scoped3A = tpu.sem_alloc : memref<!tpu.dma_semaphore, #tpu.memory_space<semaphore_mem>>
      %dma_start3A_128 = arith.constant 0 : i32
      %dma_start3A_129 = tpu.memref_slice %arg14[%add3A_115, %dma_start3A_128] : memref<10240x16xf32, #tpu.memory_space<vmem_shared>> -> memref<128x16xf32, #tpu.memory_space<vmem_shared>>
      %dma_start3A_130 = arith.constant 0 : i32
      %dma_start3A_131 = tpu.memref_slice %arg14[%add3A_115, %dma_start3A_130] : memref<10240x16xf32, #tpu.memory_space<vmem_shared>> -> memref<128x16xf32, #tpu.memory_space<vmem_shared>>
      tpu.enqueue_dma source(%dma_start3A_131 : memref<128x16xf32, #tpu.memory_space<vmem_shared>>) target(%arg13 : memref<128x16xf32, #tpu.memory_space<vmem>>) target_semaphore(%run_scoped3A : memref<!tpu.dma_semaphore, #tpu.memory_space<semaphore_mem>>)
      %dma_wait3A_132 = arith.constant 0 : i32
      %dma_wait3A_133 = tpu.memref_slice %arg14[%add3A_115, %dma_wait3A_132] : memref<10240x16xf32, #tpu.memory_space<vmem_shared>> -> memref<128x16xf32, #tpu.memory_space<vmem_shared>>
      %dma_wait3A_134 = arith.constant 0 : i32
      %dma_wait3A_135 = tpu.memref_slice %arg14[%add3A_115, %dma_wait3A_134] : memref<10240x16xf32, #tpu.memory_space<vmem_shared>> -> memref<128x16xf32, #tpu.memory_space<vmem_shared>>
      tpu.wait_dma2 semaphore(%run_scoped3A : memref<!tpu.dma_semaphore, #tpu.memory_space<semaphore_mem>>) src(%dma_wait3A_135 : memref<128x16xf32, #tpu.memory_space<vmem_shared>>) dst(%arg13 : memref<128x16xf32, #tpu.memory_space<vmem>>)
      tpu.yield
    }) : () -> ()
    "tpu.region"() ({
      %run_scoped3A = tpu.sem_alloc : memref<!tpu.dma_semaphore, #tpu.memory_space<semaphore_mem>>
      %dma_start3A_128 = arith.constant 0 : i32
      %dma_start3A_129 = arith.constant 0 : i32
      %dma_start3A_130 = tpu.memref_slice %arg5[%arg0, %dma_start3A_128, %dma_start3A_129] : memref<2x10240x16xf32, #tpu.memory_space<hbm>> -> memref<1x10240x16xf32, #tpu.memory_space<hbm>>
      %dma_start3A_131 = tpu.memref_squeeze %dma_start3A_130 : memref<1x10240x16xf32, #tpu.memory_space<hbm>> -> memref<10240x16xf32, #tpu.memory_space<hbm>>
      %dma_start3A_132 = arith.constant 0 : i32
      %dma_start3A_133 = tpu.memref_slice %dma_start3A_131[%add3A_115, %dma_start3A_132] : memref<10240x16xf32, #tpu.memory_space<hbm>> -> memref<128x16xf32, #tpu.memory_space<hbm>>
      %dma_start3A_134 = arith.constant 0 : i32
      %dma_start3A_135 = arith.constant 0 : i32
      %dma_start3A_136 = tpu.memref_slice %arg5[%arg0, %dma_start3A_134, %dma_start3A_135] : memref<2x10240x16xf32, #tpu.memory_space<hbm>> -> memref<1x10240x16xf32, #tpu.memory_space<hbm>>
      %dma_start3A_137 = tpu.memref_squeeze %dma_start3A_136 : memref<1x10240x16xf32, #tpu.memory_space<hbm>> -> memref<10240x16xf32, #tpu.memory_space<hbm>>
      %dma_start3A_138 = arith.constant 0 : i32
      %dma_start3A_139 = tpu.memref_slice %dma_start3A_137[%add3A_115, %dma_start3A_138] : memref<10240x16xf32, #tpu.memory_space<hbm>> -> memref<128x16xf32, #tpu.memory_space<hbm>>
      tpu.enqueue_dma source(%arg13 : memref<128x16xf32, #tpu.memory_space<vmem>>) target(%dma_start3A_139 : memref<128x16xf32, #tpu.memory_space<hbm>>) target_semaphore(%run_scoped3A : memref<!tpu.dma_semaphore, #tpu.memory_space<semaphore_mem>>)
      %dma_wait3A_140 = arith.constant 0 : i32
      %dma_wait3A_141 = arith.constant 0 : i32
      %dma_wait3A_142 = tpu.memref_slice %arg5[%arg0, %dma_wait3A_140, %dma_wait3A_141] : memref<2x10240x16xf32, #tpu.memory_space<hbm>> -> memref<1x10240x16xf32, #tpu.memory_space<hbm>>
      %dma_wait3A_143 = tpu.memref_squeeze %dma_wait3A_142 : memref<1x10240x16xf32, #tpu.memory_space<hbm>> -> memref<10240x16xf32, #tpu.memory_space<hbm>>
      %dma_wait3A_144 = arith.constant 0 : i32
      %dma_wait3A_145 = tpu.memref_slice %dma_wait3A_143[%add3A_115, %dma_wait3A_144] : memref<10240x16xf32, #tpu.memory_space<hbm>> -> memref<128x16xf32, #tpu.memory_space<hbm>>
      %dma_wait3A_146 = arith.constant 0 : i32
      %dma_wait3A_147 = arith.constant 0 : i32
      %dma_wait3A_148 = tpu.memref_slice %arg5[%arg0, %dma_wait3A_146, %dma_wait3A_147] : memref<2x10240x16xf32, #tpu.memory_space<hbm>> -> memref<1x10240x16xf32, #tpu.memory_space<hbm>>
      %dma_wait3A_149 = tpu.memref_squeeze %dma_wait3A_148 : memref<1x10240x16xf32, #tpu.memory_space<hbm>> -> memref<10240x16xf32, #tpu.memory_space<hbm>>
      %dma_wait3A_150 = arith.constant 0 : i32
      %dma_wait3A_151 = tpu.memref_slice %dma_wait3A_149[%add3A_115, %dma_wait3A_150] : memref<10240x16xf32, #tpu.memory_space<hbm>> -> memref<128x16xf32, #tpu.memory_space<hbm>>
      tpu.wait_dma2 semaphore(%run_scoped3A : memref<!tpu.dma_semaphore, #tpu.memory_space<semaphore_mem>>) src(%arg13 : memref<128x16xf32, #tpu.memory_space<vmem>>) dst(%dma_wait3A_151 : memref<128x16xf32, #tpu.memory_space<hbm>>)
      tpu.yield
    }) : () -> ()
    %mul3A_116 = arith.constant 640 : i32
    %mul3A_117 = arith.muli %arg1, %mul3A_116 : i32
    %add3A_118 = arith.constant 256 : i32
    %add3A_119 = arith.addi %mul3A_117, %add3A_118 : i32
    "tpu.region"() ({
      %run_scoped3A = tpu.sem_alloc : memref<!tpu.dma_semaphore, #tpu.memory_space<semaphore_mem>>
      %dma_start3A_128 = arith.constant 0 : i32
      %dma_start3A_129 = tpu.memref_slice %arg14[%add3A_119, %dma_start3A_128] : memref<10240x16xf32, #tpu.memory_space<vmem_shared>> -> memref<128x16xf32, #tpu.memory_space<vmem_shared>>
      %dma_start3A_130 = arith.constant 0 : i32
      %dma_start3A_131 = tpu.memref_slice %arg14[%add3A_119, %dma_start3A_130] : memref<10240x16xf32, #tpu.memory_space<vmem_shared>> -> memref<128x16xf32, #tpu.memory_space<vmem_shared>>
      tpu.enqueue_dma source(%dma_start3A_131 : memref<128x16xf32, #tpu.memory_space<vmem_shared>>) target(%arg13 : memref<128x16xf32, #tpu.memory_space<vmem>>) target_semaphore(%run_scoped3A : memref<!tpu.dma_semaphore, #tpu.memory_space<semaphore_mem>>)
      %dma_wait3A_132 = arith.constant 0 : i32
      %dma_wait3A_133 = tpu.memref_slice %arg14[%add3A_119, %dma_wait3A_132] : memref<10240x16xf32, #tpu.memory_space<vmem_shared>> -> memref<128x16xf32, #tpu.memory_space<vmem_shared>>
      %dma_wait3A_134 = arith.constant 0 : i32
      %dma_wait3A_135 = tpu.memref_slice %arg14[%add3A_119, %dma_wait3A_134] : memref<10240x16xf32, #tpu.memory_space<vmem_shared>> -> memref<128x16xf32, #tpu.memory_space<vmem_shared>>
      tpu.wait_dma2 semaphore(%run_scoped3A : memref<!tpu.dma_semaphore, #tpu.memory_space<semaphore_mem>>) src(%dma_wait3A_135 : memref<128x16xf32, #tpu.memory_space<vmem_shared>>) dst(%arg13 : memref<128x16xf32, #tpu.memory_space<vmem>>)
      tpu.yield
    }) : () -> ()
    "tpu.region"() ({
      %run_scoped3A = tpu.sem_alloc : memref<!tpu.dma_semaphore, #tpu.memory_space<semaphore_mem>>
      %dma_start3A_128 = arith.constant 0 : i32
      %dma_start3A_129 = arith.constant 0 : i32
      %dma_start3A_130 = tpu.memref_slice %arg5[%arg0, %dma_start3A_128, %dma_start3A_129] : memref<2x10240x16xf32, #tpu.memory_space<hbm>> -> memref<1x10240x16xf32, #tpu.memory_space<hbm>>
      %dma_start3A_131 = tpu.memref_squeeze %dma_start3A_130 : memref<1x10240x16xf32, #tpu.memory_space<hbm>> -> memref<10240x16xf32, #tpu.memory_space<hbm>>
      %dma_start3A_132 = arith.constant 0 : i32
      %dma_start3A_133 = tpu.memref_slice %dma_start3A_131[%add3A_119, %dma_start3A_132] : memref<10240x16xf32, #tpu.memory_space<hbm>> -> memref<128x16xf32, #tpu.memory_space<hbm>>
      %dma_start3A_134 = arith.constant 0 : i32
      %dma_start3A_135 = arith.constant 0 : i32
      %dma_start3A_136 = tpu.memref_slice %arg5[%arg0, %dma_start3A_134, %dma_start3A_135] : memref<2x10240x16xf32, #tpu.memory_space<hbm>> -> memref<1x10240x16xf32, #tpu.memory_space<hbm>>
      %dma_start3A_137 = tpu.memref_squeeze %dma_start3A_136 : memref<1x10240x16xf32, #tpu.memory_space<hbm>> -> memref<10240x16xf32, #tpu.memory_space<hbm>>
      %dma_start3A_138 = arith.constant 0 : i32
      %dma_start3A_139 = tpu.memref_slice %dma_start3A_137[%add3A_119, %dma_start3A_138] : memref<10240x16xf32, #tpu.memory_space<hbm>> -> memref<128x16xf32, #tpu.memory_space<hbm>>
      tpu.enqueue_dma source(%arg13 : memref<128x16xf32, #tpu.memory_space<vmem>>) target(%dma_start3A_139 : memref<128x16xf32, #tpu.memory_space<hbm>>) target_semaphore(%run_scoped3A : memref<!tpu.dma_semaphore, #tpu.memory_space<semaphore_mem>>)
      %dma_wait3A_140 = arith.constant 0 : i32
      %dma_wait3A_141 = arith.constant 0 : i32
      %dma_wait3A_142 = tpu.memref_slice %arg5[%arg0, %dma_wait3A_140, %dma_wait3A_141] : memref<2x10240x16xf32, #tpu.memory_space<hbm>> -> memref<1x10240x16xf32, #tpu.memory_space<hbm>>
      %dma_wait3A_143 = tpu.memref_squeeze %dma_wait3A_142 : memref<1x10240x16xf32, #tpu.memory_space<hbm>> -> memref<10240x16xf32, #tpu.memory_space<hbm>>
      %dma_wait3A_144 = arith.constant 0 : i32
      %dma_wait3A_145 = tpu.memref_slice %dma_wait3A_143[%add3A_119, %dma_wait3A_144] : memref<10240x16xf32, #tpu.memory_space<hbm>> -> memref<128x16xf32, #tpu.memory_space<hbm>>
      %dma_wait3A_146 = arith.constant 0 : i32
      %dma_wait3A_147 = arith.constant 0 : i32
      %dma_wait3A_148 = tpu.memref_slice %arg5[%arg0, %dma_wait3A_146, %dma_wait3A_147] : memref<2x10240x16xf32, #tpu.memory_space<hbm>> -> memref<1x10240x16xf32, #tpu.memory_space<hbm>>
      %dma_wait3A_149 = tpu.memref_squeeze %dma_wait3A_148 : memref<1x10240x16xf32, #tpu.memory_space<hbm>> -> memref<10240x16xf32, #tpu.memory_space<hbm>>
      %dma_wait3A_150 = arith.constant 0 : i32
      %dma_wait3A_151 = tpu.memref_slice %dma_wait3A_149[%add3A_119, %dma_wait3A_150] : memref<10240x16xf32, #tpu.memory_space<hbm>> -> memref<128x16xf32, #tpu.memory_space<hbm>>
      tpu.wait_dma2 semaphore(%run_scoped3A : memref<!tpu.dma_semaphore, #tpu.memory_space<semaphore_mem>>) src(%arg13 : memref<128x16xf32, #tpu.memory_space<vmem>>) dst(%dma_wait3A_151 : memref<128x16xf32, #tpu.memory_space<hbm>>)
      tpu.yield
    }) : () -> ()
    %mul3A_120 = arith.constant 640 : i32
    %mul3A_121 = arith.muli %arg1, %mul3A_120 : i32
    %add3A_122 = arith.constant 384 : i32
    %add3A_123 = arith.addi %mul3A_121, %add3A_122 : i32
    "tpu.region"() ({
      %run_scoped3A = tpu.sem_alloc : memref<!tpu.dma_semaphore, #tpu.memory_space<semaphore_mem>>
      %dma_start3A_128 = arith.constant 0 : i32
      %dma_start3A_129 = tpu.memref_slice %arg14[%add3A_123, %dma_start3A_128] : memref<10240x16xf32, #tpu.memory_space<vmem_shared>> -> memref<128x16xf32, #tpu.memory_space<vmem_shared>>
      %dma_start3A_130 = arith.constant 0 : i32
      %dma_start3A_131 = tpu.memref_slice %arg14[%add3A_123, %dma_start3A_130] : memref<10240x16xf32, #tpu.memory_space<vmem_shared>> -> memref<128x16xf32, #tpu.memory_space<vmem_shared>>
      tpu.enqueue_dma source(%dma_start3A_131 : memref<128x16xf32, #tpu.memory_space<vmem_shared>>) target(%arg13 : memref<128x16xf32, #tpu.memory_space<vmem>>) target_semaphore(%run_scoped3A : memref<!tpu.dma_semaphore, #tpu.memory_space<semaphore_mem>>)
      %dma_wait3A_132 = arith.constant 0 : i32
      %dma_wait3A_133 = tpu.memref_slice %arg14[%add3A_123, %dma_wait3A_132] : memref<10240x16xf32, #tpu.memory_space<vmem_shared>> -> memref<128x16xf32, #tpu.memory_space<vmem_shared>>
      %dma_wait3A_134 = arith.constant 0 : i32
      %dma_wait3A_135 = tpu.memref_slice %arg14[%add3A_123, %dma_wait3A_134] : memref<10240x16xf32, #tpu.memory_space<vmem_shared>> -> memref<128x16xf32, #tpu.memory_space<vmem_shared>>
      tpu.wait_dma2 semaphore(%run_scoped3A : memref<!tpu.dma_semaphore, #tpu.memory_space<semaphore_mem>>) src(%dma_wait3A_135 : memref<128x16xf32, #tpu.memory_space<vmem_shared>>) dst(%arg13 : memref<128x16xf32, #tpu.memory_space<vmem>>)
      tpu.yield
    }) : () -> ()
    "tpu.region"() ({
      %run_scoped3A = tpu.sem_alloc : memref<!tpu.dma_semaphore, #tpu.memory_space<semaphore_mem>>
      %dma_start3A_128 = arith.constant 0 : i32
      %dma_start3A_129 = arith.constant 0 : i32
      %dma_start3A_130 = tpu.memref_slice %arg5[%arg0, %dma_start3A_128, %dma_start3A_129] : memref<2x10240x16xf32, #tpu.memory_space<hbm>> -> memref<1x10240x16xf32, #tpu.memory_space<hbm>>
      %dma_start3A_131 = tpu.memref_squeeze %dma_start3A_130 : memref<1x10240x16xf32, #tpu.memory_space<hbm>> -> memref<10240x16xf32, #tpu.memory_space<hbm>>
      %dma_start3A_132 = arith.constant 0 : i32
      %dma_start3A_133 = tpu.memref_slice %dma_start3A_131[%add3A_123, %dma_start3A_132] : memref<10240x16xf32, #tpu.memory_space<hbm>> -> memref<128x16xf32, #tpu.memory_space<hbm>>
      %dma_start3A_134 = arith.constant 0 : i32
      %dma_start3A_135 = arith.constant 0 : i32
      %dma_start3A_136 = tpu.memref_slice %arg5[%arg0, %dma_start3A_134, %dma_start3A_135] : memref<2x10240x16xf32, #tpu.memory_space<hbm>> -> memref<1x10240x16xf32, #tpu.memory_space<hbm>>
      %dma_start3A_137 = tpu.memref_squeeze %dma_start3A_136 : memref<1x10240x16xf32, #tpu.memory_space<hbm>> -> memref<10240x16xf32, #tpu.memory_space<hbm>>
      %dma_start3A_138 = arith.constant 0 : i32
      %dma_start3A_139 = tpu.memref_slice %dma_start3A_137[%add3A_123, %dma_start3A_138] : memref<10240x16xf32, #tpu.memory_space<hbm>> -> memref<128x16xf32, #tpu.memory_space<hbm>>
      tpu.enqueue_dma source(%arg13 : memref<128x16xf32, #tpu.memory_space<vmem>>) target(%dma_start3A_139 : memref<128x16xf32, #tpu.memory_space<hbm>>) target_semaphore(%run_scoped3A : memref<!tpu.dma_semaphore, #tpu.memory_space<semaphore_mem>>)
      %dma_wait3A_140 = arith.constant 0 : i32
      %dma_wait3A_141 = arith.constant 0 : i32
      %dma_wait3A_142 = tpu.memref_slice %arg5[%arg0, %dma_wait3A_140, %dma_wait3A_141] : memref<2x10240x16xf32, #tpu.memory_space<hbm>> -> memref<1x10240x16xf32, #tpu.memory_space<hbm>>
      %dma_wait3A_143 = tpu.memref_squeeze %dma_wait3A_142 : memref<1x10240x16xf32, #tpu.memory_space<hbm>> -> memref<10240x16xf32, #tpu.memory_space<hbm>>
      %dma_wait3A_144 = arith.constant 0 : i32
      %dma_wait3A_145 = tpu.memref_slice %dma_wait3A_143[%add3A_123, %dma_wait3A_144] : memref<10240x16xf32, #tpu.memory_space<hbm>> -> memref<128x16xf32, #tpu.memory_space<hbm>>
      %dma_wait3A_146 = arith.constant 0 : i32
      %dma_wait3A_147 = arith.constant 0 : i32
      %dma_wait3A_148 = tpu.memref_slice %arg5[%arg0, %dma_wait3A_146, %dma_wait3A_147] : memref<2x10240x16xf32, #tpu.memory_space<hbm>> -> memref<1x10240x16xf32, #tpu.memory_space<hbm>>
      %dma_wait3A_149 = tpu.memref_squeeze %dma_wait3A_148 : memref<1x10240x16xf32, #tpu.memory_space<hbm>> -> memref<10240x16xf32, #tpu.memory_space<hbm>>
      %dma_wait3A_150 = arith.constant 0 : i32
      %dma_wait3A_151 = tpu.memref_slice %dma_wait3A_149[%add3A_123, %dma_wait3A_150] : memref<10240x16xf32, #tpu.memory_space<hbm>> -> memref<128x16xf32, #tpu.memory_space<hbm>>
      tpu.wait_dma2 semaphore(%run_scoped3A : memref<!tpu.dma_semaphore, #tpu.memory_space<semaphore_mem>>) src(%arg13 : memref<128x16xf32, #tpu.memory_space<vmem>>) dst(%dma_wait3A_151 : memref<128x16xf32, #tpu.memory_space<hbm>>)
      tpu.yield
    }) : () -> ()
    %mul3A_124 = arith.constant 640 : i32
    %mul3A_125 = arith.muli %arg1, %mul3A_124 : i32
    %add3A_126 = arith.constant 512 : i32
    %add3A_127 = arith.addi %mul3A_125, %add3A_126 : i32
    "tpu.region"() ({
      %run_scoped3A = tpu.sem_alloc : memref<!tpu.dma_semaphore, #tpu.memory_space<semaphore_mem>>
      %dma_start3A_128 = arith.constant 0 : i32
      %dma_start3A_129 = tpu.memref_slice %arg14[%add3A_127, %dma_start3A_128] : memref<10240x16xf32, #tpu.memory_space<vmem_shared>> -> memref<128x16xf32, #tpu.memory_space<vmem_shared>>
      %dma_start3A_130 = arith.constant 0 : i32
      %dma_start3A_131 = tpu.memref_slice %arg14[%add3A_127, %dma_start3A_130] : memref<10240x16xf32, #tpu.memory_space<vmem_shared>> -> memref<128x16xf32, #tpu.memory_space<vmem_shared>>
      tpu.enqueue_dma source(%dma_start3A_131 : memref<128x16xf32, #tpu.memory_space<vmem_shared>>) target(%arg13 : memref<128x16xf32, #tpu.memory_space<vmem>>) target_semaphore(%run_scoped3A : memref<!tpu.dma_semaphore, #tpu.memory_space<semaphore_mem>>)
      %dma_wait3A_132 = arith.constant 0 : i32
      %dma_wait3A_133 = tpu.memref_slice %arg14[%add3A_127, %dma_wait3A_132] : memref<10240x16xf32, #tpu.memory_space<vmem_shared>> -> memref<128x16xf32, #tpu.memory_space<vmem_shared>>
      %dma_wait3A_134 = arith.constant 0 : i32
      %dma_wait3A_135 = tpu.memref_slice %arg14[%add3A_127, %dma_wait3A_134] : memref<10240x16xf32, #tpu.memory_space<vmem_shared>> -> memref<128x16xf32, #tpu.memory_space<vmem_shared>>
      tpu.wait_dma2 semaphore(%run_scoped3A : memref<!tpu.dma_semaphore, #tpu.memory_space<semaphore_mem>>) src(%dma_wait3A_135 : memref<128x16xf32, #tpu.memory_space<vmem_shared>>) dst(%arg13 : memref<128x16xf32, #tpu.memory_space<vmem>>)
      tpu.yield
    }) : () -> ()
    "tpu.region"() ({
      %run_scoped3A = tpu.sem_alloc : memref<!tpu.dma_semaphore, #tpu.memory_space<semaphore_mem>>
      %dma_start3A_128 = arith.constant 0 : i32
      %dma_start3A_129 = arith.constant 0 : i32
      %dma_start3A_130 = tpu.memref_slice %arg5[%arg0, %dma_start3A_128, %dma_start3A_129] : memref<2x10240x16xf32, #tpu.memory_space<hbm>> -> memref<1x10240x16xf32, #tpu.memory_space<hbm>>
      %dma_start3A_131 = tpu.memref_squeeze %dma_start3A_130 : memref<1x10240x16xf32, #tpu.memory_space<hbm>> -> memref<10240x16xf32, #tpu.memory_space<hbm>>
      %dma_start3A_132 = arith.constant 0 : i32
      %dma_start3A_133 = tpu.memref_slice %dma_start3A_131[%add3A_127, %dma_start3A_132] : memref<10240x16xf32, #tpu.memory_space<hbm>> -> memref<128x16xf32, #tpu.memory_space<hbm>>
      %dma_start3A_134 = arith.constant 0 : i32
      %dma_start3A_135 = arith.constant 0 : i32
      %dma_start3A_136 = tpu.memref_slice %arg5[%arg0, %dma_start3A_134, %dma_start3A_135] : memref<2x10240x16xf32, #tpu.memory_space<hbm>> -> memref<1x10240x16xf32, #tpu.memory_space<hbm>>
      %dma_start3A_137 = tpu.memref_squeeze %dma_start3A_136 : memref<1x10240x16xf32, #tpu.memory_space<hbm>> -> memref<10240x16xf32, #tpu.memory_space<hbm>>
      %dma_start3A_138 = arith.constant 0 : i32
      %dma_start3A_139 = tpu.memref_slice %dma_start3A_137[%add3A_127, %dma_start3A_138] : memref<10240x16xf32, #tpu.memory_space<hbm>> -> memref<128x16xf32, #tpu.memory_space<hbm>>
      tpu.enqueue_dma source(%arg13 : memref<128x16xf32, #tpu.memory_space<vmem>>) target(%dma_start3A_139 : memref<128x16xf32, #tpu.memory_space<hbm>>) target_semaphore(%run_scoped3A : memref<!tpu.dma_semaphore, #tpu.memory_space<semaphore_mem>>)
      %dma_wait3A_140 = arith.constant 0 : i32
      %dma_wait3A_141 = arith.constant 0 : i32
      %dma_wait3A_142 = tpu.memref_slice %arg5[%arg0, %dma_wait3A_140, %dma_wait3A_141] : memref<2x10240x16xf32, #tpu.memory_space<hbm>> -> memref<1x10240x16xf32, #tpu.memory_space<hbm>>
      %dma_wait3A_143 = tpu.memref_squeeze %dma_wait3A_142 : memref<1x10240x16xf32, #tpu.memory_space<hbm>> -> memref<10240x16xf32, #tpu.memory_space<hbm>>
      %dma_wait3A_144 = arith.constant 0 : i32
      %dma_wait3A_145 = tpu.memref_slice %dma_wait3A_143[%add3A_127, %dma_wait3A_144] : memref<10240x16xf32, #tpu.memory_space<hbm>> -> memref<128x16xf32, #tpu.memory_space<hbm>>
      %dma_wait3A_146 = arith.constant 0 : i32
      %dma_wait3A_147 = arith.constant 0 : i32
      %dma_wait3A_148 = tpu.memref_slice %arg5[%arg0, %dma_wait3A_146, %dma_wait3A_147] : memref<2x10240x16xf32, #tpu.memory_space<hbm>> -> memref<1x10240x16xf32, #tpu.memory_space<hbm>>
      %dma_wait3A_149 = tpu.memref_squeeze %dma_wait3A_148 : memref<1x10240x16xf32, #tpu.memory_space<hbm>> -> memref<10240x16xf32, #tpu.memory_space<hbm>>
      %dma_wait3A_150 = arith.constant 0 : i32
      %dma_wait3A_151 = tpu.memref_slice %dma_wait3A_149[%add3A_127, %dma_wait3A_150] : memref<10240x16xf32, #tpu.memory_space<hbm>> -> memref<128x16xf32, #tpu.memory_space<hbm>>
      tpu.wait_dma2 semaphore(%run_scoped3A : memref<!tpu.dma_semaphore, #tpu.memory_space<semaphore_mem>>) src(%arg13 : memref<128x16xf32, #tpu.memory_space<vmem>>) dst(%dma_wait3A_151 : memref<128x16xf32, #tpu.memory_space<hbm>>)
      tpu.yield
    }) : () -> ()
    return
  }
}

module attributes {stable_mosaic.version = 14 : i64} {
  func.func @_mm1_body(%arg0: i32, %arg1: memref<2000x128xf32, #tpu.memory_space<vmem>>, %arg2: memref<128x128xf32, #tpu.memory_space<vmem>>, %arg3: memref<1x2000x16xf32, #tpu.memory_space<vmem>>, %arg4: memref<1x2000x16xf32, #tpu.memory_space<vmem>>, %arg5: memref<2000x128xf32, #tpu.memory_space<vmem>>) attributes {dimension_semantics = [#tpu.dimension_semantics<arbitrary>], iteration_bounds = array<i64: 5>, scalar_prefetch = 0 : i64, scratch_operands = 0 : i64, tpu.core_type = #tpu.core_type<tc>, window_params = [{transform_indices = @transform_0, window_bounds = array<i64: 2000, 128>}, {pipeline_mode = #tpu.pipeline_mode<synchronous>, transform_indices = @transform_1, window_bounds = array<i64: 128, 128>}, {transform_indices = @transform_2, window_bounds = array<i64: 1, 2000, 16>}, {transform_indices = @transform_3, window_bounds = array<i64: 1, 2000, 16>}, {transform_indices = @transform_4, window_bounds = array<i64: 2000, 128>}]} {
    %get3A = arith.constant 0 : index
    %get3A_0 = arith.constant 0 : index
    %get3A_1 = vector.load %arg1[%get3A, %get3A_0] : memref<2000x128xf32, #tpu.memory_space<vmem>>, vector<2000x128xf32>
    %get3A_2 = arith.constant 0 : index
    %get3A_3 = arith.constant 0 : index
    %get3A_4 = vector.load %arg2[%get3A_2, %get3A_3] : memref<128x128xf32, #tpu.memory_space<vmem>>, vector<128x128xf32>
    %dot_general3A = arith.constant dense<0.000000e+00> : vector<2000x128xf32>
    %dot_general3A_5 = tpu.matmul %get3A_1, %get3A_4, %dot_general3A {dimension_numbers = #tpu.dot_dimension_numbers<[1], [0], [0], [1], [0, 0, 1, 1], [], []>, transpose_lhs_hint = false} : vector<2000x128xf32>, vector<128x128xf32>, vector<2000x128xf32> -> vector<2000x128xf32>
    %get3A_6 = arith.constant 0 : index
    %get3A_7 = arith.constant 0 : index
    %get3A_8 = arith.constant 0 : index
    %get3A_9 = vector.load %arg3[%get3A_6, %get3A_7, %get3A_8] : memref<1x2000x16xf32, #tpu.memory_space<vmem>>, vector<1x2000x1xf32>
    %get3A_10 = vector.shape_cast %get3A_9 : vector<1x2000x1xf32> to vector<2000x1xf32>
    %get3A_11 = arith.constant 0 : index
    %get3A_12 = arith.constant 0 : index
    %get3A_13 = arith.constant 0 : index
    %get3A_14 = vector.load %arg4[%get3A_11, %get3A_12, %get3A_13] : memref<1x2000x16xf32, #tpu.memory_space<vmem>>, vector<1x2000x1xf32>
    %get3A_15 = vector.shape_cast %get3A_14 : vector<1x2000x1xf32> to vector<2000x1xf32>
    %add3A = arith.addf %get3A_10, %get3A_15 : vector<2000x1xf32>
    %add3A_16 = arith.constant 1.000000e+00 : f32
    %add3A_17 = vector.broadcast %add3A_16 : f32 to vector<2000x1xf32>
    %add3A_18 = arith.addf %add3A, %add3A_17 : vector<2000x1xf32>
    %rsqrt3A = math.rsqrt %add3A_18 : vector<2000x1xf32>
    %mul3A = vector.broadcast %rsqrt3A : vector<2000x1xf32> to vector<2000x128xf32>
    %mul3A_19 = arith.mulf %dot_general3A_5, %mul3A : vector<2000x128xf32>
    %swap3A = arith.constant 0 : index
    %swap3A_20 = arith.constant 0 : index
    %swap3A_21 = vector.load %arg5[%swap3A, %swap3A_20] : memref<2000x128xf32, #tpu.memory_space<vmem>>, vector<2000x128xf32>
    tpu.vector_store %arg5[%swap3A, %swap3A_20], %mul3A_19 {strides = array<i32>} : memref<2000x128xf32, #tpu.memory_space<vmem>>, vector<2000x128xf32>,
    return
  }
  func.func @transform_0(%arg0: i32) -> (i32, i32) {
    %c0_i32 = arith.constant 0 : i32
    %c0_i32_0 = arith.constant 0 : i32
    return %arg0, %c0_i32 : i32, i32
  }
  func.func @transform_1(%arg0: i32) -> (i32, i32) {
    %c0_i32 = arith.constant 0 : i32
    %c0_i32_0 = arith.constant 0 : i32
    %c0_i32_1 = arith.constant 0 : i32
    return %c0_i32, %c0_i32_0 : i32, i32
  }
  func.func @transform_2(%arg0: i32) -> (i32, i32, i32) {
    %c0_i32 = arith.constant 0 : i32
    %c0_i32_0 = arith.constant 0 : i32
    %c0_i32_1 = arith.constant 0 : i32
    return %c0_i32, %arg0, %c0_i32_0 : i32, i32, i32
  }
  func.func @transform_3(%arg0: i32) -> (i32, i32, i32) {
    %c1_i32 = arith.constant 1 : i32
    %c0_i32 = arith.constant 0 : i32
    %c0_i32_0 = arith.constant 0 : i32
    return %c1_i32, %arg0, %c0_i32 : i32, i32, i32
  }
  func.func @transform_4(%arg0: i32) -> (i32, i32) {
    %c0_i32 = arith.constant 0 : i32
    %c0_i32_0 = arith.constant 0 : i32
    return %arg0, %c0_i32 : i32, i32
  }
}

module attributes {stable_mosaic.version = 14 : i64} {
  func.func @_mid_body(%arg0: i32, %arg1: memref<1x2000x64xf32, #tpu.memory_space<vmem>>, %arg2: memref<1x2000x64xf32, #tpu.memory_space<vmem>>, %arg3: memref<2000x128xf32, #tpu.memory_space<vmem>>, %arg4: memref<1x2000x16xf32, #tpu.memory_space<vmem>>, %arg5: memref<1x2000x16xf32, #tpu.memory_space<vmem>>, %arg6: memref<1x128xf32, #tpu.memory_space<vmem>>, %arg7: memref<128x16xf32, #tpu.memory_space<vmem>>, %arg8: memref<2000x16xf32, #tpu.memory_space<vmem>>) attributes {dimension_semantics = [#tpu.dimension_semantics<arbitrary>], iteration_bounds = array<i64: 5>, scalar_prefetch = 0 : i64, scratch_operands = 0 : i64, tpu.core_type = #tpu.core_type<tc>, window_params = [{transform_indices = @transform_0, window_bounds = array<i64: 1, 2000, 64>}, {transform_indices = @transform_1, window_bounds = array<i64: 1, 2000, 64>}, {transform_indices = @transform_2, window_bounds = array<i64: 2000, 128>}, {transform_indices = @transform_3, window_bounds = array<i64: 1, 2000, 16>}, {transform_indices = @transform_4, window_bounds = array<i64: 1, 2000, 16>}, {pipeline_mode = #tpu.pipeline_mode<synchronous>, transform_indices = @transform_5, window_bounds = array<i64: 1, 128>}, {pipeline_mode = #tpu.pipeline_mode<synchronous>, transform_indices = @transform_6, window_bounds = array<i64: 128, 16>}, {transform_indices = @transform_7, window_bounds = array<i64: 2000, 16>}]} {
    %get3A = arith.constant 0 : index
    %get3A_0 = arith.constant 0 : index
    %get3A_1 = arith.constant 0 : index
    %get3A_2 = vector.load %arg4[%get3A, %get3A_0, %get3A_1] : memref<1x2000x16xf32, #tpu.memory_space<vmem>>, vector<1x2000x1xf32>
    %get3A_3 = vector.shape_cast %get3A_2 : vector<1x2000x1xf32> to vector<2000x1xf32>
    %get3A_4 = arith.constant 0 : index
    %get3A_5 = arith.constant 0 : index
    %get3A_6 = arith.constant 0 : index
    %get3A_7 = vector.load %arg5[%get3A_4, %get3A_5, %get3A_6] : memref<1x2000x16xf32, #tpu.memory_space<vmem>>, vector<1x2000x1xf32>
    %get3A_8 = vector.shape_cast %get3A_7 : vector<1x2000x1xf32> to vector<2000x1xf32>
    %add3A = arith.addf %get3A_3, %get3A_8 : vector<2000x1xf32>
    %add3A_9 = arith.constant 1.000000e+00 : f32
    %add3A_10 = vector.broadcast %add3A_9 : f32 to vector<2000x1xf32>
    %add3A_11 = arith.addf %add3A, %add3A_10 : vector<2000x1xf32>
    %rsqrt3A = math.rsqrt %add3A_11 : vector<2000x1xf32>
    %get3A_12 = arith.constant 0 : index
    %get3A_13 = arith.constant 0 : index
    %get3A_14 = arith.constant 0 : index
    %get3A_15 = vector.load %arg1[%get3A_12, %get3A_13, %get3A_14] : memref<1x2000x64xf32, #tpu.memory_space<vmem>>, vector<1x2000x64xf32>
    %get3A_16 = vector.shape_cast %get3A_15 : vector<1x2000x64xf32> to vector<2000x64xf32>
    %get3A_17 = arith.constant 0 : index
    %get3A_18 = arith.constant 0 : index
    %get3A_19 = arith.constant 0 : index
    %get3A_20 = vector.load %arg2[%get3A_17, %get3A_18, %get3A_19] : memref<1x2000x64xf32, #tpu.memory_space<vmem>>, vector<1x2000x64xf32>
    %get3A_21 = vector.shape_cast %get3A_20 : vector<1x2000x64xf32> to vector<2000x64xf32>
    %concatenate3A = tpu.concatenate %get3A_16, %get3A_21 in 1 : vector<2000x64xf32>, vector<2000x64xf32> -> vector<2000x128xf32>
    %get3A_22 = arith.constant 0 : index
    %get3A_23 = arith.constant 0 : index
    %get3A_24 = vector.load %arg3[%get3A_22, %get3A_23] : memref<2000x128xf32, #tpu.memory_space<vmem>>, vector<2000x128xf32>
    %add3A_25 = arith.addf %concatenate3A, %get3A_24 : vector<2000x128xf32>
    %mul3A = vector.broadcast %rsqrt3A : vector<2000x1xf32> to vector<2000x128xf32>
    %mul3A_26 = arith.mulf %add3A_25, %mul3A : vector<2000x128xf32>
    %get3A_27 = arith.constant 0 : index
    %get3A_28 = arith.constant 0 : index
    %get3A_29 = vector.load %arg6[%get3A_27, %get3A_28] : memref<1x128xf32, #tpu.memory_space<vmem>>, vector<1x128xf32>
    %add3A_30 = vector.broadcast %get3A_29 : vector<1x128xf32> to vector<2000x128xf32>
    %add3A_31 = arith.addf %mul3A_26, %add3A_30 : vector<2000x128xf32>
    %max3A = arith.constant 0.000000e+00 : f32
    %max3A_32 = vector.broadcast %max3A : f32 to vector<2000x128xf32>
    %max3A_33 = arith.maximumf %add3A_31, %max3A_32 : vector<2000x128xf32>
    %get3A_34 = arith.constant 0 : index
    %get3A_35 = arith.constant 0 : index
    %get3A_36 = vector.load %arg7[%get3A_34, %get3A_35] : memref<128x16xf32, #tpu.memory_space<vmem>>, vector<128x16xf32>
    %dot_general3A = arith.constant dense<0.000000e+00> : vector<2000x16xf32>
    %dot_general3A_37 = tpu.matmul %max3A_33, %get3A_36, %dot_general3A {dimension_numbers = #tpu.dot_dimension_numbers<[1], [0], [0], [1], [0, 0, 1, 1], [], []>, transpose_lhs_hint = false} : vector<2000x128xf32>, vector<128x16xf32>, vector<2000x16xf32> -> vector<2000x16xf32>
    %mul3A_38 = vector.broadcast %rsqrt3A : vector<2000x1xf32> to vector<2000x16xf32>
    %mul3A_39 = arith.mulf %dot_general3A_37, %mul3A_38 : vector<2000x16xf32>
    %swap3A = arith.constant 0 : index
    %swap3A_40 = arith.constant 0 : index
    %swap3A_41 = vector.load %arg8[%swap3A, %swap3A_40] : memref<2000x16xf32, #tpu.memory_space<vmem>>, vector<2000x16xf32>
    tpu.vector_store %arg8[%swap3A, %swap3A_40], %mul3A_39 {strides = array<i32>} : memref<2000x16xf32, #tpu.memory_space<vmem>>, vector<2000x16xf32>,
    return
  }
  func.func @transform_0(%arg0: i32) -> (i32, i32, i32) {
    %c0_i32 = arith.constant 0 : i32
    %c0_i32_0 = arith.constant 0 : i32
    %c0_i32_1 = arith.constant 0 : i32
    return %c0_i32, %arg0, %c0_i32_0 : i32, i32, i32
  }
  func.func @transform_1(%arg0: i32) -> (i32, i32, i32) {
    %c1_i32 = arith.constant 1 : i32
    %c0_i32 = arith.constant 0 : i32
    %c0_i32_0 = arith.constant 0 : i32
    return %c1_i32, %arg0, %c0_i32 : i32, i32, i32
  }
  func.func @transform_2(%arg0: i32) -> (i32, i32) {
    %c0_i32 = arith.constant 0 : i32
    %c0_i32_0 = arith.constant 0 : i32
    return %arg0, %c0_i32 : i32, i32
  }
  func.func @transform_3(%arg0: i32) -> (i32, i32, i32) {
    %c0_i32 = arith.constant 0 : i32
    %c0_i32_0 = arith.constant 0 : i32
    %c0_i32_1 = arith.constant 0 : i32
    return %c0_i32, %arg0, %c0_i32_0 : i32, i32, i32
  }
  func.func @transform_4(%arg0: i32) -> (i32, i32, i32) {
    %c1_i32 = arith.constant 1 : i32
    %c0_i32 = arith.constant 0 : i32
    %c0_i32_0 = arith.constant 0 : i32
    return %c1_i32, %arg0, %c0_i32 : i32, i32, i32
  }
  func.func @transform_5(%arg0: i32) -> (i32, i32) {
    %c0_i32 = arith.constant 0 : i32
    %c0_i32_0 = arith.constant 0 : i32
    %c0_i32_1 = arith.constant 0 : i32
    return %c0_i32, %c0_i32_0 : i32, i32
  }
  func.func @transform_6(%arg0: i32) -> (i32, i32) {
    %c0_i32 = arith.constant 0 : i32
    %c0_i32_0 = arith.constant 0 : i32
    %c0_i32_1 = arith.constant 0 : i32
    return %c0_i32, %c0_i32_0 : i32, i32
  }
  func.func @transform_7(%arg0: i32) -> (i32, i32) {
    %c0_i32 = arith.constant 0 : i32
    %c0_i32_0 = arith.constant 0 : i32
    return %arg0, %c0_i32 : i32, i32
  }
}

module attributes {stable_mosaic.version = 14 : i64} {
  func.func @_final_body(%arg0: i32, %arg1: memref<1x2000x16xf32, #tpu.memory_space<vmem>>, %arg2: memref<1x2000x16xf32, #tpu.memory_space<vmem>>, %arg3: memref<2000x16xf32, #tpu.memory_space<vmem>>, %arg4: memref<1x2000x16xf32, #tpu.memory_space<vmem>>, %arg5: memref<1x2000x16xf32, #tpu.memory_space<vmem>>, %arg6: memref<1x16xf32, #tpu.memory_space<vmem>>, %arg7: memref<2000x16xf32, #tpu.memory_space<vmem>>) attributes {dimension_semantics = [#tpu.dimension_semantics<arbitrary>], iteration_bounds = array<i64: 5>, scalar_prefetch = 0 : i64, scratch_operands = 0 : i64, tpu.core_type = #tpu.core_type<tc>, window_params = [{transform_indices = @transform_0, window_bounds = array<i64: 1, 2000, 16>}, {transform_indices = @transform_1, window_bounds = array<i64: 1, 2000, 16>}, {transform_indices = @transform_2, window_bounds = array<i64: 2000, 16>}, {transform_indices = @transform_3, window_bounds = array<i64: 1, 2000, 16>}, {transform_indices = @transform_4, window_bounds = array<i64: 1, 2000, 16>}, {pipeline_mode = #tpu.pipeline_mode<synchronous>, transform_indices = @transform_5, window_bounds = array<i64: 1, 16>}, {transform_indices = @transform_6, window_bounds = array<i64: 2000, 16>}]} {
    %get3A = arith.constant 0 : index
    %get3A_0 = arith.constant 0 : index
    %get3A_1 = arith.constant 0 : index
    %get3A_2 = vector.load %arg4[%get3A, %get3A_0, %get3A_1] : memref<1x2000x16xf32, #tpu.memory_space<vmem>>, vector<1x2000x1xf32>
    %get3A_3 = vector.shape_cast %get3A_2 : vector<1x2000x1xf32> to vector<2000x1xf32>
    %get3A_4 = arith.constant 0 : index
    %get3A_5 = arith.constant 0 : index
    %get3A_6 = arith.constant 0 : index
    %get3A_7 = vector.load %arg5[%get3A_4, %get3A_5, %get3A_6] : memref<1x2000x16xf32, #tpu.memory_space<vmem>>, vector<1x2000x1xf32>
    %get3A_8 = vector.shape_cast %get3A_7 : vector<1x2000x1xf32> to vector<2000x1xf32>
    %add3A = arith.addf %get3A_3, %get3A_8 : vector<2000x1xf32>
    %add3A_9 = arith.constant 1.000000e+00 : f32
    %add3A_10 = vector.broadcast %add3A_9 : f32 to vector<2000x1xf32>
    %add3A_11 = arith.addf %add3A, %add3A_10 : vector<2000x1xf32>
    %rsqrt3A = math.rsqrt %add3A_11 : vector<2000x1xf32>
    %get3A_12 = arith.constant 0 : index
    %get3A_13 = arith.constant 0 : index
    %get3A_14 = arith.constant 0 : index
    %get3A_15 = vector.load %arg1[%get3A_12, %get3A_13, %get3A_14] : memref<1x2000x16xf32, #tpu.memory_space<vmem>>, vector<1x2000x16xf32>
    %get3A_16 = vector.shape_cast %get3A_15 : vector<1x2000x16xf32> to vector<2000x16xf32>
    %get3A_17 = arith.constant 0 : index
    %get3A_18 = arith.constant 0 : index
    %get3A_19 = arith.constant 0 : index
    %get3A_20 = vector.load %arg2[%get3A_17, %get3A_18, %get3A_19] : memref<1x2000x16xf32, #tpu.memory_space<vmem>>, vector<1x2000x16xf32>
    %get3A_21 = vector.shape_cast %get3A_20 : vector<1x2000x16xf32> to vector<2000x16xf32>
    %add3A_22 = arith.addf %get3A_16, %get3A_21 : vector<2000x16xf32>
    %get3A_23 = arith.constant 0 : index
    %get3A_24 = arith.constant 0 : index
    %get3A_25 = vector.load %arg3[%get3A_23, %get3A_24] : memref<2000x16xf32, #tpu.memory_space<vmem>>, vector<2000x16xf32>
    %add3A_26 = arith.addf %add3A_22, %get3A_25 : vector<2000x16xf32>
    %mul3A = vector.broadcast %rsqrt3A : vector<2000x1xf32> to vector<2000x16xf32>
    %mul3A_27 = arith.mulf %add3A_26, %mul3A : vector<2000x16xf32>
    %get3A_28 = arith.constant 0 : index
    %get3A_29 = arith.constant 0 : index
    %get3A_30 = vector.load %arg6[%get3A_28, %get3A_29] : memref<1x16xf32, #tpu.memory_space<vmem>>, vector<1x16xf32>
    %add3A_31 = vector.broadcast %get3A_30 : vector<1x16xf32> to vector<2000x16xf32>
    %add3A_32 = arith.addf %mul3A_27, %add3A_31 : vector<2000x16xf32>
    %reduce_max3A = arith.constant dense<0xFF800000> : vector<2000xf32>
    %reduce_max3A_33 = vector.multi_reduction <maximumf>, %add3A_32, %reduce_max3A [1] : vector<2000x16xf32> to vector<2000xf32>
    %broadcast_in_dim3A = vector.shape_cast %reduce_max3A_33 : vector<2000xf32> to vector<2000x1xf32>
    %sub3A = vector.broadcast %broadcast_in_dim3A : vector<2000x1xf32> to vector<2000x16xf32>
    %sub3A_34 = arith.subf %add3A_32, %sub3A : vector<2000x16xf32>
    %exp3A = math.exp %sub3A_34 : vector<2000x16xf32>
    %reduce_sum3A = arith.constant dense<0.000000e+00> : vector<2000xf32>
    %reduce_sum3A_35 = vector.multi_reduction <add>, %exp3A, %reduce_sum3A [1] : vector<2000x16xf32> to vector<2000xf32>
    %broadcast_in_dim3A_36 = vector.shape_cast %reduce_sum3A_35 : vector<2000xf32> to vector<2000x1xf32>
    %log3A = math.log %broadcast_in_dim3A_36 : vector<2000x1xf32>
    %sub3A_37 = vector.broadcast %log3A : vector<2000x1xf32> to vector<2000x16xf32>
    %sub3A_38 = arith.subf %sub3A_34, %sub3A_37 : vector<2000x16xf32>
    %swap3A = arith.constant 0 : index
    %swap3A_39 = arith.constant 0 : index
    %swap3A_40 = vector.load %arg7[%swap3A, %swap3A_39] : memref<2000x16xf32, #tpu.memory_space<vmem>>, vector<2000x16xf32>
    tpu.vector_store %arg7[%swap3A, %swap3A_39], %sub3A_38 {strides = array<i32>} : memref<2000x16xf32, #tpu.memory_space<vmem>>, vector<2000x16xf32>,
    return
  }
  func.func @transform_0(%arg0: i32) -> (i32, i32, i32) {
    %c0_i32 = arith.constant 0 : i32
    %c0_i32_0 = arith.constant 0 : i32
    %c0_i32_1 = arith.constant 0 : i32
    return %c0_i32, %arg0, %c0_i32_0 : i32, i32, i32
  }
  func.func @transform_1(%arg0: i32) -> (i32, i32, i32) {
    %c1_i32 = arith.constant 1 : i32
    %c0_i32 = arith.constant 0 : i32
    %c0_i32_0 = arith.constant 0 : i32
    return %c1_i32, %arg0, %c0_i32 : i32, i32, i32
  }
  func.func @transform_2(%arg0: i32) -> (i32, i32) {
    %c0_i32 = arith.constant 0 : i32
    %c0_i32_0 = arith.constant 0 : i32
    return %arg0, %c0_i32 : i32, i32
  }
  func.func @transform_3(%arg0: i32) -> (i32, i32, i32) {
    %c0_i32 = arith.constant 0 : i32
    %c0_i32_0 = arith.constant 0 : i32
    %c0_i32_1 = arith.constant 0 : i32
    return %c0_i32, %arg0, %c0_i32_0 : i32, i32, i32
  }
  func.func @transform_4(%arg0: i32) -> (i32, i32, i32) {
    %c1_i32 = arith.constant 1 : i32
    %c0_i32 = arith.constant 0 : i32
    %c0_i32_0 = arith.constant 0 : i32
    return %c1_i32, %arg0, %c0_i32 : i32, i32, i32
  }
  func.func @transform_5(%arg0: i32) -> (i32, i32) {
    %c0_i32 = arith.constant 0 : i32
    %c0_i32_0 = arith.constant 0 : i32
    %c0_i32_1 = arith.constant 0 : i32
    return %c0_i32, %c0_i32_0 : i32, i32
  }
  func.func @transform_6(%arg0: i32) -> (i32, i32) {
    %c0_i32 = arith.constant 0 : i32
    %c0_i32_0 = arith.constant 0 : i32
    return %arg0, %c0_i32 : i32, i32
  }
}

</mosaic_0001>

<sc_bundles>
// kernel: kernel.11.cloned.1.call-start
scs
__scs_entry_jumppad:
0x0: {  	(pc) =	sbr.rel $0x88, $3  }
0x1: {  	(tag) =	ssettag $0x0;
	lr =	simm.s32 $0x1  }
0x2: {  	[smem:$0x3F9B] =	sst lr;
	_ =	strace $0xD0000000  }
0x3: {  	_ = 	snop  }
0x4: {  	_ = 	snop  }
0x5: {  	_ = 	snop  }
0x6: {  	_ = 	snop  }
0x7: {  	_ = 	snop  }
__scs_overlays_trampoline_lowered:
0x8: {  	[smem:$0x3FAA] =	sst s0  }
0x9: {  	[smem:$0x3FAB] =	sst s1  }
0xa: {  	[smem:$0x3FAC] =	sst s2  }
0xb: {  	[smem:$0x3FAD] =	sst s3  }
0xc: {  	[smem:$0x3FAE] =	sst s4  }
0xd: {  	[smem:$0x3FAF] =	sst s5  }
0xe: {  	[smem:$0x3FB0] =	sst s6  }
0xf: {  	[smem:$0x3FB1] =	sst s7  }
0x10: {  	[smem:$0x3FB2] =	sst s8  }
0x11: {  	[smem:$0x3FB3] =	sst s9;
	s0 =	simm.s32 @!p0 $0x0  }
0x12: {  	s1 =	sld [smem:$0x3F99];
	s0 =	simm.s32 @p0 $0x1  }
0x13: {  	[smem:$0x3FB4] =	sst s0;
	s0 =	simm.s32 @!p1 $0x0  }
0x14: {  	s2 =	sld [smem:$0x3F98];
	s0 =	simm.s32 @p1 $0x1  }
0x15: {  	[smem:$0x3FB5] =	sst s0;
	s0 =	simm.s32 @!p2 $0x0  }
0x16: {  	s3 =	sld [smem:$0x3FDB];
	s0 =	simm.s32 @p2 $0x1  }
0x17: {  	s4 =	simm.s32 $0x1BF5;
	[smem:$0x3FB7] =	sst s0  }
0x18: {  	s0 =	sld [smem:$0x3F9A];
	_ =	swait.ge [sflag:s4], $0x0  }
0x19: {  	s7 =	sld [smem:$0x3F9B]  }
0x1a: {  	s8 =	sadd.s32 $0xFFFFE003, lr  }
0x1b: {  	s9 =	sadd.s32 $0xFFFFFEF7, lr;
	s5 =	simm.s32 $0xFFFFFFFF;
	p2 =	slt.u32 s8, $0xFFFFF086  }
0x1c: {  	p1 =	slt.u32 s9, $0xF7A;
	s5 =	simm.s32 @!p2 $0x0  }
0x1d: {  	s5 =	simm.s32 @p1 $0x1;
	p0 =	seq.s32 s7, s2  }
0x1e: {  	s7 =	smul.u32 @!p0 $0xF7A, s2;
	p2 =	seq.s32 @!p0 s5, $0x0  }
0x1f: {  	s9 =	smul.u32 $0xF7A, s1;
	s8 =	simm.s32 @!p0 $0x1BF5;
	p2 =	por !p2, p0  }
0x20: {  	[sflag:s8] =	ssyncset.s32 @!p0 $0xFFFFF086;
	s6 =	sadd.s32 @!p0 s3, s7;
	s7 =	simm.s32 @!p0 $0x108  }
0x21: {  	s3 =	sadd.s32 s3, s9;
	s6 =	sadd.s32 @!p0 $0x88, s6;
	s7 =	simm.s32 @p2 $0x1082  }
0x22: {  	[simem:s7], [sflag:s8] =	dma.local @!p0 [hbm:s6], $0xF7A  }
0x23: {  	s9 =	sor.u32 $0xD0000000, s2;
	s6 =	simm.s32 $0x108;
	_ =	swait.ge @!p0 [sflag:s8], $0x0  }
0x24: {  	s3 =	sadd.s32 $0x88, s3;
	s6 =	simm.s32 @!p1 $0x1082;
	[sflag:s4] =	ssyncset.s32 $0xFFFFF086  }
0x25: {  	[simem:s6], [sflag:s4] =	dma.local [hbm:s3], $0xF7A  }
0x26: {  	[smem:$0x3F9B] =	sst s1;
	(tag) =	ssettag s2;
	_ =	strace s9  }
0x27: {  	s1 =	sld [smem:$0x3FAB]  }
0x28: {  	s2 =	sld [smem:$0x3FAC]  }
0x29: {  	s4 =	sld [smem:$0x3FAE]  }
0x2a: {  	p0 =	seq.s32 s5, $0x0;
	s5 =	sld [smem:$0x3FAF]  }
0x2b: {  	s6 =	sld [smem:$0x3FB0]  }
0x2c: {  	s7 =	sld [smem:$0x3FB1]  }
0x2d: {  	s3 =	simm.s32 $0x108;
	s8 =	sld [smem:$0x3FB2]  }
0x2e: {  	s3 =	simm.s32 @!p0 $0x1082;
	s9 =	sld [smem:$0x3FB3]  }
0x2f: {  	lr =	sadd.s32 s0, s3;
	s0 =	sld [smem:$0x3FAA]  }
0x30: {  	s3 =	sld [smem:$0x3FAD]  }
0x31: {  	[smem:$0x3FB6] =	sst s10  }
0x32: {  	s10 =	sld [smem:$0x3FB4];
	_ =	sdelay $0x3  }
0x33: {  	p0 =	seq.s32 s10, $0x1;
	s10 =	sld [smem:$0x3FB6];
	_ =	sdelay $0x3  }
0x34: {  	[smem:$0x3FB6] =	sst s10  }
0x35: {  	s10 =	sld [smem:$0x3FB5];
	_ =	sdelay $0x3  }
0x36: {  	p1 =	seq.s32 s10, $0x1;
	s10 =	sld [smem:$0x3FB6];
	_ =	sdelay $0x3  }
0x37: {  	[smem:$0x3FB6] =	sst s10  }
0x38: {  	s10 =	sld [smem:$0x3FB7]  }
0x39: {  	_ = 	snop;
	(pc) =	sbr.ind lr, $3  }
0x3a: {  	_ = 	snop  }
0x3b: {  	_ = 	snop  }
0x3c: {  	p2 =	seq.s32 s10, $0x1;
	s10 =	sld [smem:$0x3FB6]  }
0x3d: {  	_ =	shalt  }
0x3e: {  	_ =	shalt  }
0x3f: {  	_ =	shalt  }
0x40: {  	_ =	shalt  }
0x41: {  	_ =	shalt  }
0x42: {  	_ =	shalt  }
0x43: {  	_ =	shalt  }
0x44: {  	_ =	shalt  }
0x45: {  	_ =	shalt  }
0x46: {  	_ =	shalt  }
0x47: {  	_ =	shalt  }
0x48: {  	_ =	shalt  }
0x49: {  	_ =	shalt  }
0x4a: {  	_ =	shalt  }
0x4b: {  	_ =	shalt  }
0x4c: {  	_ =	shalt  }
0x4d: {  	_ =	shalt  }
0x4e: {  	_ =	shalt  }
0x4f: {  	_ =	shalt  }
0x50: {  	_ =	shalt  }
0x51: {  	_ =	shalt  }
0x52: {  	_ =	shalt  }
0x53: {  	_ =	shalt  }
0x54: {  	_ =	shalt  }
0x55: {  	_ =	shalt  }
0x56: {  	_ =	shalt  }
0x57: {  	_ =	shalt  }
0x58: {  	_ =	shalt  }
0x59: {  	_ =	shalt  }
0x5a: {  	_ =	shalt  }
0x5b: {  	_ =	shalt  }
0x5c: {  	_ =	shalt  }
0x5d: {  	_ =	shalt  }
0x5e: {  	_ =	shalt  }
0x5f: {  	_ =	shalt  }
0x60: {  	_ =	shalt  }
0x61: {  	_ =	shalt  }
0x62: {  	_ =	shalt  }
0x63: {  	_ =	shalt  }
0x64: {  	_ =	shalt  }
0x65: {  	_ =	shalt  }
0x66: {  	_ =	shalt  }
0x67: {  	_ =	shalt  }
0x68: {  	_ =	shalt  }
0x69: {  	_ =	shalt  }
0x6a: {  	_ =	shalt  }
0x6b: {  	_ =	shalt  }
0x6c: {  	_ =	shalt  }
0x6d: {  	_ =	shalt  }
0x6e: {  	_ =	shalt  }
0x6f: {  	_ =	shalt  }
0x70: {  	_ =	shalt  }
0x71: {  	_ =	shalt  }
0x72: {  	_ =	shalt  }
0x73: {  	_ =	shalt  }
0x74: {  	_ =	shalt  }
0x75: {  	_ =	shalt  }
0x76: {  	_ =	shalt  }
0x77: {  	_ =	shalt  }
0x78: {  	_ =	shalt  }
0x79: {  	_ =	shalt  }
0x7a: {  	_ =	shalt  }
0x7b: {  	_ =	shalt  }
0x7c: {  	_ =	shalt  }
0x7d: {  	_ =	shalt  }
0x7e: {  	_ =	shalt  }
0x7f: {  	_ =	shalt  }
0x80: {  	_ =	shalt  }
0x81: {  	_ =	shalt  }
0x82: {  	_ =	shalt  }
0x83: {  	_ =	shalt  }
0x84: {  	_ =	shalt  }
0x85: {  	_ =	shalt  }
0x86: {  	_ =	shalt  }
0x87: {  	_ =	shalt  }
.Lfunc_end0:
.L_simem_size_0:
called_computation.1_lowered:
.L_overlay_start_0:
0x88: {  	s2 =	sld [smem:$0x3FD9]  }
0x89: {  	s3 =	sld [smem:$0x3FFE];
	_ =	sdelay $0x1  }
0x8a: {  	s1 =	srdreg.scid  }
0x8b: {  	s0 =	sand.u32 $0x1, s1  }
0x8c: {  	s16 =	sshll.u32 s0, $0xA;
	s2 =	sadd.s32 s3, s2  }
0x8d: {  	s2 =	sadd.s32 s2, s16  }
0x8e: {  	[smem:$0x3FC2] =	sst s2  }
0x8f: {  	_ = 	snop  }
0x90: {  	(tm) =	ssettm $0x1  }
0x91: {  	s17 =	sld [smem:$0x3FFB];
	_ =	sdelay $0x3  }
0x92: {  	_ =	strace s17  }
0x93: {  	s2 =	sld [smem:$0x3FFC];
	_ =	sdelay $0x3  }
0x94: {  	_ =	strace s2  }
0x95: {  	s2 =	sld [smem:$0x3FFD];
	_ =	sdelay $0x3  }
0x96: {  	_ =	strace s2  }
0x97: {  	_ =	strace $0x8FFFFFFF  }
0x98: {  	s18 =	sld [smem:$0x3FDB];
	_ =	sdelay $0x1  }
0x99: {  	s19 =	simm.s32 $_scs_section_size  }
0x9a: {  	s4 =	simm.s32 $_size__tile_overlayer_lowered;
	s5 =	simm.s32 $_tile_overlayer_lowered  }
0x9b: {  	s22 =	simm.s32 $0x1BFF;
	s21 =	sshll.u32 s5, $0x1;
	s2 =	sadd.s32 s19, s18  }
0x9c: {  	s6 =	simm.s32 $0x0;
	s20 =	sshll.u32 s4, $0x1;
	s4 =	sadd.s32 s21, s2  }
0x9d: {  	[timem:s6], [sflag:s22] =	dma.local [hbm:s4], s20  }
0x9e: {  	_ =	swait.ge [sflag:s22], s20  }
0x9f: {  	s3 =	ssub.s32 $0x0, s20;
	[sflag:s22] =	ssyncset.done $0x0  }
0xa0: {  	[sflag:s22] =	ssyncadd.s32 s3;
	_ =	sdelay $0x1  }
0xa1: {  	s23 =	simm.s32 $0x1B8B  }
0xa2: {  	_ =	swait.ge [sflag:s23], $0x1  }
0xa3: {  	[sflag:s23] =	ssyncset.done $0x0  }
0xa4: {  	s25 =	simm.s32 $0x1B8E;
	s24 =	sld [smem:$0x3FFE];
	[sflag:s23] =	ssyncadd.s32 $0xFFFFFFFF  }
0xa5: {  	s26 =	simm.s32 $execute0_lowered;
	[smem:$0x3FD2] =	sst s25  }
0xa6: {  	s4 =	sshll.u32 s26, $0x1;
	_ =	strace $0x80000049;
	[dreg:$0x1] =	wrdreg $0xFFFFFFFF  }
0xa7: {  	s28 =	simm.s32 $_size_execute0_lowered;
	s2 =	sadd.s32 s2, s4;
	[dreg:$0x0] =	wrdreg $0x0  }
0xa8: {  	s4 =	sshll.u32 s28, $0x1;
	[dreg:$0x2] =	wrdreg s2  }
0xa9: {  	[dreg:$0x3] =	wrdreg s4  }
0xaa: {  	[dreg:$0x4] =	wrdreg $0xC0  }
0xab: {  	_ =	task [dreg:s6], $0x5FFFF  }
0xac: {  	[dreg:$0x1] =	wrdreg $0xFFFFFFFF  }
0xad: {  	[dreg:$0x0] =	wrdreg $0x60  }
0xae: {  	[dreg:$0x2] =	wrdreg s24  }
0xaf: {  	[dreg:$0x3] =	wrdreg $0x120400  }
0xb0: {  	[dreg:$0x4] =	wrdreg $0x9  }
0xb1: {  	_ =	task.clear_ibuf [dreg:s6], $0x5FFFF;
	_ =	strace $0x90000049  }
0xb2: {  	s29 =	simm.s32 $0x9;
	_ =	strace $0x8000004B  }
0xb3: {  	_ =	swait.ge [sflag:s29], $0x1  }
0xb4: {  	[sflag:s29] =	ssyncadd.s32 $0xFFFFFFFF  }
0xb5: {  	_ =	strace $0x9000004B  }
0xb6: {  	_ =	sfence  }
0xb7: {  	s30 =	sld [smem:$0x0];
	_ =	sdelay $0x2  }
0xb8: {  	s31 =	sshll.u32 s1, $0xD;
	s1 =	sshrl.u32 s1, $0x2  }
0xb9: {  	s3 =	sand.u32 $0x4000, s31;
	s1 =	sadd.s32 s1, s30  }
0xba: {  	s0 =	sor.u32 s3, s0;
	s1 =	sshll.u32 s1, $0x11  }
0xbb: {  	s0 =	sor.u32 s1, s0  }
0xbc: {  	s0 =	sadd.s32 $0x8F2B, s0  }
0xbd: {  	[sflag:s0] =	ssyncadd.remote.s32 $0x1  }
0xbe: {  	_ =	sfence.sel $0xFFFF  }
0xbf: {  	[dreg:$0x0] =	wrdreg $0xFFFFFFFF;
	(pc) =	sbr.abs _section_cstart, $3  }
0xc0: {  	[dreg:$0x1] =	wrdreg $0xFFFFFFFF  }
0xc1: {  	_ =	task.clear_ibuf [dreg:s6], $0x2FFFF;
	_ =	strace $0x9FFFFFFF  }
0xc2: {  	(tm) =	ssettm $0x7FFFFFFF  }
0xc3: {  	_ =	shalt  }
tec
execute0_lowered:
.L_overlay_start_1:
0x0: {  	(tag) =	ssettag $0x1  }
0x1: {  	s0 =	srdreg.scid;
	s1 =	rddreg [dreg:$0x0]  }
0x2: {  	s8 =	stileid.u32;
	s2 =	rddreg [dreg:$0x1];
	s17 =	simm.s32 $0x9C40  }
0x3: {  	s18 =	simm.s32 $0xB040;
	s28 =	simm.s32 $0xD840;
	s29 =	simm.s32 $0x1  }
0x4: {  	s30 =	simm.s32 $0xEC40;
	s0 =	sand.u32 $0x1, s0;
	s6 =	smul.u32 $0x9C4, s8  }
0x5: {  	s31 =	simm.s32 $0x2;
	s10 =	smul.u32 $0xA000, s8;
	s3 =	sshll.u32 s0, $0x4  }
0x6: {  	s7 =	smul.u32 $0x14000, s0;
	s0 =	ssub.s32 $0x2, s0;
	s4 =	sor.u32 s8, s3  }
0x7: {  	s3 =	simm.s32 $0x0;
	s12 =	sadd.s32 s6, s1;
	s24 =	sshrl.u32 s0, $0x1  }
0x8: {  	s13 =	sadd.s32 $0x2000, s10;
	s14 =	sadd.s32 $0x4000, s10;
	s15 =	sadd.s32 $0x6000, s10  }
0x9: {  	s16 =	sadd.s32 $0x8000, s10;
	s5 =	smul.u32 $0x9C4, s4;
	[smem:$0x7FF] =	sst s3  }
0xa: {  	s4 =	sadd.s32 $0x82A00, s1;
	s0 =	ssub.s32 s0, s24;
	s6 =	sadd.s32 s13, s2  }
0xb: {  	s8 =	sadd.s32 s15, s2;
	s9 =	sadd.s32 s16, s2;
	s25 =	sadd.s32 $0xB200, s12  }
0xc: {  	s26 =	sshrl.u32 s13, $0x3;
	s19 =	sshrl.u32 s14, $0x3;
	s15 =	sshrl.u32 s15, $0x3  }
0xd: {  	s24 =	sshrl.u32 s16, $0x3;
	s13 =	simm.s32 $0x10040;
	s16 =	simm.s32 $0x50  }
0xe: {  	_ =	strace $0x8000004A;
	[dreg:$0x4] =	wrdreg s25;
	s0 =	smax.u32 s0, $0x1  }
0xf: {  	s25 =	simm.s32 $0xC440;
	s11 =	sadd.s32 s5, s1;
	s1 =	sadd.s32 s7, s1  }
0x10: {  	s5 =	sadd.s32 s10, s2;
	s7 =	sadd.s32 s14, s2;
	s10 =	sshrl.u32 s10, $0x3  }
0x11: {  	[dreg:$0x5] =	wrdreg s0;
	s14 =	simm.s32 $0x6;
	s11 =	sadd.s32 $0x1F000, s11  }
0x12: {  	s0 =	simm.s32 $0x4;
	s1 =	sadd.s32 $0xA9C00, s1;
	[dreg:$0x3] =	wrdreg s11  }
0x13: {  	s20 =	sadd.s32 s10, s1;
	s21 =	sadd.s32 s26, s1;
	s22 =	sadd.s32 s19, s1  }
0x14: {  	s23 =	sadd.s32 s15, s1;
	s24 =	sadd.s32 s24, s1;
	s1 =	simm.s32 $0x3  }
0x15: {  	v0 =	vimm.f32 $0.0e+00;
	s15 =	simm.s32 $0x5;
	s19 =	simm.s32 $0x4DD0;
	s26 =	simm.s32 $0x0  }
.LBB2_1:
0x16: {  	s11 =	simm.s32 $0x100;
	s10 =	simm.s32 $0x0  }
.LBB2_2:
0x17: {  	p0 =	sne.s32 s11, $0x7F00;
	[tilespmem:s10+$0x10070] =	vst v0;
	s12 =	smov.u32 s11;
	s11 =	sadd.s32 $0x100, s11  }
.Ltmp0:
0x18: {  	[tilespmem:s10+$0x10060] =	vst v0;
	(pc) =	sbr.rel @p0 .LBB2_2-.Ltmp0, $3  }
0x19: {  	[tilespmem:s10+$0x10040] =	vst v0  }
0x1a: {  	[tilespmem:s10+$0x10050] =	vst v0;
	_ =	sdelay $0x1  }
0x1b: {  	s10 =	sshra.s32 s12, $0x2  }
0x1c: {  	[tilespmem:s10+$0x10070] =	vst v0  }
0x1d: {  	[tilespmem:s10+$0x10060] =	vst v0  }
0x1e: {  	[tilespmem:s10+$0x10040] =	vst v0  }
0x1f: {  	[tilespmem:s10+$0x10050] =	vst v0  }
0x20: {  	[spmem:s5] =	stream.linear.scatter [tilespmem:s13], [sflag:$0x6], $0x2000, $0x38;
	[tilespmem:$0x1C040] =	vst v63  }
0x21: {  	_ =	swait.ge [sflag:s14], $0x2000  }
0x22: {  	[sflag:s14] =	ssyncset.done $0x0  }
0x23: {  	[sflag:s14] =	ssyncadd.s32 $0xFFFFE000  }
0x24: {  	[spmem:s6] =	stream.linear.scatter [tilespmem:s13], [sflag:$0x6], $0x2000, $0x38;
	[tilespmem:$0x1C040] =	vst v63  }
0x25: {  	_ =	swait.ge [sflag:s14], $0x2000  }
0x26: {  	[sflag:s14] =	ssyncset.done $0x0  }
0x27: {  	[sflag:s14] =	ssyncadd.s32 $0xFFFFE000  }
0x28: {  	[spmem:s7] =	stream.linear.scatter [tilespmem:s13], [sflag:$0x6], $0x2000, $0x38;
	[tilespmem:$0x1C040] =	vst v63  }
0x29: {  	_ =	swait.ge [sflag:s14], $0x2000  }
0x2a: {  	[sflag:s14] =	ssyncset.done $0x0  }
0x2b: {  	[sflag:s14] =	ssyncadd.s32 $0xFFFFE000  }
0x2c: {  	[spmem:s8] =	stream.linear.scatter [tilespmem:s13], [sflag:$0x6], $0x2000, $0x38;
	[tilespmem:$0x1C040] =	vst v63  }
0x2d: {  	_ =	swait.ge [sflag:s14], $0x2000  }
0x2e: {  	[sflag:s14] =	ssyncset.done $0x0  }
0x2f: {  	[sflag:s14] =	ssyncadd.s32 $0xFFFFE000  }
0x30: {  	[spmem:s9] =	stream.linear.scatter [tilespmem:s13], [sflag:$0x6], $0x2000, $0x38;
	[tilespmem:$0x1C040] =	vst v63  }
0x31: {  	_ =	swait.ge [sflag:s14], $0x2000  }
0x32: {  	[sflag:s14] =	ssyncset.done $0x0  }
0x33: {  	s10 =	simm.s32 $0x0;
	s11 =	rddreg [dreg:$0x3];
	[sflag:s14] =	ssyncadd.s32 $0xFFFFE000  }
0x34: {  	[tilespmem:s10], [sflag:$0x6] =	stream.linear.gather [hbm4b:s11+s10], $0x4E20, $0x38;
	[tilespmem:$0x1C040] =	vst v63  }
0x35: {  	_ =	swait.ge [sflag:s14], $0x4E20  }
0x36: {  	[sflag:s14] =	ssyncset.done $0x0  }
0x37: {  	s12 =	simm.s32 $0x4E20;
	s11 =	rddreg [dreg:$0x4];
	[sflag:s14] =	ssyncadd.s32 $0xFFFFB1E0  }
0x38: {  	[tilespmem:s12], [sflag:$0x6] =	stream.linear.gather [hbm4b:s11+s10], $0x4E20, $0x38;
	[tilespmem:$0x1C040] =	vst v63  }
0x39: {  	_ =	swait.ge [sflag:s14], $0x4E20  }
0x3a: {  	[sflag:s14] =	ssyncset.done $0x0  }
0x3b: {  	[sflag:s14] =	ssyncadd.s32 $0xFFFFB1E0  }
0x3c: {  	[bflag:$0x0] =	sbarrier.arrive $0xFFFF  }
0x3d: {  	[tilespmem:s17], [sflag:$0x1] =	stream.indirect.gather [hbm4b:s4+s16], $0x40, s10, s16, $0xb8;
	[tilespmem:$0x1C040] =	vst v63  }
0x3e: {  	_ = 	snop  }
0x3f: {  	[tilespmem:s18], [sflag:$0x2] =	stream.indirect.gather [hbm4b:s4+s16], $0x40, s16, s16, $0xb8;
	[tilespmem:$0x1C040] =	vst v63  }
0x40: {  	s11 =	simm.s32 $0xA0  }
0x41: {  	[tilespmem:s25], [sflag:$0x3] =	stream.indirect.gather [hbm4b:s4+s16], $0x40, s11, s16, $0xb8;
	[tilespmem:$0x1C040] =	vst v63  }
0x42: {  	s12 =	simm.s32 $0xF0  }
0x43: {  	[tilespmem:s28], [sflag:$0x4] =	stream.indirect.gather [hbm4b:s4+s16], $0x40, s12, s16, $0xb8;
	[tilespmem:$0x1C040] =	vst v63  }
0x44: {  	_ =	swait.ge [sflag:s29], $0x1400  }
0x45: {  	[sflag:s29] =	ssyncset.done $0x0  }
0x46: {  	s11 =	simm.s32 $0x140;
	[sflag:s29] =	ssyncadd.s32 $0xFFFFEC00  }
0x47: {  	[tilespmem:s30], [sflag:$0x5] =	stream.indirect.gather [hbm4b:s4+s16], $0x40, s11, s16, $0xb8;
	[tilespmem:$0x1C040] =	vst v63  }
0x48: {  	s12 =	simm.s32 $0x4E20  }
0x49: {  	[spmem:s2] =	stream.indirect.scatter.add.f32 [tilespmem:s17], [sflag:$0x6], $0x40, s12, s16, $0xb8;
	[tilespmem:$0x1C040] =	vst v63  }
0x4a: {  	_ =	swait.ge [sflag:s14], $0x1400  }
0x4b: {  	[sflag:s14] =	ssyncset.done $0x0  }
0x4c: {  	[sflag:s14] =	ssyncadd.s32 $0xFFFFEC00  }
0x4d: {  	_ =	swait.ge [sflag:s31], $0x1400  }
0x4e: {  	[sflag:s31] =	ssyncset.done $0x0  }
0x4f: {  	s11 =	simm.s32 $0x190;
	[sflag:s31] =	ssyncadd.s32 $0xFFFFEC00  }
0x50: {  	[tilespmem:s17], [sflag:$0x1] =	stream.indirect.gather [hbm4b:s4+s16], $0x40, s11, s16, $0xb8;
	[tilespmem:$0x1C040] =	vst v63  }
0x51: {  	s12 =	simm.s32 $0x4E70  }
0x52: {  	[spmem:s2] =	stream.indirect.scatter.add.f32 [tilespmem:s18], [sflag:$0x6], $0x40, s12, s16, $0xb8;
	[tilespmem:$0x1C040] =	vst v63  }
0x53: {  	_ =	swait.ge [sflag:s14], $0x1400  }
0x54: {  	[sflag:s14] =	ssyncset.done $0x0  }
0x55: {  	[sflag:s14] =	ssyncadd.s32 $0xFFFFEC00  }
0x56: {  	_ =	swait.ge [sflag:s1], $0x1400  }
0x57: {  	[sflag:s1] =	ssyncset.done $0x0  }
0x58: {  	s11 =	simm.s32 $0x1E0;
	[sflag:s1] =	ssyncadd.s32 $0xFFFFEC00  }
0x59: {  	[tilespmem:s18], [sflag:$0x2] =	stream.indirect.gather [hbm4b:s4+s16], $0x40, s11, s16, $0xb8;
	[tilespmem:$0x1C040] =	vst v63  }
0x5a: {  	s12 =	simm.s32 $0x4EC0  }
0x5b: {  	[spmem:s2] =	stream.indirect.scatter.add.f32 [tilespmem:s25], [sflag:$0x6], $0x40, s12, s16, $0xb8;
	[tilespmem:$0x1C040] =	vst v63  }
0x5c: {  	_ =	swait.ge [sflag:s14], $0x1400  }
0x5d: {  	[sflag:s14] =	ssyncset.done $0x0  }
0x5e: {  	[sflag:s14] =	ssyncadd.s32 $0xFFFFEC00  }
0x5f: {  	_ =	swait.ge [sflag:s0], $0x1400  }
0x60: {  	[sflag:s0] =	ssyncset.done $0x0  }
0x61: {  	s11 =	simm.s32 $0x230;
	[sflag:s0] =	ssyncadd.s32 $0xFFFFEC00  }
0x62: {  	[tilespmem:s25], [sflag:$0x3] =	stream.indirect.gather [hbm4b:s4+s16], $0x40, s11, s16, $0xb8;
	[tilespmem:$0x1C040] =	vst v63  }
0x63: {  	s12 =	simm.s32 $0x4F10  }
0x64: {  	[spmem:s2] =	stream.indirect.scatter.add.f32 [tilespmem:s28], [sflag:$0x6], $0x40, s12, s16, $0xb8;
	[tilespmem:$0x1C040] =	vst v63  }
0x65: {  	_ =	swait.ge [sflag:s14], $0x1400  }
0x66: {  	[sflag:s14] =	ssyncset.done $0x0  }
0x67: {  	[sflag:s14] =	ssyncadd.s32 $0xFFFFEC00  }
0x68: {  	_ =	swait.ge [sflag:s15], $0x1400  }
0x69: {  	[sflag:s15] =	ssyncset.done $0x0  }
0x6a: {  	s11 =	simm.s32 $0x280;
	[sflag:s15] =	ssyncadd.s32 $0xFFFFEC00  }
0x6b: {  	[tilespmem:s28], [sflag:$0x4] =	stream.indirect.gather [hbm4b:s4+s16], $0x40, s11, s16, $0xb8;
	[tilespmem:$0x1C040] =	vst v63  }
0x6c: {  	s12 =	simm.s32 $0x4F60  }
0x6d: {  	[spmem:s2] =	stream.indirect.scatter.add.f32 [tilespmem:s30], [sflag:$0x6], $0x40, s12, s16, $0xb8;
	[tilespmem:$0x1C040] =	vst v63  }
0x6e: {  	_ =	swait.ge [sflag:s14], $0x1400  }
0x6f: {  	s10 =	simm.s32 $0x640;
	[sflag:s14] =	ssyncset.done $0x0  }
.LBB2_4:
0x70: {  	p0 =	sne.s32 s10, $0x12C00  }
0x71: {  	[sflag:s14] =	ssyncadd.s32 $0xFFFFEC00;
	s11 =	smov.u32 s10;
	s10 =	sadd.s32 $0x640, s10  }
0x72: {  	_ = 	snop  }
0x73: {  	_ =	swait.ge [sflag:s29], $0x1400  }
0x74: {  	s11 =	sshra.s32 s11, $0x2;
	[sflag:s29] =	ssyncset.done $0x0  }
0x75: {  	s12 =	sadd.s32 $0x140, s11;
	[sflag:s29] =	ssyncadd.s32 $0xFFFFEC00  }
0x76: {  	[tilespmem:s30], [sflag:$0x5] =	stream.indirect.gather [hbm4b:s4+s16], $0x40, s12, s16, $0xb8;
	[tilespmem:$0x1C040] =	vst v63  }
0x77: {  	s12 =	sadd.s32 $0x4E20, s11  }
0x78: {  	[spmem:s2] =	stream.indirect.scatter.add.f32 [tilespmem:s17], [sflag:$0x6], $0x40, s12, s16, $0xb8;
	[tilespmem:$0x1C040] =	vst v63  }
0x79: {  	_ =	swait.ge [sflag:s14], $0x1400  }
0x7a: {  	[sflag:s14] =	ssyncset.done $0x0  }
0x7b: {  	[sflag:s14] =	ssyncadd.s32 $0xFFFFEC00  }
0x7c: {  	_ =	swait.ge [sflag:s31], $0x1400  }
0x7d: {  	[sflag:s31] =	ssyncset.done $0x0  }
0x7e: {  	s12 =	sadd.s32 $0x190, s11;
	[sflag:s31] =	ssyncadd.s32 $0xFFFFEC00  }
0x7f: {  	[tilespmem:s17], [sflag:$0x1] =	stream.indirect.gather [hbm4b:s4+s16], $0x40, s12, s16, $0xb8;
	[tilespmem:$0x1C040] =	vst v63  }
0x80: {  	s12 =	sadd.s32 $0x4E70, s11  }
0x81: {  	[spmem:s2] =	stream.indirect.scatter.add.f32 [tilespmem:s18], [sflag:$0x6], $0x40, s12, s16, $0xb8;
	[tilespmem:$0x1C040] =	vst v63  }
0x82: {  	_ =	swait.ge [sflag:s14], $0x1400  }
0x83: {  	[sflag:s14] =	ssyncset.done $0x0  }
0x84: {  	[sflag:s14] =	ssyncadd.s32 $0xFFFFEC00  }
0x85: {  	_ =	swait.ge [sflag:s1], $0x1400  }
0x86: {  	[sflag:s1] =	ssyncset.done $0x0  }
0x87: {  	s12 =	sadd.s32 $0x1E0, s11;
	[sflag:s1] =	ssyncadd.s32 $0xFFFFEC00  }
0x88: {  	[tilespmem:s18], [sflag:$0x2] =	stream.indirect.gather [hbm4b:s4+s16], $0x40, s12, s16, $0xb8;
	[tilespmem:$0x1C040] =	vst v63  }
0x89: {  	s12 =	sadd.s32 $0x4EC0, s11  }
0x8a: {  	[spmem:s2] =	stream.indirect.scatter.add.f32 [tilespmem:s25], [sflag:$0x6], $0x40, s12, s16, $0xb8;
	[tilespmem:$0x1C040] =	vst v63  }
0x8b: {  	_ =	swait.ge [sflag:s14], $0x1400  }
0x8c: {  	[sflag:s14] =	ssyncset.done $0x0  }
0x8d: {  	[sflag:s14] =	ssyncadd.s32 $0xFFFFEC00  }
0x8e: {  	_ =	swait.ge [sflag:s0], $0x1400  }
0x8f: {  	[sflag:s0] =	ssyncset.done $0x0  }
0x90: {  	s12 =	sadd.s32 $0x230, s11;
	[sflag:s0] =	ssyncadd.s32 $0xFFFFEC00  }
0x91: {  	[tilespmem:s25], [sflag:$0x3] =	stream.indirect.gather [hbm4b:s4+s16], $0x40, s12, s16, $0xb8;
	[tilespmem:$0x1C040] =	vst v63  }
0x92: {  	s12 =	sadd.s32 $0x4F10, s11  }
0x93: {  	[spmem:s2] =	stream.indirect.scatter.add.f32 [tilespmem:s28], [sflag:$0x6], $0x40, s12, s16, $0xb8;
	[tilespmem:$0x1C040] =	vst v63  }
0x94: {  	_ =	swait.ge [sflag:s14], $0x1400  }
0x95: {  	[sflag:s14] =	ssyncset.done $0x0  }
0x96: {  	[sflag:s14] =	ssyncadd.s32 $0xFFFFEC00  }
0x97: {  	_ =	swait.ge [sflag:s15], $0x1400  }
0x98: {  	[sflag:s15] =	ssyncset.done $0x0  }
0x99: {  	s12 =	sadd.s32 $0x280, s11;
	[sflag:s15] =	ssyncadd.s32 $0xFFFFEC00  }
0x9a: {  	[tilespmem:s28], [sflag:$0x4] =	stream.indirect.gather [hbm4b:s4+s16], $0x40, s12, s16, $0xb8;
	[tilespmem:$0x1C040] =	vst v63  }
.Ltmp1:
0x9b: {  	_ = 	snop;
	(pc) =	sbr.rel @p0 .LBB2_4-.Ltmp1, $4  }
0x9c: {  	s11 =	sadd.s32 $0x4F60, s11  }
0x9d: {  	[spmem:s2] =	stream.indirect.scatter.add.f32 [tilespmem:s30], [sflag:$0x6], $0x40, s11, s16, $0xb8;
	[tilespmem:$0x1C040] =	vst v63  }
0x9e: {  	_ =	swait.ge [sflag:s14], $0x1400  }
0x9f: {  	[sflag:s14] =	ssyncset.done $0x0  }
0xa0: {  	[sflag:s14] =	ssyncadd.s32 $0xFFFFEC00  }
0xa1: {  	_ =	swait.ge [sflag:s29], $0x1400  }
0xa2: {  	[sflag:s29] =	ssyncset.done $0x0  }
0xa3: {  	[sflag:s29] =	ssyncadd.s32 $0xFFFFEC00  }
0xa4: {  	[tilespmem:s30], [sflag:$0x5] =	stream.indirect.gather [hbm4b:s4+s16], $0x40, s19, s16, $0xb8;
	[tilespmem:$0x1C040] =	vst v63  }
0xa5: {  	s10 =	simm.s32 $0x9AB0  }
0xa6: {  	[spmem:s2] =	stream.indirect.scatter.add.f32 [tilespmem:s17], [sflag:$0x6], $0x40, s10, s16, $0xb8;
	[tilespmem:$0x1C040] =	vst v63  }
0xa7: {  	_ =	swait.ge [sflag:s14], $0x1400  }
0xa8: {  	[sflag:s14] =	ssyncset.done $0x0  }
0xa9: {  	[sflag:s14] =	ssyncadd.s32 $0xFFFFEC00  }
0xaa: {  	_ =	swait.ge [sflag:s31], $0x1400  }
0xab: {  	[sflag:s31] =	ssyncset.done $0x0  }
0xac: {  	[sflag:s31] =	ssyncadd.s32 $0xFFFFEC00  }
0xad: {  	[tilespmem:s17], [sflag:$0x1] =	stream.indirect.gather [hbm4b:s4+s16], $0x40, s19, s16, $0xb8;
	[tilespmem:$0x1C040] =	vst v63  }
0xae: {  	s12 =	simm.s32 $0x9B00  }
0xaf: {  	[spmem:s2] =	stream.indirect.scatter.add.f32 [tilespmem:s18], [sflag:$0x6], $0x40, s12, s16, $0xb8;
	[tilespmem:$0x1C040] =	vst v63  }
0xb0: {  	_ =	swait.ge [sflag:s14], $0x1400  }
0xb1: {  	[sflag:s14] =	ssyncset.done $0x0  }
0xb2: {  	[sflag:s14] =	ssyncadd.s32 $0xFFFFEC00  }
0xb3: {  	_ =	swait.ge [sflag:s1], $0x1400  }
0xb4: {  	[sflag:s1] =	ssyncset.done $0x0  }
0xb5: {  	[sflag:s1] =	ssyncadd.s32 $0xFFFFEC00  }
0xb6: {  	[tilespmem:s18], [sflag:$0x2] =	stream.indirect.gather [hbm4b:s4+s16], $0x40, s19, s16, $0xb8;
	[tilespmem:$0x1C040] =	vst v63  }
0xb7: {  	s11 =	simm.s32 $0x9B50  }
0xb8: {  	[spmem:s2] =	stream.indirect.scatter.add.f32 [tilespmem:s25], [sflag:$0x6], $0x40, s11, s16, $0xb8;
	[tilespmem:$0x1C040] =	vst v63  }
0xb9: {  	_ =	swait.ge [sflag:s14], $0x1400  }
0xba: {  	[sflag:s14] =	ssyncset.done $0x0  }
0xbb: {  	[sflag:s14] =	ssyncadd.s32 $0xFFFFEC00  }
0xbc: {  	_ =	swait.ge [sflag:s0], $0x1400  }
0xbd: {  	[sflag:s0] =	ssyncset.done $0x0  }
0xbe: {  	[sflag:s0] =	ssyncadd.s32 $0xFFFFEC00  }
0xbf: {  	[tilespmem:s25], [sflag:$0x3] =	stream.indirect.gather [hbm4b:s4+s16], $0x40, s19, s16, $0xb8;
	[tilespmem:$0x1C040] =	vst v63  }
0xc0: {  	s12 =	simm.s32 $0x9BA0  }
0xc1: {  	[spmem:s2] =	stream.indirect.scatter.add.f32 [tilespmem:s28], [sflag:$0x6], $0x40, s12, s16, $0xb8;
	[tilespmem:$0x1C040] =	vst v63  }
0xc2: {  	_ =	swait.ge [sflag:s14], $0x1400  }
0xc3: {  	[sflag:s14] =	ssyncset.done $0x0  }
0xc4: {  	[sflag:s14] =	ssyncadd.s32 $0xFFFFEC00  }
0xc5: {  	_ =	swait.ge [sflag:s15], $0x1400  }
0xc6: {  	[sflag:s15] =	ssyncset.done $0x0  }
0xc7: {  	[sflag:s15] =	ssyncadd.s32 $0xFFFFEC00  }
0xc8: {  	[tilespmem:s28], [sflag:$0x4] =	stream.indirect.gather [hbm4b:s4+s16], $0x40, s19, s16, $0xb8;
	[tilespmem:$0x1C040] =	vst v63  }
0xc9: {  	s11 =	simm.s32 $0x9BF0  }
0xca: {  	[spmem:s2] =	stream.indirect.scatter.add.f32 [tilespmem:s30], [sflag:$0x6], $0x40, s11, s16, $0xb8;
	[tilespmem:$0x1C040] =	vst v63  }
0xcb: {  	_ =	swait.ge [sflag:s14], $0x1400  }
0xcc: {  	[sflag:s14] =	ssyncset.done $0x0  }
0xcd: {  	[sflag:s14] =	ssyncadd.s32 $0xFFFFEC00  }
0xce: {  	_ =	swait.ge [sflag:s29], $0x1400  }
0xcf: {  	[sflag:s29] =	ssyncset.done $0x0  }
0xd0: {  	[sflag:s29] =	ssyncadd.s32 $0xFFFFEC00  }
0xd1: {  	_ =	swait.ge [sflag:s31], $0x1400  }
0xd2: {  	[sflag:s31] =	ssyncset.done $0x0  }
0xd3: {  	[sflag:s31] =	ssyncadd.s32 $0xFFFFEC00  }
0xd4: {  	_ =	swait.ge [sflag:s1], $0x1400  }
0xd5: {  	[sflag:s1] =	ssyncset.done $0x0  }
0xd6: {  	[sflag:s1] =	ssyncadd.s32 $0xFFFFEC00  }
0xd7: {  	_ =	swait.ge [sflag:s0], $0x1400  }
0xd8: {  	[sflag:s0] =	ssyncset.done $0x0  }
0xd9: {  	[sflag:s0] =	ssyncadd.s32 $0xFFFFEC00  }
0xda: {  	[bflag:$0x0] =	sbarrier.arrive $0xFFFF  }
0xdb: {  	[tilespmem:s13], [sflag:$0x6] =	stream.linear.gather [spmem:s5], $0x2000, $0x38;
	[tilespmem:$0x1C040] =	vst v63  }
0xdc: {  	_ =	swait.ge [sflag:s14], $0x2000  }
0xdd: {  	[sflag:s14] =	ssyncset.done $0x0  }
0xde: {  	[sflag:s14] =	ssyncadd.s32 $0xFFFFE000  }
0xdf: {  	[hbm4b:s20+s3] =	stream.linear.scatter [tilespmem:s13], [sflag:$0x6], $0x2000, $0x38;
	[tilespmem:$0x1C040] =	vst v63  }
0xe0: {  	_ =	swait.ge [sflag:s14], $0x2000  }
0xe1: {  	[sflag:s14] =	ssyncset.done $0x0  }
0xe2: {  	[sflag:s14] =	ssyncadd.s32 $0xFFFFE000  }
0xe3: {  	[tilespmem:s13], [sflag:$0x6] =	stream.linear.gather [spmem:s6], $0x2000, $0x38;
	[tilespmem:$0x1C040] =	vst v63  }
0xe4: {  	_ =	swait.ge [sflag:s14], $0x2000  }
0xe5: {  	[sflag:s14] =	ssyncset.done $0x0  }
0xe6: {  	[sflag:s14] =	ssyncadd.s32 $0xFFFFE000  }
0xe7: {  	[hbm4b:s21+s3] =	stream.linear.scatter [tilespmem:s13], [sflag:$0x6], $0x2000, $0x38;
	[tilespmem:$0x1C040] =	vst v63  }
0xe8: {  	_ =	swait.ge [sflag:s14], $0x2000  }
0xe9: {  	[sflag:s14] =	ssyncset.done $0x0  }
0xea: {  	[sflag:s14] =	ssyncadd.s32 $0xFFFFE000  }
0xeb: {  	[tilespmem:s13], [sflag:$0x6] =	stream.linear.gather [spmem:s7], $0x2000, $0x38;
	[tilespmem:$0x1C040] =	vst v63  }
0xec: {  	_ =	swait.ge [sflag:s14], $0x2000  }
0xed: {  	[sflag:s14] =	ssyncset.done $0x0  }
0xee: {  	[sflag:s14] =	ssyncadd.s32 $0xFFFFE000  }
0xef: {  	[hbm4b:s22+s3] =	stream.linear.scatter [tilespmem:s13], [sflag:$0x6], $0x2000, $0x38;
	[tilespmem:$0x1C040] =	vst v63  }
0xf0: {  	_ =	swait.ge [sflag:s14], $0x2000  }
0xf1: {  	[sflag:s14] =	ssyncset.done $0x0  }
0xf2: {  	[sflag:s14] =	ssyncadd.s32 $0xFFFFE000  }
0xf3: {  	[tilespmem:s13], [sflag:$0x6] =	stream.linear.gather [spmem:s8], $0x2000, $0x38;
	[tilespmem:$0x1C040] =	vst v63  }
0xf4: {  	_ =	swait.ge [sflag:s14], $0x2000  }
0xf5: {  	[sflag:s14] =	ssyncset.done $0x0  }
0xf6: {  	[sflag:s14] =	ssyncadd.s32 $0xFFFFE000  }
0xf7: {  	[hbm4b:s23+s3] =	stream.linear.scatter [tilespmem:s13], [sflag:$0x6], $0x2000, $0x38;
	[tilespmem:$0x1C040] =	vst v63  }
0xf8: {  	_ =	swait.ge [sflag:s14], $0x2000  }
0xf9: {  	[sflag:s14] =	ssyncset.done $0x0  }
0xfa: {  	[sflag:s14] =	ssyncadd.s32 $0xFFFFE000  }
0xfb: {  	[tilespmem:s13], [sflag:$0x6] =	stream.linear.gather [spmem:s9], $0x2000, $0x38;
	[tilespmem:$0x1C040] =	vst v63  }
0xfc: {  	_ =	swait.ge [sflag:s14], $0x2000  }
0xfd: {  	[sflag:s14] =	ssyncset.done $0x0  }
0xfe: {  	[sflag:s14] =	ssyncadd.s32 $0xFFFFE000  }
0xff: {  	[hbm4b:s24+s3] =	stream.linear.scatter [tilespmem:s13], [sflag:$0x6], $0x2000, $0x38;
	[tilespmem:$0x1C040] =	vst v63  }
0x100: {  	_ =	swait.ge [sflag:s14], $0x2000  }
0x101: {  	s26 =	sadd.s32 $0x1, s26;
	s12 =	rddreg [dreg:$0x5]  }
0x102: {  	p0 =	sne.s32 s26, s12  }
.Ltmp2:
0x103: {  	_ = 	snop;
	(pc) =	sbr.rel @p0 .LBB2_1-.Ltmp2, $3  }
0x104: {  	_ =	sdelay $0x1  }
0x105: {  	[sflag:s14] =	ssyncset.done $0x0  }
0x106: {  	[sflag:s14] =	ssyncadd.s32 $0xFFFFE000  }
0x107: {  	_ =	sfence.sel $0x180000  }
0x108: {  	[bflag:$0x0] =	sbarrier.arrive $0xFFFF  }
0x109: {  	_ =	strace $0x9000004A  }
0x10a: {  	s0 =	stileid.u32;
	[bflag:$0x2] =	sbarrier.arrive $0xFFFF  }
0x10b: {  	p0 =	sne.s32 s0, $0x0;
	s0 =	rddreg [dreg:$0x2]  }
0x10c: {  	s0 =	sadd.s32 @!p0 $0x100000, s0  }
0x10d: {  	[sflag:s0] =	ssyncadd.tile.s32 @!p0 $0x1;
	_ =	shalt  }
.Lfunc_end2:
_tile_overlayer_lowered:
.L_overlay_start_2:
0x10e: {  	(tag) =	ssettag $0x2  }
0x10f: {  	s0 =	rddreg [dreg:$0x0];
	s2 =	stileid.u32  }
0x110: {  	s1 =	rddreg [dreg:$0x1];
	p0 =	sne.s32 s2, $0x0  }
0x111: {  	s3 =	rddreg [dreg:$0x2];
	[bflag:$0x3] =	sbarrier.arrive $0xFFFF;
	s2 =	simm.s32 @!p0 $0x1C06  }
0x112: {  	[timem:s3], [sflag:s2] =	dma.local @!p0 [hbm:s0], s1  }
0x113: {  	s0 =	simm.s32 @!p0 $0x6  }
0x114: {  	_ =	swait.ge @!p0 [sflag:s0], s1  }
0x115: {  	s1 =	ssub.s32 @!p0 $0x0, s1;
	[sflag:s0] =	ssyncset.done @!p0 $0x0  }
0x116: {  	[sflag:s0] =	ssyncadd.s32 @!p0 s1  }
0x117: {  	[bflag:$0x3] =	sbarrier.arrive $0xFFFF  }
0x118: {  	_ =	shalt  }

// kernel: kernel.14.cloned.1.call-start
scs
__scs_entry_jumppad:
0x0: {  	(pc) =	sbr.rel $0x88, $3  }
0x1: {  	(tag) =	ssettag $0x0;
	lr =	simm.s32 $0x1  }
0x2: {  	[smem:$0x3F9B] =	sst lr;
	_ =	strace $0xD0000000  }
0x3: {  	_ = 	snop  }
0x4: {  	_ = 	snop  }
0x5: {  	_ = 	snop  }
0x6: {  	_ = 	snop  }
0x7: {  	_ = 	snop  }
__scs_overlays_trampoline_lowered:
0x8: {  	[smem:$0x3FAA] =	sst s0  }
0x9: {  	[smem:$0x3FAB] =	sst s1  }
0xa: {  	[smem:$0x3FAC] =	sst s2  }
0xb: {  	[smem:$0x3FAD] =	sst s3  }
0xc: {  	[smem:$0x3FAE] =	sst s4  }
0xd: {  	[smem:$0x3FAF] =	sst s5  }
0xe: {  	[smem:$0x3FB0] =	sst s6  }
0xf: {  	[smem:$0x3FB1] =	sst s7  }
0x10: {  	[smem:$0x3FB2] =	sst s8  }
0x11: {  	[smem:$0x3FB3] =	sst s9;
	s0 =	simm.s32 @!p0 $0x0  }
0x12: {  	s1 =	sld [smem:$0x3F99];
	s0 =	simm.s32 @p0 $0x1  }
0x13: {  	[smem:$0x3FB4] =	sst s0;
	s0 =	simm.s32 @!p1 $0x0  }
0x14: {  	s2 =	sld [smem:$0x3F98];
	s0 =	simm.s32 @p1 $0x1  }
0x15: {  	[smem:$0x3FB5] =	sst s0;
	s0 =	simm.s32 @!p2 $0x0  }
0x16: {  	s3 =	sld [smem:$0x3FDB];
	s0 =	simm.s32 @p2 $0x1  }
0x17: {  	s4 =	simm.s32 $0x1BF5;
	[smem:$0x3FB7] =	sst s0  }
0x18: {  	s0 =	sld [smem:$0x3F9A];
	_ =	swait.ge [sflag:s4], $0x0  }
0x19: {  	s7 =	sld [smem:$0x3F9B]  }
0x1a: {  	s8 =	sadd.s32 $0xFFFFE003, lr  }
0x1b: {  	s9 =	sadd.s32 $0xFFFFFEF7, lr;
	s5 =	simm.s32 $0xFFFFFFFF;
	p2 =	slt.u32 s8, $0xFFFFF086  }
0x1c: {  	p1 =	slt.u32 s9, $0xF7A;
	s5 =	simm.s32 @!p2 $0x0  }
0x1d: {  	s5 =	simm.s32 @p1 $0x1;
	p0 =	seq.s32 s7, s2  }
0x1e: {  	s7 =	smul.u32 @!p0 $0xF7A, s2;
	p2 =	seq.s32 @!p0 s5, $0x0  }
0x1f: {  	s9 =	smul.u32 $0xF7A, s1;
	s8 =	simm.s32 @!p0 $0x1BF5;
	p2 =	por !p2, p0  }
0x20: {  	[sflag:s8] =	ssyncset.s32 @!p0 $0xFFFFF086;
	s6 =	sadd.s32 @!p0 s3, s7;
	s7 =	simm.s32 @!p0 $0x108  }
0x21: {  	s3 =	sadd.s32 s3, s9;
	s6 =	sadd.s32 @!p0 $0x88, s6;
	s7 =	simm.s32 @p2 $0x1082  }
0x22: {  	[simem:s7], [sflag:s8] =	dma.local @!p0 [hbm:s6], $0xF7A  }
0x23: {  	s9 =	sor.u32 $0xD0000000, s2;
	s6 =	simm.s32 $0x108;
	_ =	swait.ge @!p0 [sflag:s8], $0x0  }
0x24: {  	s3 =	sadd.s32 $0x88, s3;
	s6 =	simm.s32 @!p1 $0x1082;
	[sflag:s4] =	ssyncset.s32 $0xFFFFF086  }
0x25: {  	[simem:s6], [sflag:s4] =	dma.local [hbm:s3], $0xF7A  }
0x26: {  	[smem:$0x3F9B] =	sst s1;
	(tag) =	ssettag s2;
	_ =	strace s9  }
0x27: {  	s1 =	sld [smem:$0x3FAB]  }
0x28: {  	s2 =	sld [smem:$0x3FAC]  }
0x29: {  	s4 =	sld [smem:$0x3FAE]  }
0x2a: {  	p0 =	seq.s32 s5, $0x0;
	s5 =	sld [smem:$0x3FAF]  }
0x2b: {  	s6 =	sld [smem:$0x3FB0]  }
0x2c: {  	s7 =	sld [smem:$0x3FB1]  }
0x2d: {  	s3 =	simm.s32 $0x108;
	s8 =	sld [smem:$0x3FB2]  }
0x2e: {  	s3 =	simm.s32 @!p0 $0x1082;
	s9 =	sld [smem:$0x3FB3]  }
0x2f: {  	lr =	sadd.s32 s0, s3;
	s0 =	sld [smem:$0x3FAA]  }
0x30: {  	s3 =	sld [smem:$0x3FAD]  }
0x31: {  	[smem:$0x3FB6] =	sst s10  }
0x32: {  	s10 =	sld [smem:$0x3FB4];
	_ =	sdelay $0x3  }
0x33: {  	p0 =	seq.s32 s10, $0x1;
	s10 =	sld [smem:$0x3FB6];
	_ =	sdelay $0x3  }
0x34: {  	[smem:$0x3FB6] =	sst s10  }
0x35: {  	s10 =	sld [smem:$0x3FB5];
	_ =	sdelay $0x3  }
0x36: {  	p1 =	seq.s32 s10, $0x1;
	s10 =	sld [smem:$0x3FB6];
	_ =	sdelay $0x3  }
0x37: {  	[smem:$0x3FB6] =	sst s10  }
0x38: {  	s10 =	sld [smem:$0x3FB7]  }
0x39: {  	_ = 	snop;
	(pc) =	sbr.ind lr, $3  }
0x3a: {  	_ = 	snop  }
0x3b: {  	_ = 	snop  }
0x3c: {  	p2 =	seq.s32 s10, $0x1;
	s10 =	sld [smem:$0x3FB6]  }
0x3d: {  	_ =	shalt  }
0x3e: {  	_ =	shalt  }
0x3f: {  	_ =	shalt  }
0x40: {  	_ =	shalt  }
0x41: {  	_ =	shalt  }
0x42: {  	_ =	shalt  }
0x43: {  	_ =	shalt  }
0x44: {  	_ =	shalt  }
0x45: {  	_ =	shalt  }
0x46: {  	_ =	shalt  }
0x47: {  	_ =	shalt  }
0x48: {  	_ =	shalt  }
0x49: {  	_ =	shalt  }
0x4a: {  	_ =	shalt  }
0x4b: {  	_ =	shalt  }
0x4c: {  	_ =	shalt  }
0x4d: {  	_ =	shalt  }
0x4e: {  	_ =	shalt  }
0x4f: {  	_ =	shalt  }
0x50: {  	_ =	shalt  }
0x51: {  	_ =	shalt  }
0x52: {  	_ =	shalt  }
0x53: {  	_ =	shalt  }
0x54: {  	_ =	shalt  }
0x55: {  	_ =	shalt  }
0x56: {  	_ =	shalt  }
0x57: {  	_ =	shalt  }
0x58: {  	_ =	shalt  }
0x59: {  	_ =	shalt  }
0x5a: {  	_ =	shalt  }
0x5b: {  	_ =	shalt  }
0x5c: {  	_ =	shalt  }
0x5d: {  	_ =	shalt  }
0x5e: {  	_ =	shalt  }
0x5f: {  	_ =	shalt  }
0x60: {  	_ =	shalt  }
0x61: {  	_ =	shalt  }
0x62: {  	_ =	shalt  }
0x63: {  	_ =	shalt  }
0x64: {  	_ =	shalt  }
0x65: {  	_ =	shalt  }
0x66: {  	_ =	shalt  }
0x67: {  	_ =	shalt  }
0x68: {  	_ =	shalt  }
0x69: {  	_ =	shalt  }
0x6a: {  	_ =	shalt  }
0x6b: {  	_ =	shalt  }
0x6c: {  	_ =	shalt  }
0x6d: {  	_ =	shalt  }
0x6e: {  	_ =	shalt  }
0x6f: {  	_ =	shalt  }
0x70: {  	_ =	shalt  }
0x71: {  	_ =	shalt  }
0x72: {  	_ =	shalt  }
0x73: {  	_ =	shalt  }
0x74: {  	_ =	shalt  }
0x75: {  	_ =	shalt  }
0x76: {  	_ =	shalt  }
0x77: {  	_ =	shalt  }
0x78: {  	_ =	shalt  }
0x79: {  	_ =	shalt  }
0x7a: {  	_ =	shalt  }
0x7b: {  	_ =	shalt  }
0x7c: {  	_ =	shalt  }
0x7d: {  	_ =	shalt  }
0x7e: {  	_ =	shalt  }
0x7f: {  	_ =	shalt  }
0x80: {  	_ =	shalt  }
0x81: {  	_ =	shalt  }
0x82: {  	_ =	shalt  }
0x83: {  	_ =	shalt  }
0x84: {  	_ =	shalt  }
0x85: {  	_ =	shalt  }
0x86: {  	_ =	shalt  }
0x87: {  	_ =	shalt  }
.Lfunc_end0:
.L_simem_size_0:
called_computation.2_lowered:
.L_overlay_start_0:
0x88: {  	s2 =	sld [smem:$0x3FD9]  }
0x89: {  	s3 =	sld [smem:$0x3FFE];
	_ =	sdelay $0x1  }
0x8a: {  	s1 =	srdreg.scid  }
0x8b: {  	s0 =	sand.u32 $0x1, s1  }
0x8c: {  	s16 =	sshll.u32 s0, $0xA;
	s2 =	sadd.s32 s3, s2  }
0x8d: {  	s2 =	sadd.s32 s2, s16  }
0x8e: {  	[smem:$0x3FC2] =	sst s2  }
0x8f: {  	_ = 	snop  }
0x90: {  	(tm) =	ssettm $0x1  }
0x91: {  	s17 =	sld [smem:$0x3FFB];
	_ =	sdelay $0x3  }
0x92: {  	_ =	strace s17  }
0x93: {  	s2 =	sld [smem:$0x3FFC];
	_ =	sdelay $0x3  }
0x94: {  	_ =	strace s2  }
0x95: {  	s2 =	sld [smem:$0x3FFD];
	_ =	sdelay $0x3  }
0x96: {  	_ =	strace s2  }
0x97: {  	_ =	strace $0x8FFFFFFF  }
0x98: {  	s18 =	sld [smem:$0x3FDB];
	_ =	sdelay $0x1  }
0x99: {  	s19 =	simm.s32 $_scs_section_size  }
0x9a: {  	s4 =	simm.s32 $_size__tile_overlayer_lowered;
	s5 =	simm.s32 $_tile_overlayer_lowered  }
0x9b: {  	s22 =	simm.s32 $0x1BFF;
	s21 =	sshll.u32 s5, $0x1;
	s2 =	sadd.s32 s19, s18  }
0x9c: {  	s6 =	simm.s32 $0x0;
	s20 =	sshll.u32 s4, $0x1;
	s4 =	sadd.s32 s21, s2  }
0x9d: {  	[timem:s6], [sflag:s22] =	dma.local [hbm:s4], s20  }
0x9e: {  	_ =	swait.ge [sflag:s22], s20  }
0x9f: {  	s3 =	ssub.s32 $0x0, s20;
	[sflag:s22] =	ssyncset.done $0x0  }
0xa0: {  	[sflag:s22] =	ssyncadd.s32 s3;
	_ =	sdelay $0x1  }
0xa1: {  	s23 =	simm.s32 $0x1B8B  }
0xa2: {  	_ =	swait.ge [sflag:s23], $0x1  }
0xa3: {  	[sflag:s23] =	ssyncset.done $0x0  }
0xa4: {  	s25 =	simm.s32 $0x1B8E;
	s24 =	sld [smem:$0x3FFE];
	[sflag:s23] =	ssyncadd.s32 $0xFFFFFFFF  }
0xa5: {  	s26 =	simm.s32 $execute0_lowered;
	[smem:$0x3FD2] =	sst s25  }
0xa6: {  	s4 =	sshll.u32 s26, $0x1;
	_ =	strace $0x8000004C;
	[dreg:$0x1] =	wrdreg $0xFFFFFFFF  }
0xa7: {  	s28 =	simm.s32 $_size_execute0_lowered;
	s2 =	sadd.s32 s2, s4;
	[dreg:$0x0] =	wrdreg $0x0  }
0xa8: {  	s4 =	sshll.u32 s28, $0x1;
	[dreg:$0x2] =	wrdreg s2  }
0xa9: {  	[dreg:$0x3] =	wrdreg s4  }
0xaa: {  	[dreg:$0x4] =	wrdreg $0xC0  }
0xab: {  	_ =	task [dreg:s6], $0x5FFFF  }
0xac: {  	[dreg:$0x1] =	wrdreg $0xFFFFFFFF  }
0xad: {  	[dreg:$0x0] =	wrdreg $0x60  }
0xae: {  	[dreg:$0x2] =	wrdreg s24  }
0xaf: {  	[dreg:$0x3] =	wrdreg $0x6F200  }
0xb0: {  	[dreg:$0x4] =	wrdreg $0x97200  }
0xb1: {  	[dreg:$0x5] =	wrdreg $0x9  }
0xb2: {  	_ =	task.clear_ibuf [dreg:s6], $0x6FFFF;
	_ =	strace $0x9000004C  }
0xb3: {  	s29 =	simm.s32 $0x9;
	_ =	strace $0x8000004E  }
0xb4: {  	_ =	swait.ge [sflag:s29], $0x1  }
0xb5: {  	[sflag:s29] =	ssyncadd.s32 $0xFFFFFFFF  }
0xb6: {  	_ =	strace $0x9000004E  }
0xb7: {  	_ =	sfence  }
0xb8: {  	s30 =	sld [smem:$0x0];
	_ =	sdelay $0x2  }
0xb9: {  	s31 =	sshll.u32 s1, $0xD;
	s1 =	sshrl.u32 s1, $0x2  }
0xba: {  	s3 =	sand.u32 $0x4000, s31;
	s1 =	sadd.s32 s1, s30  }
0xbb: {  	s0 =	sor.u32 s3, s0;
	s1 =	sshll.u32 s1, $0x11  }
0xbc: {  	s0 =	sor.u32 s1, s0  }
0xbd: {  	s0 =	sadd.s32 $0x8F2B, s0  }
0xbe: {  	[sflag:s0] =	ssyncadd.remote.s32 $0x1  }
0xbf: {  	_ =	sfence.sel $0xFFFF  }
0xc0: {  	[dreg:$0x0] =	wrdreg $0xFFFFFFFF;
	(pc) =	sbr.abs _section_cstart, $3  }
0xc1: {  	[dreg:$0x1] =	wrdreg $0xFFFFFFFF  }
0xc2: {  	_ =	task.clear_ibuf [dreg:s6], $0x2FFFF;
	_ =	strace $0x9FFFFFFF  }
0xc3: {  	(tm) =	ssettm $0x7FFFFFFF  }
tec
execute0_lowered:
.L_overlay_start_1:
0x0: {  	(tag) =	ssettag $0x1  }
0x1: {  	s0 =	rddreg [dreg:$0x0]  }
0x2: {  	s2 =	rddreg [dreg:$0x1]  }
0x3: {  	s1 =	srdreg.scid;
	s3 =	rddreg [dreg:$0x2]  }
0x4: {  	s7 =	stileid.u32;
	s4 =	simm.s32 $0x0;
	s30 =	simm.s32 $0x6720  }
0x5: {  	s31 =	simm.s32 $0x6;
	s1 =	sand.u32 $0x1, s1;
	[smem:$0x7FF] =	sst s4  }
0x6: {  	s10 =	sadd.s32 $0x15000, s0;
	s11 =	smul.u32 $0x2800, s7;
	s5 =	sshll.u32 s1, $0x4  }
0x7: {  	_ =	strace $0x8000004D;
	s6 =	smul.u32 $0x5000, s1;
	s1 =	ssub.s32 $0x2, s1  }
0x8: {  	s5 =	sor.u32 s7, s5;
	s25 =	sshrl.u32 s1, $0x1;
	s13 =	sadd.s32 $0x800, s11  }
0x9: {  	s14 =	sadd.s32 $0x1000, s11;
	s15 =	sadd.s32 $0x1800, s11;
	s16 =	sadd.s32 $0x2000, s11  }
0xa: {  	s17 =	sadd.s32 s11, s3;
	s5 =	smul.u32 $0x4E2, s5;
	s1 =	ssub.s32 s1, s25  }
0xb: {  	s7 =	sadd.s32 s14, s2;
	s8 =	sadd.s32 s15, s2;
	s9 =	sadd.s32 s16, s2  }
0xc: {  	s26 =	sadd.s32 s13, s3;
	s20 =	sadd.s32 s14, s3;
	s19 =	sshrl.u32 s14, $0x3  }
0xd: {  	s21 =	sadd.s32 s15, s3;
	s15 =	sshrl.u32 s15, $0x3;
	s18 =	sadd.s32 s16, s3  }
0xe: {  	s16 =	sshrl.u32 s16, $0x3;
	s25 =	sshrl.u32 s17, $0x3;
	[dreg:$0x8] =	wrdreg s19  }
0xf: {  	s17 =	simm.s32 $0x5D20;
	s14 =	simm.s32 $0x0;
	[dreg:$0x9] =	wrdreg s15  }
0x10: {  	s19 =	sadd.s32 s10, s19;
	s15 =	sadd.s32 s10, s15;
	[dreg:$0x10] =	wrdreg s25  }
0x11: {  	s24 =	smax.u32 s1, $0x1;
	s26 =	sshrl.u32 s26, $0x3;
	[dreg:$0xa] =	wrdreg s19  }
0x12: {  	s28 =	sshrl.u32 s21, $0x3;
	s29 =	sshrl.u32 s18, $0x3;
	[dreg:$0xb] =	wrdreg s15  }
0x13: {  	s12 =	sadd.s32 s5, s0;
	s0 =	sadd.s32 s6, s0;
	[dreg:$0xf] =	wrdreg s24  }
0x14: {  	s5 =	sadd.s32 s11, s2;
	s11 =	sshrl.u32 s11, $0x3;
	[dreg:$0x11] =	wrdreg s26  }
0x15: {  	s6 =	sadd.s32 s13, s2;
	s13 =	sshrl.u32 s13, $0x3;
	[dreg:$0x4] =	wrdreg s11  }
0x16: {  	s1 =	simm.s32 $0x50;
	s11 =	sadd.s32 s10, s11;
	[dreg:$0x6] =	wrdreg s13  }
0x17: {  	s18 =	simm.s32 $0x6220;
	s13 =	sadd.s32 s10, s13;
	[dreg:$0x5] =	wrdreg s11  }
0x18: {  	s21 =	simm.s32 $0x5;
	s10 =	sadd.s32 s10, s16;
	[dreg:$0x7] =	wrdreg s13  }
0x19: {  	s26 =	sshrl.u32 s20, $0x3;
	s22 =	sadd.s32 $0x1400, s12;
	[dreg:$0xc] =	wrdreg s10  }
0x1a: {  	s19 =	simm.s32 $0x2;
	s23 =	sadd.s32 $0xB200, s12;
	[dreg:$0xd] =	wrdreg s22  }
0x1b: {  	s20 =	simm.s32 $0x3;
	s12 =	simm.s32 $0x4;
	[dreg:$0xe] =	wrdreg s23  }
0x1c: {  	s22 =	sadd.s32 $0x1A000, s0;
	s0 =	simm.s32 $0x4E20;
	s11 =	simm.s32 $0x5320  }
0x1d: {  	v0 =	vimm.f32 $0.0e+00;
	s13 =	simm.s32 $0x5820;
	s10 =	simm.s32 $0x1;
	s23 =	simm.s32 $0x26C0  }
.LBB2_1:
0x1e: {  	s24 =	simm.s32 $0x40;
	s25 =	simm.s32 $0x0  }
.LBB2_2:
0x1f: {  	p0 =	sne.s32 s24, $0x1FC0;
	[tilespmem:s25+$0x6720] =	vst v0;
	s25 =	smov.u32 s24;
	s24 =	sadd.s32 $0x40, s24  }
.Ltmp0:
0x20: {  	(pc) =	sbr.rel @p0 .LBB2_2-.Ltmp0, $2  }
0x21: {  	_ =	sdelay $0x2  }
0x22: {  	s25 =	sshra.s32 s25, $0x2  }
0x23: {  	[tilespmem:s25+$0x6720] =	vst v0  }
0x24: {  	[spmem:s5] =	stream.linear.scatter [tilespmem:s30], [sflag:$0x6], $0x800, $0x38;
	[tilespmem:$0xBF20] =	vst v63  }
0x25: {  	_ =	swait.ge [sflag:s31], $0x800  }
0x26: {  	[sflag:s31] =	ssyncset.done $0x0  }
0x27: {  	[sflag:s31] =	ssyncadd.s32 $0xFFFFF800  }
0x28: {  	[spmem:s6] =	stream.linear.scatter [tilespmem:s30], [sflag:$0x6], $0x800, $0x38;
	[tilespmem:$0xBF20] =	vst v63  }
0x29: {  	_ =	swait.ge [sflag:s31], $0x800  }
0x2a: {  	[sflag:s31] =	ssyncset.done $0x0  }
0x2b: {  	[sflag:s31] =	ssyncadd.s32 $0xFFFFF800  }
0x2c: {  	[spmem:s7] =	stream.linear.scatter [tilespmem:s30], [sflag:$0x6], $0x800, $0x38;
	[tilespmem:$0xBF20] =	vst v63  }
0x2d: {  	_ =	swait.ge [sflag:s31], $0x800  }
0x2e: {  	[sflag:s31] =	ssyncset.done $0x0  }
0x2f: {  	[sflag:s31] =	ssyncadd.s32 $0xFFFFF800  }
0x30: {  	[spmem:s8] =	stream.linear.scatter [tilespmem:s30], [sflag:$0x6], $0x800, $0x38;
	[tilespmem:$0xBF20] =	vst v63  }
0x31: {  	_ =	swait.ge [sflag:s31], $0x800  }
0x32: {  	[sflag:s31] =	ssyncset.done $0x0  }
0x33: {  	[sflag:s31] =	ssyncadd.s32 $0xFFFFF800  }
0x34: {  	[spmem:s9] =	stream.linear.scatter [tilespmem:s30], [sflag:$0x6], $0x800, $0x38;
	[tilespmem:$0xBF20] =	vst v63  }
0x35: {  	s15 =	stileid.u32;
	_ =	swait.ge [sflag:s31], $0x800  }
0x36: {  	s24 =	sshll.u32 s15, $0x6;
	[sflag:s31] =	ssyncset.done $0x0;
	s15 =	rddreg [dreg:$0x5]  }
0x37: {  	s24 =	sor.u32 $0x1C06, s24;
	s25 =	rddreg [dreg:$0x10];
	[sflag:s31] =	ssyncadd.s32 $0xFFFFF800  }
0x38: {  	[spmem:s25], [sflag:s24] =	dma.local [hbm:s15], $0x100  }
0x39: {  	_ =	swait.ge [sflag:s31], $0x100  }
0x3a: {  	[sflag:s31] =	ssyncset.done $0x0;
	s15 =	rddreg [dreg:$0x7]  }
0x3b: {  	s25 =	rddreg [dreg:$0x11];
	[sflag:s31] =	ssyncadd.s32 $0xFFFFFF00  }
0x3c: {  	[spmem:s25], [sflag:s24] =	dma.local [hbm:s15], $0x100  }
0x3d: {  	_ =	swait.ge [sflag:s31], $0x100  }
0x3e: {  	[sflag:s31] =	ssyncset.done $0x0  }
0x3f: {  	s25 =	rddreg [dreg:$0xa];
	[sflag:s31] =	ssyncadd.s32 $0xFFFFFF00  }
0x40: {  	[spmem:s26], [sflag:s24] =	dma.local [hbm:s25], $0x100  }
0x41: {  	_ =	swait.ge [sflag:s31], $0x100  }
0x42: {  	[sflag:s31] =	ssyncset.done $0x0  }
0x43: {  	s25 =	rddreg [dreg:$0xb];
	[sflag:s31] =	ssyncadd.s32 $0xFFFFFF00  }
0x44: {  	[spmem:s28], [sflag:s24] =	dma.local [hbm:s25], $0x100  }
0x45: {  	_ =	swait.ge [sflag:s31], $0x100  }
0x46: {  	[sflag:s31] =	ssyncset.done $0x0  }
0x47: {  	s25 =	rddreg [dreg:$0xc];
	[sflag:s31] =	ssyncadd.s32 $0xFFFFFF00  }
0x48: {  	[spmem:s29], [sflag:s24] =	dma.local [hbm:s25], $0x100  }
0x49: {  	_ =	swait.ge [sflag:s31], $0x100  }
0x4a: {  	[sflag:s31] =	ssyncset.done $0x0  }
0x4b: {  	s24 =	simm.s32 $0x0;
	s25 =	rddreg [dreg:$0xd];
	[sflag:s31] =	ssyncadd.s32 $0xFFFFFF00  }
0x4c: {  	[tilespmem:s24], [sflag:$0x6] =	stream.linear.gather [hbm4b:s25+s24], $0x2710, $0x38;
	[tilespmem:$0xBF20] =	vst v63  }
0x4d: {  	_ =	swait.ge [sflag:s31], $0x2710  }
0x4e: {  	[sflag:s31] =	ssyncset.done $0x0  }
0x4f: {  	s25 =	simm.s32 $0x2710;
	s15 =	rddreg [dreg:$0xe];
	[sflag:s31] =	ssyncadd.s32 $0xFFFFD8F0  }
0x50: {  	[tilespmem:s25], [sflag:$0x6] =	stream.linear.gather [hbm4b:s15+s24], $0x2710, $0x38;
	[tilespmem:$0xBF20] =	vst v63  }
0x51: {  	_ =	swait.ge [sflag:s31], $0x2710  }
0x52: {  	[sflag:s31] =	ssyncset.done $0x0  }
0x53: {  	[sflag:s31] =	ssyncadd.s32 $0xFFFFD8F0  }
0x54: {  	[bflag:$0x0] =	sbarrier.arrive $0xFFFF  }
0x55: {  	[tilespmem:s0], [sflag:$0x1] =	stream.indirect.gather [spmem:s3], $0x10, s24, s1, $0xb8;
	[tilespmem:$0xBF20] =	vst v63  }
0x56: {  	_ = 	snop  }
0x57: {  	[tilespmem:s11], [sflag:$0x2] =	stream.indirect.gather [spmem:s3], $0x10, s1, s1, $0xb8;
	[tilespmem:$0xBF20] =	vst v63  }
0x58: {  	s24 =	simm.s32 $0xA0  }
0x59: {  	[tilespmem:s13], [sflag:$0x3] =	stream.indirect.gather [spmem:s3], $0x10, s24, s1, $0xb8;
	[tilespmem:$0xBF20] =	vst v63  }
0x5a: {  	s25 =	simm.s32 $0xF0  }
0x5b: {  	[tilespmem:s17], [sflag:$0x4] =	stream.indirect.gather [spmem:s3], $0x10, s25, s1, $0xb8;
	[tilespmem:$0xBF20] =	vst v63  }
0x5c: {  	_ =	swait.ge [sflag:s10], $0x500  }
0x5d: {  	[sflag:s10] =	ssyncset.done $0x0  }
0x5e: {  	s15 =	simm.s32 $0x140;
	[sflag:s10] =	ssyncadd.s32 $0xFFFFFB00  }
0x5f: {  	[tilespmem:s18], [sflag:$0x5] =	stream.indirect.gather [spmem:s3], $0x10, s15, s1, $0xb8;
	[tilespmem:$0xBF20] =	vst v63  }
0x60: {  	s25 =	simm.s32 $0x2710  }
0x61: {  	[spmem:s2] =	stream.indirect.scatter.add.f32 [tilespmem:s0], [sflag:$0x6], $0x10, s25, s1, $0xb8;
	[tilespmem:$0xBF20] =	vst v63  }
0x62: {  	_ =	swait.ge [sflag:s31], $0x500  }
0x63: {  	[sflag:s31] =	ssyncset.done $0x0  }
0x64: {  	[sflag:s31] =	ssyncadd.s32 $0xFFFFFB00  }
0x65: {  	_ =	swait.ge [sflag:s19], $0x500  }
0x66: {  	[sflag:s19] =	ssyncset.done $0x0  }
0x67: {  	s15 =	simm.s32 $0x190;
	[sflag:s19] =	ssyncadd.s32 $0xFFFFFB00  }
0x68: {  	[tilespmem:s0], [sflag:$0x1] =	stream.indirect.gather [spmem:s3], $0x10, s15, s1, $0xb8;
	[tilespmem:$0xBF20] =	vst v63  }
0x69: {  	s25 =	simm.s32 $0x2760  }
0x6a: {  	[spmem:s2] =	stream.indirect.scatter.add.f32 [tilespmem:s11], [sflag:$0x6], $0x10, s25, s1, $0xb8;
	[tilespmem:$0xBF20] =	vst v63  }
0x6b: {  	_ =	swait.ge [sflag:s31], $0x500  }
0x6c: {  	[sflag:s31] =	ssyncset.done $0x0  }
0x6d: {  	[sflag:s31] =	ssyncadd.s32 $0xFFFFFB00  }
0x6e: {  	_ =	swait.ge [sflag:s20], $0x500  }
0x6f: {  	[sflag:s20] =	ssyncset.done $0x0  }
0x70: {  	s15 =	simm.s32 $0x1E0;
	[sflag:s20] =	ssyncadd.s32 $0xFFFFFB00  }
0x71: {  	[tilespmem:s11], [sflag:$0x2] =	stream.indirect.gather [spmem:s3], $0x10, s15, s1, $0xb8;
	[tilespmem:$0xBF20] =	vst v63  }
0x72: {  	s25 =	simm.s32 $0x27B0  }
0x73: {  	[spmem:s2] =	stream.indirect.scatter.add.f32 [tilespmem:s13], [sflag:$0x6], $0x10, s25, s1, $0xb8;
	[tilespmem:$0xBF20] =	vst v63  }
0x74: {  	_ =	swait.ge [sflag:s31], $0x500  }
0x75: {  	[sflag:s31] =	ssyncset.done $0x0  }
0x76: {  	[sflag:s31] =	ssyncadd.s32 $0xFFFFFB00  }
0x77: {  	_ =	swait.ge [sflag:s12], $0x500  }
0x78: {  	[sflag:s12] =	ssyncset.done $0x0  }
0x79: {  	s15 =	simm.s32 $0x230;
	[sflag:s12] =	ssyncadd.s32 $0xFFFFFB00  }
0x7a: {  	[tilespmem:s13], [sflag:$0x3] =	stream.indirect.gather [spmem:s3], $0x10, s15, s1, $0xb8;
	[tilespmem:$0xBF20] =	vst v63  }
0x7b: {  	s25 =	simm.s32 $0x2800  }
0x7c: {  	[spmem:s2] =	stream.indirect.scatter.add.f32 [tilespmem:s17], [sflag:$0x6], $0x10, s25, s1, $0xb8;
	[tilespmem:$0xBF20] =	vst v63  }
0x7d: {  	_ =	swait.ge [sflag:s31], $0x500  }
0x7e: {  	[sflag:s31] =	ssyncset.done $0x0  }
0x7f: {  	[sflag:s31] =	ssyncadd.s32 $0xFFFFFB00  }
0x80: {  	_ =	swait.ge [sflag:s21], $0x500  }
0x81: {  	[sflag:s21] =	ssyncset.done $0x0  }
0x82: {  	s15 =	simm.s32 $0x280;
	[sflag:s21] =	ssyncadd.s32 $0xFFFFFB00  }
0x83: {  	[tilespmem:s17], [sflag:$0x4] =	stream.indirect.gather [spmem:s3], $0x10, s15, s1, $0xb8;
	[tilespmem:$0xBF20] =	vst v63  }
0x84: {  	s25 =	simm.s32 $0x2850  }
0x85: {  	[spmem:s2] =	stream.indirect.scatter.add.f32 [tilespmem:s18], [sflag:$0x6], $0x10, s25, s1, $0xb8;
	[tilespmem:$0xBF20] =	vst v63  }
0x86: {  	_ =	swait.ge [sflag:s31], $0x500  }
0x87: {  	s24 =	simm.s32 $0x640;
	[sflag:s31] =	ssyncset.done $0x0  }
.LBB2_4:
0x88: {  	p0 =	sne.s32 s24, $0x8FC0  }
0x89: {  	[sflag:s31] =	ssyncadd.s32 $0xFFFFFB00;
	s25 =	smov.u32 s24;
	s24 =	sadd.s32 $0x640, s24  }
0x8a: {  	_ = 	snop  }
0x8b: {  	_ =	swait.ge [sflag:s10], $0x500  }
0x8c: {  	s25 =	sshra.s32 s25, $0x2;
	[sflag:s10] =	ssyncset.done $0x0  }
0x8d: {  	s15 =	sadd.s32 $0x140, s25;
	[sflag:s10] =	ssyncadd.s32 $0xFFFFFB00  }
0x8e: {  	[tilespmem:s18], [sflag:$0x5] =	stream.indirect.gather [spmem:s3], $0x10, s15, s1, $0xb8;
	[tilespmem:$0xBF20] =	vst v63  }
0x8f: {  	s15 =	sadd.s32 $0x2710, s25  }
0x90: {  	[spmem:s2] =	stream.indirect.scatter.add.f32 [tilespmem:s0], [sflag:$0x6], $0x10, s15, s1, $0xb8;
	[tilespmem:$0xBF20] =	vst v63  }
0x91: {  	_ =	swait.ge [sflag:s31], $0x500  }
0x92: {  	[sflag:s31] =	ssyncset.done $0x0  }
0x93: {  	[sflag:s31] =	ssyncadd.s32 $0xFFFFFB00  }
0x94: {  	_ =	swait.ge [sflag:s19], $0x500  }
0x95: {  	[sflag:s19] =	ssyncset.done $0x0  }
0x96: {  	s15 =	sadd.s32 $0x190, s25;
	[sflag:s19] =	ssyncadd.s32 $0xFFFFFB00  }
0x97: {  	[tilespmem:s0], [sflag:$0x1] =	stream.indirect.gather [spmem:s3], $0x10, s15, s1, $0xb8;
	[tilespmem:$0xBF20] =	vst v63  }
0x98: {  	s15 =	sadd.s32 $0x2760, s25  }
0x99: {  	[spmem:s2] =	stream.indirect.scatter.add.f32 [tilespmem:s11], [sflag:$0x6], $0x10, s15, s1, $0xb8;
	[tilespmem:$0xBF20] =	vst v63  }
0x9a: {  	_ =	swait.ge [sflag:s31], $0x500  }
0x9b: {  	[sflag:s31] =	ssyncset.done $0x0  }
0x9c: {  	[sflag:s31] =	ssyncadd.s32 $0xFFFFFB00  }
0x9d: {  	_ =	swait.ge [sflag:s20], $0x500  }
0x9e: {  	[sflag:s20] =	ssyncset.done $0x0  }
0x9f: {  	s15 =	sadd.s32 $0x1E0, s25;
	[sflag:s20] =	ssyncadd.s32 $0xFFFFFB00  }
0xa0: {  	[tilespmem:s11], [sflag:$0x2] =	stream.indirect.gather [spmem:s3], $0x10, s15, s1, $0xb8;
	[tilespmem:$0xBF20] =	vst v63  }
0xa1: {  	s15 =	sadd.s32 $0x27B0, s25  }
0xa2: {  	[spmem:s2] =	stream.indirect.scatter.add.f32 [tilespmem:s13], [sflag:$0x6], $0x10, s15, s1, $0xb8;
	[tilespmem:$0xBF20] =	vst v63  }
0xa3: {  	_ =	swait.ge [sflag:s31], $0x500  }
0xa4: {  	[sflag:s31] =	ssyncset.done $0x0  }
0xa5: {  	[sflag:s31] =	ssyncadd.s32 $0xFFFFFB00  }
0xa6: {  	_ =	swait.ge [sflag:s12], $0x500  }
0xa7: {  	[sflag:s12] =	ssyncset.done $0x0  }
0xa8: {  	s15 =	sadd.s32 $0x230, s25;
	[sflag:s12] =	ssyncadd.s32 $0xFFFFFB00  }
0xa9: {  	[tilespmem:s13], [sflag:$0x3] =	stream.indirect.gather [spmem:s3], $0x10, s15, s1, $0xb8;
	[tilespmem:$0xBF20] =	vst v63  }
0xaa: {  	s15 =	sadd.s32 $0x2800, s25  }
0xab: {  	[spmem:s2] =	stream.indirect.scatter.add.f32 [tilespmem:s17], [sflag:$0x6], $0x10, s15, s1, $0xb8;
	[tilespmem:$0xBF20] =	vst v63  }
0xac: {  	_ =	swait.ge [sflag:s31], $0x500  }
0xad: {  	[sflag:s31] =	ssyncset.done $0x0  }
0xae: {  	[sflag:s31] =	ssyncadd.s32 $0xFFFFFB00  }
0xaf: {  	_ =	swait.ge [sflag:s21], $0x500  }
0xb0: {  	[sflag:s21] =	ssyncset.done $0x0  }
0xb1: {  	s15 =	sadd.s32 $0x280, s25;
	[sflag:s21] =	ssyncadd.s32 $0xFFFFFB00  }
0xb2: {  	[tilespmem:s17], [sflag:$0x4] =	stream.indirect.gather [spmem:s3], $0x10, s15, s1, $0xb8;
	[tilespmem:$0xBF20] =	vst v63  }
.Ltmp1:
0xb3: {  	_ = 	snop;
	(pc) =	sbr.rel @p0 .LBB2_4-.Ltmp1, $4  }
0xb4: {  	s15 =	sadd.s32 $0x2850, s25  }
0xb5: {  	[spmem:s2] =	stream.indirect.scatter.add.f32 [tilespmem:s18], [sflag:$0x6], $0x10, s15, s1, $0xb8;
	[tilespmem:$0xBF20] =	vst v63  }
0xb6: {  	_ =	swait.ge [sflag:s31], $0x500  }
0xb7: {  	[sflag:s31] =	ssyncset.done $0x0  }
0xb8: {  	[sflag:s31] =	ssyncadd.s32 $0xFFFFFB00  }
0xb9: {  	_ =	swait.ge [sflag:s10], $0x500  }
0xba: {  	[sflag:s10] =	ssyncset.done $0x0  }
0xbb: {  	[sflag:s10] =	ssyncadd.s32 $0xFFFFFB00  }
0xbc: {  	[tilespmem:s18], [sflag:$0x5] =	stream.indirect.gather [spmem:s3], $0x10, s23, s1, $0xb8;
	[tilespmem:$0xBF20] =	vst v63  }
0xbd: {  	s15 =	simm.s32 $0x4C90  }
0xbe: {  	[spmem:s2] =	stream.indirect.scatter.add.f32 [tilespmem:s0], [sflag:$0x6], $0x10, s15, s1, $0xb8;
	[tilespmem:$0xBF20] =	vst v63  }
0xbf: {  	_ =	swait.ge [sflag:s31], $0x500  }
0xc0: {  	[sflag:s31] =	ssyncset.done $0x0  }
0xc1: {  	[sflag:s31] =	ssyncadd.s32 $0xFFFFFB00  }
0xc2: {  	_ =	swait.ge [sflag:s19], $0x500  }
0xc3: {  	[sflag:s19] =	ssyncset.done $0x0  }
0xc4: {  	[sflag:s19] =	ssyncadd.s32 $0xFFFFFB00  }
0xc5: {  	[tilespmem:s0], [sflag:$0x1] =	stream.indirect.gather [spmem:s3], $0x10, s23, s1, $0xb8;
	[tilespmem:$0xBF20] =	vst v63  }
0xc6: {  	s24 =	simm.s32 $0x4CE0  }
0xc7: {  	[spmem:s2] =	stream.indirect.scatter.add.f32 [tilespmem:s11], [sflag:$0x6], $0x10, s24, s1, $0xb8;
	[tilespmem:$0xBF20] =	vst v63  }
0xc8: {  	_ =	swait.ge [sflag:s31], $0x500  }
0xc9: {  	[sflag:s31] =	ssyncset.done $0x0  }
0xca: {  	[sflag:s31] =	ssyncadd.s32 $0xFFFFFB00  }
0xcb: {  	_ =	swait.ge [sflag:s20], $0x500  }
0xcc: {  	[sflag:s20] =	ssyncset.done $0x0  }
0xcd: {  	[sflag:s20] =	ssyncadd.s32 $0xFFFFFB00  }
0xce: {  	[tilespmem:s11], [sflag:$0x2] =	stream.indirect.gather [spmem:s3], $0x10, s23, s1, $0xb8;
	[tilespmem:$0xBF20] =	vst v63  }
0xcf: {  	s25 =	simm.s32 $0x4D30  }
0xd0: {  	[spmem:s2] =	stream.indirect.scatter.add.f32 [tilespmem:s13], [sflag:$0x6], $0x10, s25, s1, $0xb8;
	[tilespmem:$0xBF20] =	vst v63  }
0xd1: {  	_ =	swait.ge [sflag:s31], $0x500  }
0xd2: {  	[sflag:s31] =	ssyncset.done $0x0  }
0xd3: {  	[sflag:s31] =	ssyncadd.s32 $0xFFFFFB00  }
0xd4: {  	_ =	swait.ge [sflag:s12], $0x500  }
0xd5: {  	[sflag:s12] =	ssyncset.done $0x0  }
0xd6: {  	[sflag:s12] =	ssyncadd.s32 $0xFFFFFB00  }
0xd7: {  	[tilespmem:s13], [sflag:$0x3] =	stream.indirect.gather [spmem:s3], $0x10, s23, s1, $0xb8;
	[tilespmem:$0xBF20] =	vst v63  }
0xd8: {  	s24 =	simm.s32 $0x4D80  }
0xd9: {  	[spmem:s2] =	stream.indirect.scatter.add.f32 [tilespmem:s17], [sflag:$0x6], $0x10, s24, s1, $0xb8;
	[tilespmem:$0xBF20] =	vst v63  }
0xda: {  	_ =	swait.ge [sflag:s31], $0x500  }
0xdb: {  	[sflag:s31] =	ssyncset.done $0x0  }
0xdc: {  	[sflag:s31] =	ssyncadd.s32 $0xFFFFFB00  }
0xdd: {  	_ =	swait.ge [sflag:s21], $0x500  }
0xde: {  	[sflag:s21] =	ssyncset.done $0x0  }
0xdf: {  	[sflag:s21] =	ssyncadd.s32 $0xFFFFFB00  }
0xe0: {  	[tilespmem:s17], [sflag:$0x4] =	stream.indirect.gather [spmem:s3], $0x10, s23, s1, $0xb8;
	[tilespmem:$0xBF20] =	vst v63  }
0xe1: {  	s25 =	simm.s32 $0x4DD0  }
0xe2: {  	[spmem:s2] =	stream.indirect.scatter.add.f32 [tilespmem:s18], [sflag:$0x6], $0x10, s25, s1, $0xb8;
	[tilespmem:$0xBF20] =	vst v63  }
0xe3: {  	_ =	swait.ge [sflag:s31], $0x500  }
0xe4: {  	[sflag:s31] =	ssyncset.done $0x0  }
0xe5: {  	[sflag:s31] =	ssyncadd.s32 $0xFFFFFB00  }
0xe6: {  	_ =	swait.ge [sflag:s10], $0x500  }
0xe7: {  	[sflag:s10] =	ssyncset.done $0x0  }
0xe8: {  	[sflag:s10] =	ssyncadd.s32 $0xFFFFFB00  }
0xe9: {  	_ =	swait.ge [sflag:s19], $0x500  }
0xea: {  	[sflag:s19] =	ssyncset.done $0x0  }
0xeb: {  	[sflag:s19] =	ssyncadd.s32 $0xFFFFFB00  }
0xec: {  	_ =	swait.ge [sflag:s20], $0x500  }
0xed: {  	[sflag:s20] =	ssyncset.done $0x0  }
0xee: {  	[sflag:s20] =	ssyncadd.s32 $0xFFFFFB00  }
0xef: {  	_ =	swait.ge [sflag:s12], $0x500  }
0xf0: {  	[sflag:s12] =	ssyncset.done $0x0  }
0xf1: {  	[sflag:s12] =	ssyncadd.s32 $0xFFFFFB00  }
0xf2: {  	[bflag:$0x0] =	sbarrier.arrive $0xFFFF  }
0xf3: {  	[tilespmem:s30], [sflag:$0x6] =	stream.linear.gather [spmem:s5], $0x800, $0x38;
	[tilespmem:$0xBF20] =	vst v63  }
0xf4: {  	_ =	swait.ge [sflag:s31], $0x800  }
0xf5: {  	[sflag:s31] =	ssyncset.done $0x0;
	s24 =	rddreg [dreg:$0x4]  }
0xf6: {  	[sflag:s31] =	ssyncadd.s32 $0xFFFFF800;
	s15 =	sadd.s32 s24, s22  }
0xf7: {  	[hbm4b:s15+s4] =	stream.linear.scatter [tilespmem:s30], [sflag:$0x6], $0x800, $0x38;
	[tilespmem:$0xBF20] =	vst v63  }
0xf8: {  	_ =	swait.ge [sflag:s31], $0x800  }
0xf9: {  	[sflag:s31] =	ssyncset.done $0x0  }
0xfa: {  	[sflag:s31] =	ssyncadd.s32 $0xFFFFF800  }
0xfb: {  	[tilespmem:s30], [sflag:$0x6] =	stream.linear.gather [spmem:s6], $0x800, $0x38;
	[tilespmem:$0xBF20] =	vst v63  }
0xfc: {  	_ =	swait.ge [sflag:s31], $0x800  }
0xfd: {  	[sflag:s31] =	ssyncset.done $0x0;
	s25 =	rddreg [dreg:$0x6]  }
0xfe: {  	[sflag:s31] =	ssyncadd.s32 $0xFFFFF800;
	s15 =	sadd.s32 s25, s22  }
0xff: {  	[hbm4b:s15+s4] =	stream.linear.scatter [tilespmem:s30], [sflag:$0x6], $0x800, $0x38;
	[tilespmem:$0xBF20] =	vst v63  }
0x100: {  	_ =	swait.ge [sflag:s31], $0x800  }
0x101: {  	[sflag:s31] =	ssyncset.done $0x0  }
0x102: {  	[sflag:s31] =	ssyncadd.s32 $0xFFFFF800  }
0x103: {  	[tilespmem:s30], [sflag:$0x6] =	stream.linear.gather [spmem:s7], $0x800, $0x38;
	[tilespmem:$0xBF20] =	vst v63  }
0x104: {  	_ =	swait.ge [sflag:s31], $0x800  }
0x105: {  	[sflag:s31] =	ssyncset.done $0x0;
	s24 =	rddreg [dreg:$0x8]  }
0x106: {  	[sflag:s31] =	ssyncadd.s32 $0xFFFFF800;
	s15 =	sadd.s32 s24, s22  }
0x107: {  	[hbm4b:s15+s4] =	stream.linear.scatter [tilespmem:s30], [sflag:$0x6], $0x800, $0x38;
	[tilespmem:$0xBF20] =	vst v63  }
0x108: {  	_ =	swait.ge [sflag:s31], $0x800  }
0x109: {  	[sflag:s31] =	ssyncset.done $0x0  }
0x10a: {  	[sflag:s31] =	ssyncadd.s32 $0xFFFFF800  }
0x10b: {  	[tilespmem:s30], [sflag:$0x6] =	stream.linear.gather [spmem:s8], $0x800, $0x38;
	[tilespmem:$0xBF20] =	vst v63  }
0x10c: {  	_ =	swait.ge [sflag:s31], $0x800  }
0x10d: {  	[sflag:s31] =	ssyncset.done $0x0;
	s25 =	rddreg [dreg:$0x9]  }
0x10e: {  	[sflag:s31] =	ssyncadd.s32 $0xFFFFF800;
	s15 =	sadd.s32 s25, s22  }
0x10f: {  	[hbm4b:s15+s4] =	stream.linear.scatter [tilespmem:s30], [sflag:$0x6], $0x800, $0x38;
	[tilespmem:$0xBF20] =	vst v63  }
0x110: {  	_ =	swait.ge [sflag:s31], $0x800  }
0x111: {  	[sflag:s31] =	ssyncset.done $0x0  }
0x112: {  	[sflag:s31] =	ssyncadd.s32 $0xFFFFF800  }
0x113: {  	[tilespmem:s30], [sflag:$0x6] =	stream.linear.gather [spmem:s9], $0x800, $0x38;
	[tilespmem:$0xBF20] =	vst v63  }
0x114: {  	_ =	swait.ge [sflag:s31], $0x800  }
0x115: {  	[sflag:s31] =	ssyncset.done $0x0  }
0x116: {  	s24 =	sadd.s32 s16, s22;
	[sflag:s31] =	ssyncadd.s32 $0xFFFFF800  }
0x117: {  	[hbm4b:s24+s4] =	stream.linear.scatter [tilespmem:s30], [sflag:$0x6], $0x800, $0x38;
	[tilespmem:$0xBF20] =	vst v63  }
0x118: {  	_ =	swait.ge [sflag:s31], $0x800  }
0x119: {  	s14 =	sadd.s32 $0x1, s14;
	s25 =	rddreg [dreg:$0xf]  }
0x11a: {  	p0 =	sne.s32 s14, s25  }
.Ltmp2:
0x11b: {  	_ = 	snop;
	(pc) =	sbr.rel @p0 .LBB2_1-.Ltmp2, $3  }
0x11c: {  	_ =	sdelay $0x1  }
0x11d: {  	[sflag:s31] =	ssyncset.done $0x0  }
0x11e: {  	[sflag:s31] =	ssyncadd.s32 $0xFFFFF800  }
0x11f: {  	_ =	sfence.sel $0x180000  }
0x120: {  	[bflag:$0x0] =	sbarrier.arrive $0xFFFF  }
0x121: {  	_ =	strace $0x9000004D  }
0x122: {  	s0 =	stileid.u32;
	[bflag:$0x2] =	sbarrier.arrive $0xFFFF  }
0x123: {  	p0 =	sne.s32 s0, $0x0;
	s0 =	rddreg [dreg:$0x3]  }
0x124: {  	s0 =	sadd.s32 @!p0 $0x100000, s0  }
0x125: {  	[sflag:s0] =	ssyncadd.tile.s32 @!p0 $0x1;
	_ =	shalt  }
.Lfunc_end2:
_tile_overlayer_lowered:
.L_overlay_start_2:
0x126: {  	(tag) =	ssettag $0x2  }
0x127: {  	s0 =	rddreg [dreg:$0x0];
	s2 =	stileid.u32  }
0x128: {  	s1 =	rddreg [dreg:$0x1];
	p0 =	sne.s32 s2, $0x0  }
0x129: {  	s3 =	rddreg [dreg:$0x2];
	[bflag:$0x3] =	sbarrier.arrive $0xFFFF;
	s2 =	simm.s32 @!p0 $0x1C06  }
0x12a: {  	[timem:s3], [sflag:s2] =	dma.local @!p0 [hbm:s0], s1  }
0x12b: {  	s0 =	simm.s32 @!p0 $0x6  }
0x12c: {  	_ =	swait.ge @!p0 [sflag:s0], s1  }
0x12d: {  	s1 =	ssub.s32 @!p0 $0x0, s1;
	[sflag:s0] =	ssyncset.done @!p0 $0x0  }
0x12e: {  	[sflag:s0] =	ssyncadd.s32 @!p0 s1  }
0x12f: {  	[bflag:$0x3] =	sbarrier.arrive $0xFFFF  }
0x130: {  	_ =	shalt  }

// kernel: kernel.8.cloned.1.call-start
scs
__scs_entry_jumppad:
0x0: {  	(pc) =	sbr.rel $0x88, $3  }
0x1: {  	(tag) =	ssettag $0x0;
	lr =	simm.s32 $0x1  }
0x2: {  	[smem:$0x3F9B] =	sst lr;
	_ =	strace $0xD0000000  }
0x3: {  	_ = 	snop  }
0x4: {  	_ = 	snop  }
0x5: {  	_ = 	snop  }
0x6: {  	_ = 	snop  }
0x7: {  	_ = 	snop  }
__scs_overlays_trampoline_lowered:
0x8: {  	[smem:$0x3FAA] =	sst s0  }
0x9: {  	[smem:$0x3FAB] =	sst s1  }
0xa: {  	[smem:$0x3FAC] =	sst s2  }
0xb: {  	[smem:$0x3FAD] =	sst s3  }
0xc: {  	[smem:$0x3FAE] =	sst s4  }
0xd: {  	[smem:$0x3FAF] =	sst s5  }
0xe: {  	[smem:$0x3FB0] =	sst s6  }
0xf: {  	[smem:$0x3FB1] =	sst s7  }
0x10: {  	[smem:$0x3FB2] =	sst s8  }
0x11: {  	[smem:$0x3FB3] =	sst s9;
	s0 =	simm.s32 @!p0 $0x0  }
0x12: {  	s1 =	sld [smem:$0x3F99];
	s0 =	simm.s32 @p0 $0x1  }
0x13: {  	[smem:$0x3FB4] =	sst s0;
	s0 =	simm.s32 @!p1 $0x0  }
0x14: {  	s2 =	sld [smem:$0x3F98];
	s0 =	simm.s32 @p1 $0x1  }
0x15: {  	[smem:$0x3FB5] =	sst s0;
	s0 =	simm.s32 @!p2 $0x0  }
0x16: {  	s3 =	sld [smem:$0x3FDB];
	s0 =	simm.s32 @p2 $0x1  }
0x17: {  	s4 =	simm.s32 $0x1BF5;
	[smem:$0x3FB7] =	sst s0  }
0x18: {  	s0 =	sld [smem:$0x3F9A];
	_ =	swait.ge [sflag:s4], $0x0  }
0x19: {  	s7 =	sld [smem:$0x3F9B]  }
0x1a: {  	s8 =	sadd.s32 $0xFFFFE003, lr  }
0x1b: {  	s9 =	sadd.s32 $0xFFFFFEF7, lr;
	s5 =	simm.s32 $0xFFFFFFFF;
	p2 =	slt.u32 s8, $0xFFFFF086  }
0x1c: {  	p1 =	slt.u32 s9, $0xF7A;
	s5 =	simm.s32 @!p2 $0x0  }
0x1d: {  	s5 =	simm.s32 @p1 $0x1;
	p0 =	seq.s32 s7, s2  }
0x1e: {  	s7 =	smul.u32 @!p0 $0xF7A, s2;
	p2 =	seq.s32 @!p0 s5, $0x0  }
0x1f: {  	s9 =	smul.u32 $0xF7A, s1;
	s8 =	simm.s32 @!p0 $0x1BF5;
	p2 =	por !p2, p0  }
0x20: {  	[sflag:s8] =	ssyncset.s32 @!p0 $0xFFFFF086;
	s6 =	sadd.s32 @!p0 s3, s7;
	s7 =	simm.s32 @!p0 $0x108  }
0x21: {  	s3 =	sadd.s32 s3, s9;
	s6 =	sadd.s32 @!p0 $0x88, s6;
	s7 =	simm.s32 @p2 $0x1082  }
0x22: {  	[simem:s7], [sflag:s8] =	dma.local @!p0 [hbm:s6], $0xF7A  }
0x23: {  	s9 =	sor.u32 $0xD0000000, s2;
	s6 =	simm.s32 $0x108;
	_ =	swait.ge @!p0 [sflag:s8], $0x0  }
0x24: {  	s3 =	sadd.s32 $0x88, s3;
	s6 =	simm.s32 @!p1 $0x1082;
	[sflag:s4] =	ssyncset.s32 $0xFFFFF086  }
0x25: {  	[simem:s6], [sflag:s4] =	dma.local [hbm:s3], $0xF7A  }
0x26: {  	[smem:$0x3F9B] =	sst s1;
	(tag) =	ssettag s2;
	_ =	strace s9  }
0x27: {  	s1 =	sld [smem:$0x3FAB]  }
0x28: {  	s2 =	sld [smem:$0x3FAC]  }
0x29: {  	s4 =	sld [smem:$0x3FAE]  }
0x2a: {  	p0 =	seq.s32 s5, $0x0;
	s5 =	sld [smem:$0x3FAF]  }
0x2b: {  	s6 =	sld [smem:$0x3FB0]  }
0x2c: {  	s7 =	sld [smem:$0x3FB1]  }
0x2d: {  	s3 =	simm.s32 $0x108;
	s8 =	sld [smem:$0x3FB2]  }
0x2e: {  	s3 =	simm.s32 @!p0 $0x1082;
	s9 =	sld [smem:$0x3FB3]  }
0x2f: {  	lr =	sadd.s32 s0, s3;
	s0 =	sld [smem:$0x3FAA]  }
0x30: {  	s3 =	sld [smem:$0x3FAD]  }
0x31: {  	[smem:$0x3FB6] =	sst s10  }
0x32: {  	s10 =	sld [smem:$0x3FB4];
	_ =	sdelay $0x3  }
0x33: {  	p0 =	seq.s32 s10, $0x1;
	s10 =	sld [smem:$0x3FB6];
	_ =	sdelay $0x3  }
0x34: {  	[smem:$0x3FB6] =	sst s10  }
0x35: {  	s10 =	sld [smem:$0x3FB5];
	_ =	sdelay $0x3  }
0x36: {  	p1 =	seq.s32 s10, $0x1;
	s10 =	sld [smem:$0x3FB6];
	_ =	sdelay $0x3  }
0x37: {  	[smem:$0x3FB6] =	sst s10  }
0x38: {  	s10 =	sld [smem:$0x3FB7]  }
0x39: {  	_ = 	snop;
	(pc) =	sbr.ind lr, $3  }
0x3a: {  	_ = 	snop  }
0x3b: {  	_ = 	snop  }
0x3c: {  	p2 =	seq.s32 s10, $0x1;
	s10 =	sld [smem:$0x3FB6]  }
0x3d: {  	_ =	shalt  }
0x3e: {  	_ =	shalt  }
0x3f: {  	_ =	shalt  }
0x40: {  	_ =	shalt  }
0x41: {  	_ =	shalt  }
0x42: {  	_ =	shalt  }
0x43: {  	_ =	shalt  }
0x44: {  	_ =	shalt  }
0x45: {  	_ =	shalt  }
0x46: {  	_ =	shalt  }
0x47: {  	_ =	shalt  }
0x48: {  	_ =	shalt  }
0x49: {  	_ =	shalt  }
0x4a: {  	_ =	shalt  }
0x4b: {  	_ =	shalt  }
0x4c: {  	_ =	shalt  }
0x4d: {  	_ =	shalt  }
0x4e: {  	_ =	shalt  }
0x4f: {  	_ =	shalt  }
0x50: {  	_ =	shalt  }
0x51: {  	_ =	shalt  }
0x52: {  	_ =	shalt  }
0x53: {  	_ =	shalt  }
0x54: {  	_ =	shalt  }
0x55: {  	_ =	shalt  }
0x56: {  	_ =	shalt  }
0x57: {  	_ =	shalt  }
0x58: {  	_ =	shalt  }
0x59: {  	_ =	shalt  }
0x5a: {  	_ =	shalt  }
0x5b: {  	_ =	shalt  }
0x5c: {  	_ =	shalt  }
0x5d: {  	_ =	shalt  }
0x5e: {  	_ =	shalt  }
0x5f: {  	_ =	shalt  }
0x60: {  	_ =	shalt  }
0x61: {  	_ =	shalt  }
0x62: {  	_ =	shalt  }
0x63: {  	_ =	shalt  }
0x64: {  	_ =	shalt  }
0x65: {  	_ =	shalt  }
0x66: {  	_ =	shalt  }
0x67: {  	_ =	shalt  }
0x68: {  	_ =	shalt  }
0x69: {  	_ =	shalt  }
0x6a: {  	_ =	shalt  }
0x6b: {  	_ =	shalt  }
0x6c: {  	_ =	shalt  }
0x6d: {  	_ =	shalt  }
0x6e: {  	_ =	shalt  }
0x6f: {  	_ =	shalt  }
0x70: {  	_ =	shalt  }
0x71: {  	_ =	shalt  }
0x72: {  	_ =	shalt  }
0x73: {  	_ =	shalt  }
0x74: {  	_ =	shalt  }
0x75: {  	_ =	shalt  }
0x76: {  	_ =	shalt  }
0x77: {  	_ =	shalt  }
0x78: {  	_ =	shalt  }
0x79: {  	_ =	shalt  }
0x7a: {  	_ =	shalt  }
0x7b: {  	_ =	shalt  }
0x7c: {  	_ =	shalt  }
0x7d: {  	_ =	shalt  }
0x7e: {  	_ =	shalt  }
0x7f: {  	_ =	shalt  }
0x80: {  	_ =	shalt  }
0x81: {  	_ =	shalt  }
0x82: {  	_ =	shalt  }
0x83: {  	_ =	shalt  }
0x84: {  	_ =	shalt  }
0x85: {  	_ =	shalt  }
0x86: {  	_ =	shalt  }
0x87: {  	_ =	shalt  }
.Lfunc_end0:
.L_simem_size_0:
called_computation_lowered:
.L_overlay_start_0:
0x88: {  	s2 =	sld [smem:$0x3FD9]  }
0x89: {  	s3 =	sld [smem:$0x3FFE];
	_ =	sdelay $0x1  }
0x8a: {  	s1 =	srdreg.scid  }
0x8b: {  	s0 =	sand.u32 $0x1, s1  }
0x8c: {  	s16 =	sshll.u32 s0, $0xA;
	s2 =	sadd.s32 s3, s2  }
0x8d: {  	s2 =	sadd.s32 s2, s16  }
0x8e: {  	[smem:$0x3FC2] =	sst s2  }
0x8f: {  	_ = 	snop  }
0x90: {  	(tm) =	ssettm $0x1  }
0x91: {  	s17 =	sld [smem:$0x3FFB];
	_ =	sdelay $0x3  }
0x92: {  	_ =	strace s17  }
0x93: {  	s2 =	sld [smem:$0x3FFC];
	_ =	sdelay $0x3  }
0x94: {  	_ =	strace s2  }
0x95: {  	s2 =	sld [smem:$0x3FFD];
	_ =	sdelay $0x3  }
0x96: {  	_ =	strace s2  }
0x97: {  	_ =	strace $0x8FFFFFFF  }
0x98: {  	s18 =	sld [smem:$0x3FDB];
	_ =	sdelay $0x1  }
0x99: {  	s19 =	simm.s32 $_scs_section_size  }
0x9a: {  	s4 =	simm.s32 $_size__tile_overlayer_lowered;
	s5 =	simm.s32 $_tile_overlayer_lowered  }
0x9b: {  	s22 =	simm.s32 $0x1BFF;
	s21 =	sshll.u32 s5, $0x1;
	s2 =	sadd.s32 s19, s18  }
0x9c: {  	s6 =	simm.s32 $0x0;
	s20 =	sshll.u32 s4, $0x1;
	s4 =	sadd.s32 s21, s2  }
0x9d: {  	[timem:s6], [sflag:s22] =	dma.local [hbm:s4], s20  }
0x9e: {  	_ =	swait.ge [sflag:s22], s20  }
0x9f: {  	s3 =	ssub.s32 $0x0, s20;
	[sflag:s22] =	ssyncset.done $0x0  }
0xa0: {  	[sflag:s22] =	ssyncadd.s32 s3;
	_ =	sdelay $0x1  }
0xa1: {  	s23 =	simm.s32 $0x1B8B  }
0xa2: {  	_ =	swait.ge [sflag:s23], $0x1  }
0xa3: {  	[sflag:s23] =	ssyncset.done $0x0  }
0xa4: {  	s25 =	simm.s32 $0x1B8E;
	s24 =	sld [smem:$0x3FFE];
	[sflag:s23] =	ssyncadd.s32 $0xFFFFFFFF  }
0xa5: {  	s26 =	simm.s32 $execute0_lowered;
	[smem:$0x3FD2] =	sst s25  }
0xa6: {  	s4 =	sshll.u32 s26, $0x1;
	_ =	strace $0x80000046;
	[dreg:$0x1] =	wrdreg $0xFFFFFFFF  }
0xa7: {  	s28 =	simm.s32 $_size_execute0_lowered;
	s2 =	sadd.s32 s2, s4;
	[dreg:$0x0] =	wrdreg $0x0  }
0xa8: {  	s4 =	sshll.u32 s28, $0x1;
	[dreg:$0x2] =	wrdreg s2  }
0xa9: {  	[dreg:$0x3] =	wrdreg s4  }
0xaa: {  	[dreg:$0x4] =	wrdreg $0xC0  }
0xab: {  	_ =	task [dreg:s6], $0x5FFFF  }
0xac: {  	[dreg:$0x1] =	wrdreg $0xFFFFFFFF  }
0xad: {  	[dreg:$0x0] =	wrdreg $0x60  }
0xae: {  	[dreg:$0x2] =	wrdreg s24  }
0xaf: {  	[dreg:$0x3] =	wrdreg $0x34100  }
0xb0: {  	[dreg:$0x4] =	wrdreg $0x9  }
0xb1: {  	_ =	task.clear_ibuf [dreg:s6], $0x5FFFF;
	_ =	strace $0x90000046  }
0xb2: {  	s29 =	simm.s32 $0x9;
	_ =	strace $0x80000048  }
0xb3: {  	_ =	swait.ge [sflag:s29], $0x1  }
0xb4: {  	[sflag:s29] =	ssyncadd.s32 $0xFFFFFFFF  }
0xb5: {  	_ =	strace $0x90000048  }
0xb6: {  	_ =	sfence  }
0xb7: {  	s30 =	sld [smem:$0x0];
	_ =	sdelay $0x2  }
0xb8: {  	s31 =	sshll.u32 s1, $0xD;
	s1 =	sshrl.u32 s1, $0x2  }
0xb9: {  	s3 =	sand.u32 $0x4000, s31;
	s1 =	sadd.s32 s1, s30  }
0xba: {  	s0 =	sor.u32 s3, s0;
	s1 =	sshll.u32 s1, $0x11  }
0xbb: {  	s0 =	sor.u32 s1, s0  }
0xbc: {  	s0 =	sadd.s32 $0x8F2B, s0  }
0xbd: {  	[sflag:s0] =	ssyncadd.remote.s32 $0x1  }
0xbe: {  	_ =	sfence.sel $0xFFFF  }
0xbf: {  	[dreg:$0x0] =	wrdreg $0xFFFFFFFF;
	(pc) =	sbr.abs _section_cstart, $3  }
0xc0: {  	[dreg:$0x1] =	wrdreg $0xFFFFFFFF  }
0xc1: {  	_ =	task.clear_ibuf [dreg:s6], $0x2FFFF;
	_ =	strace $0x9FFFFFFF  }
0xc2: {  	(tm) =	ssettm $0x7FFFFFFF  }
0xc3: {  	_ =	shalt  }
tec
execute0_lowered:
.L_overlay_start_1:
0x0: {  	(tag) =	ssettag $0x1  }
0x1: {  	s5 =	rddreg [dreg:$0x0]  }
0x2: {  	s0 =	srdreg.scid;
	s2 =	rddreg [dreg:$0x1];
	s3 =	simm.s32 $0x0  }
0x3: {  	s4 =	sand.u32 $0x1, s0;
	s0 =	stileid.u32;
	[smem:$0x7FF] =	sst s3  }
0x4: {  	s1 =	sshll.u32 s4, $0x4;
	s7 =	smul.u32 $0x5000, s4;
	s4 =	ssub.s32 $0x2, s4  }
0x5: {  	s10 =	smul.u32 $0x2800, s0;
	s1 =	sor.u32 s0, s1;
	s31 =	sshrl.u32 s4, $0x1  }
0x6: {  	s6 =	smul.u32 $0x4E2, s1;
	s1 =	rddreg [dreg:$0x2];
	_ =	strace $0x80000047  }
0x7: {  	s11 =	sadd.s32 s7, s5;
	s12 =	sadd.s32 $0x800, s10;
	s13 =	ssub.s32 s4, s31  }
0x8: {  	s4 =	sadd.s32 s10, s2;
	s14 =	sadd.s32 $0x1000, s10;
	s15 =	sadd.s32 $0x1800, s10  }
0x9: {  	s16 =	sadd.s32 $0x2000, s10;
	s17 =	sshrl.u32 s10, $0x3;
	s7 =	sadd.s32 s15, s2  }
0xa: {  	s8 =	sadd.s32 s16, s2;
	s19 =	sadd.s32 $0x15000, s11;
	s18 =	sshrl.u32 s12, $0x3  }
0xb: {  	s20 =	sshrl.u32 s14, $0x3;
	s21 =	sshrl.u32 s15, $0x3;
	s22 =	sshrl.u32 s16, $0x3  }
0xc: {  	s10 =	smax.u32 s13, $0x1;
	s11 =	simm.s32 $0x2710;
	s13 =	simm.s32 $0x50  }
0xd: {  	s9 =	sadd.s32 s6, s5;
	s5 =	sadd.s32 s12, s2;
	s6 =	sadd.s32 s14, s2  }
0xe: {  	s12 =	simm.s32 $0x1;
	s14 =	simm.s32 $0x2F10;
	s15 =	sadd.s32 s17, s19  }
0xf: {  	s16 =	sadd.s32 s18, s19;
	s17 =	sadd.s32 s20, s19;
	s18 =	sadd.s32 s21, s19  }
0x10: {  	v0 =	vimm.f32 $0.0e+00;
	v1 =	vimm.f32 $1.000000000e+00;
	s19 =	sadd.s32 s22, s19;
	s20 =	simm.s32 $0x0;
	s9 =	sadd.s32 $0xB200, s9  }
.LBB2_1:
0x11: {  	s21 =	simm.s32 $0x0  }
.LBB2_2:
0x12: {  	p0 =	sne.s32 s21, $0x1FC0  }
.Ltmp0:
0x13: {  	_ = 	snop;
	(pc) =	sbr.rel @p0 .LBB2_2-.Ltmp0, $3  }
0x14: {  	_ =	sdelay $0x1  }
0x15: {  	s22 =	sshra.s32 s21, $0x2  }
0x16: {  	s21 =	sadd.s32 $0x40, s21;
	[tilespmem:s22+$0x2710] =	vst v0  }
0x17: {  	s21 =	simm.s32 $0x40;
	s22 =	simm.s32 $0x0  }
.LBB2_4:
0x18: {  	p0 =	sne.s32 s21, $0x13C0;
	[tilespmem:s22+$0x2F10] =	vst v1;
	s22 =	smov.u32 s21;
	s21 =	sadd.s32 $0x40, s21  }
.Ltmp1:
0x19: {  	(pc) =	sbr.rel @p0 .LBB2_4-.Ltmp1, $2  }
0x1a: {  	_ =	sdelay $0x2  }
0x1b: {  	s22 =	sshra.s32 s22, $0x2  }
0x1c: {  	[tilespmem:s22+$0x2F10] =	vst v1  }
0x1d: {  	[spmem:s4] =	stream.linear.scatter [tilespmem:s11], [sflag:$0x1], $0x800, $0x38;
	[tilespmem:$0x5C10] =	vst v63  }
0x1e: {  	_ =	swait.ge [sflag:s12], $0x800  }
0x1f: {  	[sflag:s12] =	ssyncset.done $0x0  }
0x20: {  	[sflag:s12] =	ssyncadd.s32 $0xFFFFF800  }
0x21: {  	[spmem:s5] =	stream.linear.scatter [tilespmem:s11], [sflag:$0x1], $0x800, $0x38;
	[tilespmem:$0x5C10] =	vst v63  }
0x22: {  	_ =	swait.ge [sflag:s12], $0x800  }
0x23: {  	[sflag:s12] =	ssyncset.done $0x0  }
0x24: {  	[sflag:s12] =	ssyncadd.s32 $0xFFFFF800  }
0x25: {  	[spmem:s6] =	stream.linear.scatter [tilespmem:s11], [sflag:$0x1], $0x800, $0x38;
	[tilespmem:$0x5C10] =	vst v63  }
0x26: {  	_ =	swait.ge [sflag:s12], $0x800  }
0x27: {  	[sflag:s12] =	ssyncset.done $0x0  }
0x28: {  	[sflag:s12] =	ssyncadd.s32 $0xFFFFF800  }
0x29: {  	[spmem:s7] =	stream.linear.scatter [tilespmem:s11], [sflag:$0x1], $0x800, $0x38;
	[tilespmem:$0x5C10] =	vst v63  }
0x2a: {  	_ =	swait.ge [sflag:s12], $0x800  }
0x2b: {  	[sflag:s12] =	ssyncset.done $0x0  }
0x2c: {  	[sflag:s12] =	ssyncadd.s32 $0xFFFFF800  }
0x2d: {  	[spmem:s8] =	stream.linear.scatter [tilespmem:s11], [sflag:$0x1], $0x800, $0x38;
	[tilespmem:$0x5C10] =	vst v63  }
0x2e: {  	_ =	swait.ge [sflag:s12], $0x800  }
0x2f: {  	[sflag:s12] =	ssyncset.done $0x0  }
0x30: {  	s21 =	simm.s32 $0x0;
	[sflag:s12] =	ssyncadd.s32 $0xFFFFF800  }
0x31: {  	[tilespmem:s21], [sflag:$0x1] =	stream.linear.gather [hbm4b:s9+s21], $0x2710, $0x38;
	[tilespmem:$0x5C10] =	vst v63  }
0x32: {  	_ =	swait.ge [sflag:s12], $0x2710  }
0x33: {  	[sflag:s12] =	ssyncset.done $0x0  }
0x34: {  	[sflag:s12] =	ssyncadd.s32 $0xFFFFD8F0  }
0x35: {  	s31 =	simm.s32 $0x0;
	[bflag:$0x0] =	sbarrier.arrive $0xFFFF  }
0x36: {  	[spmem:s2] =	stream.indirect.scatter.add.f32 [tilespmem:s14], [sflag:$0x1], $0x10, s31, s13, $0xb8;
	[tilespmem:$0x5C10] =	vst v63  }
0x37: {  	_ =	swait.ge [sflag:s12], $0x500  }
0x38: {  	s21 =	simm.s32 $0x140;
	[sflag:s12] =	ssyncset.done $0x0  }
.LBB2_6:
0x39: {  	s22 =	sshra.s32 s21, $0x2;
	[sflag:s12] =	ssyncadd.s32 $0xFFFFFB00;
	p0 =	sne.s32 s21, $0x9B00  }
0x3a: {  	[spmem:s2] =	stream.indirect.scatter.add.f32 [tilespmem:s14], [sflag:$0x1], $0x10, s22, s13, $0xb8;
	[tilespmem:$0x5C10] =	vst v63  }
.Ltmp2:
0x3b: {  	_ = 	snop;
	(pc) =	sbr.rel @p0 .LBB2_6-.Ltmp2, $4  }
0x3c: {  	_ = 	snop  }
0x3d: {  	s21 =	sadd.s32 $0x140, s21  }
0x3e: {  	_ =	swait.ge [sflag:s12], $0x500  }
0x3f: {  	[sflag:s12] =	ssyncset.done $0x0  }
0x40: {  	[sflag:s12] =	ssyncadd.s32 $0xFFFFFB00  }
0x41: {  	[bflag:$0x0] =	sbarrier.arrive $0xFFFF  }
0x42: {  	[tilespmem:s11], [sflag:$0x1] =	stream.linear.gather [spmem:s4], $0x800, $0x38;
	[tilespmem:$0x5C10] =	vst v63  }
0x43: {  	_ =	swait.ge [sflag:s12], $0x800  }
0x44: {  	[sflag:s12] =	ssyncset.done $0x0  }
0x45: {  	[sflag:s12] =	ssyncadd.s32 $0xFFFFF800  }
0x46: {  	[hbm4b:s15+s3] =	stream.linear.scatter [tilespmem:s11], [sflag:$0x1], $0x800, $0x38;
	[tilespmem:$0x5C10] =	vst v63  }
0x47: {  	_ =	swait.ge [sflag:s12], $0x800  }
0x48: {  	[sflag:s12] =	ssyncset.done $0x0  }
0x49: {  	[sflag:s12] =	ssyncadd.s32 $0xFFFFF800  }
0x4a: {  	[tilespmem:s11], [sflag:$0x1] =	stream.linear.gather [spmem:s5], $0x800, $0x38;
	[tilespmem:$0x5C10] =	vst v63  }
0x4b: {  	_ =	swait.ge [sflag:s12], $0x800  }
0x4c: {  	[sflag:s12] =	ssyncset.done $0x0  }
0x4d: {  	[sflag:s12] =	ssyncadd.s32 $0xFFFFF800  }
0x4e: {  	[hbm4b:s16+s3] =	stream.linear.scatter [tilespmem:s11], [sflag:$0x1], $0x800, $0x38;
	[tilespmem:$0x5C10] =	vst v63  }
0x4f: {  	_ =	swait.ge [sflag:s12], $0x800  }
0x50: {  	[sflag:s12] =	ssyncset.done $0x0  }
0x51: {  	[sflag:s12] =	ssyncadd.s32 $0xFFFFF800  }
0x52: {  	[tilespmem:s11], [sflag:$0x1] =	stream.linear.gather [spmem:s6], $0x800, $0x38;
	[tilespmem:$0x5C10] =	vst v63  }
0x53: {  	_ =	swait.ge [sflag:s12], $0x800  }
0x54: {  	[sflag:s12] =	ssyncset.done $0x0  }
0x55: {  	[sflag:s12] =	ssyncadd.s32 $0xFFFFF800  }
0x56: {  	[hbm4b:s17+s3] =	stream.linear.scatter [tilespmem:s11], [sflag:$0x1], $0x800, $0x38;
	[tilespmem:$0x5C10] =	vst v63  }
0x57: {  	_ =	swait.ge [sflag:s12], $0x800  }
0x58: {  	[sflag:s12] =	ssyncset.done $0x0  }
0x59: {  	[sflag:s12] =	ssyncadd.s32 $0xFFFFF800  }
0x5a: {  	[tilespmem:s11], [sflag:$0x1] =	stream.linear.gather [spmem:s7], $0x800, $0x38;
	[tilespmem:$0x5C10] =	vst v63  }
0x5b: {  	_ =	swait.ge [sflag:s12], $0x800  }
0x5c: {  	[sflag:s12] =	ssyncset.done $0x0  }
0x5d: {  	[sflag:s12] =	ssyncadd.s32 $0xFFFFF800  }
0x5e: {  	[hbm4b:s18+s3] =	stream.linear.scatter [tilespmem:s11], [sflag:$0x1], $0x800, $0x38;
	[tilespmem:$0x5C10] =	vst v63  }
0x5f: {  	_ =	swait.ge [sflag:s12], $0x800  }
0x60: {  	[sflag:s12] =	ssyncset.done $0x0  }
0x61: {  	[sflag:s12] =	ssyncadd.s32 $0xFFFFF800  }
0x62: {  	[tilespmem:s11], [sflag:$0x1] =	stream.linear.gather [spmem:s8], $0x800, $0x38;
	[tilespmem:$0x5C10] =	vst v63  }
0x63: {  	s20 =	sadd.s32 $0x1, s20;
	_ =	swait.ge [sflag:s12], $0x800  }
0x64: {  	p0 =	sne.s32 s20, s10;
	[sflag:s12] =	ssyncset.done $0x0  }
.Ltmp3:
0x65: {  	[sflag:s12] =	ssyncadd.s32 $0xFFFFF800;
	(pc) =	sbr.rel @p0 .LBB2_1-.Ltmp3, $4  }
0x66: {  	[hbm4b:s19+s3] =	stream.linear.scatter [tilespmem:s11], [sflag:$0x1], $0x800, $0x38;
	[tilespmem:$0x5C10] =	vst v63  }
0x67: {  	_ =	swait.ge [sflag:s12], $0x800  }
0x68: {  	[sflag:s12] =	ssyncset.done $0x0  }
0x69: {  	[sflag:s12] =	ssyncadd.s32 $0xFFFFF800  }
0x6a: {  	_ =	sfence.sel $0x180000  }
0x6b: {  	[bflag:$0x0] =	sbarrier.arrive $0xFFFF  }
0x6c: {  	p0 =	sne.s32 s0, $0x0;
	_ =	strace $0x90000047  }
0x6d: {  	s0 =	sadd.s32 @!p0 $0x100000, s1;
	[bflag:$0x2] =	sbarrier.arrive $0xFFFF  }
0x6e: {  	[sflag:s0] =	ssyncadd.tile.s32 @!p0 $0x1;
	_ =	shalt  }
.Lfunc_end2:
_tile_overlayer_lowered:
.L_overlay_start_2:
0x6f: {  	(tag) =	ssettag $0x2  }
0x70: {  	s0 =	rddreg [dreg:$0x0];
	s2 =	stileid.u32  }
0x71: {  	s1 =	rddreg [dreg:$0x1];
	p0 =	sne.s32 s2, $0x0  }
0x72: {  	s3 =	rddreg [dreg:$0x2];
	[bflag:$0x3] =	sbarrier.arrive $0xFFFF;
	s2 =	simm.s32 @!p0 $0x1C01  }
0x73: {  	[timem:s3], [sflag:s2] =	dma.local @!p0 [hbm:s0], s1  }
0x74: {  	s0 =	simm.s32 @!p0 $0x1  }
0x75: {  	_ =	swait.ge @!p0 [sflag:s0], s1  }
0x76: {  	s1 =	ssub.s32 @!p0 $0x0, s1;
	[sflag:s0] =	ssyncset.done @!p0 $0x0  }
0x77: {  	[sflag:s0] =	ssyncadd.s32 @!p0 s1  }
0x78: {  	[bflag:$0x3] =	sbarrier.arrive $0xFFFF  }
0x79: {  	_ =	shalt  }

</sc_bundles>
